<compile_context>
chip_gen: v7x
topology: tpu7x:2x2x1
jax: 0.10.2.dev20260603
libtpu: 0.0.44.dev20260713+nightly
codegen_flags: <defaults>
</compile_context>

<pallas_src>
import functools

import jax
import jax.numpy as jnp
from jax import lax
from jax.experimental import pallas as pl
from jax.experimental.pallas import tpu as pltpu
from jax.experimental.pallas import tpu_sc as plsc

N = 10000
E = 320000
C = 128
NB = 3

NC = 2
NS = 16
K = 128
STEPS0 = 98
STEPS1 = 59
TOT0 = NS * STEPS0 * K
TOT1 = NS * STEPS1 * K
ROWS_PER_TILE = 632
NP = NS * ROWS_PER_TILE



def _edge_agg_body(y_hbm, src_hbm, dst_hbm, zeros_hbm, out_hbm,
                   src_v, dst_v, rows_v, acc, g0):
    c = lax.axis_index("c")
    s = lax.axis_index("s")
    r0 = s * ROWS_PER_TILE

    pltpu.sync_copy(src_hbm.at[c, s], src_v)
    pltpu.sync_copy(dst_hbm.at[c, s], dst_v)
    pltpu.sync_copy(zeros_hbm.at[pl.ds(r0, ROWS_PER_TILE)],
                    acc.at[pl.ds(r0, ROWS_PER_TILE)])
    plsc.subcore_barrier()

    nsteps = jnp.where(c == 0, STEPS0, STEPS1)

    def step(j, carry):
        pltpu.async_copy(y_hbm.at[src_v.at[j]], rows_v, g0).wait()
        pltpu.sync_copy(rows_v, acc.at[dst_v.at[j]], add=True)
        return carry

    lax.fori_loop(0, nsteps, step, 0)
    plsc.subcore_barrier()
    pltpu.sync_copy(acc.at[pl.ds(r0, ROWS_PER_TILE)],
                    out_hbm.at[c, pl.ds(r0, ROWS_PER_TILE)])


_edge_agg = pl.kernel(
    _edge_agg_body,
    out_type=jax.ShapeDtypeStruct((NC, NP, C), jnp.float32),
    mesh=plsc.VectorSubcoreMesh(core_axis_name="c", subcore_axis_name="s"),
    scratch_types=[
        pltpu.VMEM((STEPS0, K), jnp.int32),
        pltpu.VMEM((STEPS0, K), jnp.int32),
        pltpu.VMEM((K, C), jnp.float32),
        pltpu.VMEM_SHARED((NP, C), jnp.float32),
        pltpu.SemaphoreType.DMA,
    ],
)



def _mm2_body(h_ref, wn_ref, ws_ref, b_ref, y_ref, base_ref):
    h = h_ref[...]
    y_ref[...] = jnp.dot(h, wn_ref[...], preferred_element_type=jnp.float32)
    base_ref[...] = (jnp.dot(h, ws_ref[...], preferred_element_type=jnp.float32)
                     + b_ref[...])


_mm2 = pl.pallas_call(
    _mm2_body,
    out_shape=(jax.ShapeDtypeStruct((N, C), jnp.float32),
               jax.ShapeDtypeStruct((N, C), jnp.float32)),
)


def _bn_finish(parts_ref, base_ref, g_ref, be_ref, idn_ref, *, residual):
    t = parts_ref[0, :N, :] + parts_ref[1, :N, :] + base_ref[...]
    mu = jnp.mean(t, axis=0, keepdims=True)
    d = t - mu
    var = jnp.mean(d * d, axis=0, keepdims=True)
    out = d * lax.rsqrt(var + 1e-3) * g_ref[...] + be_ref[...]
    if residual:
        out = out + idn_ref[...]
    return jnp.maximum(out, 0.0)


def _bn_body(parts_ref, base_ref, g_ref, be_ref, idn_ref, o_ref, *, residual):
    o_ref[...] = _bn_finish(parts_ref, base_ref, g_ref, be_ref, idn_ref,
                            residual=residual)


_bn_res = pl.pallas_call(
    functools.partial(_bn_body, residual=True),
    out_shape=jax.ShapeDtypeStruct((N, C), jnp.float32),
)


def _bnmm_body(parts_ref, base_ref, g_ref, be_ref, idn_ref,
               wn_ref, ws_ref, b_ref, h_ref, y_ref, nbase_ref, *, residual):
    h = _bn_finish(parts_ref, base_ref, g_ref, be_ref, idn_ref,
                   residual=residual)
    h_ref[...] = h
    y_ref[...] = jnp.dot(h, wn_ref[...], preferred_element_type=jnp.float32)
    nbase_ref[...] = (jnp.dot(h, ws_ref[...],
                              preferred_element_type=jnp.float32) + b_ref[...])


def _make_bnmm(residual):
    return pl.pallas_call(
        functools.partial(_bnmm_body, residual=residual),
        out_shape=(jax.ShapeDtypeStruct((N, C), jnp.float32),
                   jax.ShapeDtypeStruct((N, C), jnp.float32),
                   jax.ShapeDtypeStruct((N, C), jnp.float32)),
    )


_bnmm_plain = _make_bnmm(False)
_bnmm_res = _make_bnmm(True)



def kernel(x, edge_index, Wn, Ws, b, gamma, beta):
    src = edge_index[0].astype(jnp.int32)
    dst = edge_index[1].astype(jnp.int32)
    pad = TOT0 + TOT1 - E
    src = jnp.concatenate([src, jnp.zeros((pad,), jnp.int32)])
    dst = jnp.concatenate([dst, jnp.full((pad,), N, jnp.int32)])

    def _core_layout(a):
        a0 = a[:TOT0].reshape(1, NS, STEPS0, K)
        a1 = a[TOT0:].reshape(1, NS, STEPS1, K)
        a1 = jnp.pad(a1, ((0, 0), (0, 0), (0, STEPS0 - STEPS1), (0, 0)))
        return jnp.concatenate([a0, a1], axis=0)

    src_g = _core_layout(src)
    dst_g = _core_layout(dst)
    zeros = jnp.zeros((NP, C), jnp.float32)

    idn = x
    y, base = _mm2(x, Wn[0, 0], Ws[0, 0], b[0, 0][None])
    for t in range(2 * NB):
        i, j = divmod(t, 2)
        parts = _edge_agg(y, src_g, dst_g, zeros)
        if t == 2 * NB - 1:
            return _bn_res(parts, base, gamma[i, j][None], beta[i, j][None],
                           idn)
        ni, nj = divmod(t + 1, 2)
        fused = _bnmm_res if j == 1 else _bnmm_plain
        h, y, base = fused(parts, base, gamma[i, j][None], beta[i, j][None],
                           idn, Wn[ni, nj], Ws[ni, nj], b[ni, nj][None])
        if j == 1:
            idn = h

# --- scband reference (transcript-rebuilt; emitter-appended) ---
"""Pipeline reference for scband-sparse-encoder-voxel-ne-xt2-dfuse-7370163880455 (READ-ONLY COPY).

The authoritative reference and input builder live on the scoring server;
editing this copy changes nothing except your own understanding.
"""

import jax, jax.numpy as jnp
import numpy as np

N = 10000
E = 320000
C = 128
NB = 3

def setup_inputs(seed: int = 0):
    key = jax.random.key(seed)
    ks = jax.random.split(key, 6)
    x = jax.random.normal(ks[0], (N, C), dtype=jnp.float32)
    edge_index = jax.random.randint(ks[1], (2, E), 0, N).astype(jnp.int64)
    scale = 1.0 / np.sqrt(C)
    Wn = jax.random.normal(ks[2], (NB, 2, C, C), dtype=jnp.float32) * scale
    Ws = jax.random.normal(ks[3], (NB, 2, C, C), dtype=jnp.float32) * scale
    b = jnp.zeros((NB, 2, C), dtype=jnp.float32)
    gamma = jnp.ones((NB, 2, C), dtype=jnp.float32)
    beta = jnp.zeros((NB, 2, C), dtype=jnp.float32)
    return {"x": x, "edge_index": edge_index, "Wn": Wn, "Ws": Ws, "b": b, "gamma": gamma, "beta": beta}

def _bn(h, g, be, eps=1e-3):
    mu = jnp.mean(h, axis=0)
    var = jnp.var(h, axis=0)
    return (h - mu) * jax.lax.rsqrt(var + eps) * g + be

def _subm_conv(h, src, dst, Wn_i, Ws_i, b_i):
    # Submanifold sparse conv on active voxels as message passing:
    # transform at source nodes, gather along edges, scatter-add into dst voxels,
    # plus the center (self) tap of the kernel and bias.
    y = h @ Wn_i
    msg = jnp.take(y, src, axis=0)
    agg = jax.ops.segment_sum(msg, dst, num_segments=N)
    return agg + h @ Ws_i + b_i

def reference(x, edge_index, Wn, Ws, b, gamma, beta):
    src = edge_index[0]
    dst = edge_index[1]
    h = x
    for i in range(NB):
        identity = h
        out = _subm_conv(h, src, dst, Wn[i, 0], Ws[i, 0], b[i, 0])
        out = jax.nn.relu(_bn(out, gamma[i, 0], beta[i, 0]))
        out = _subm_conv(out, src, dst, Wn[i, 1], Ws[i, 1], b[i, 1])
        out = _bn(out, gamma[i, 1], beta[i, 1])
        h = jax.nn.relu(out + identity)
    return h

if __name__ == "__main__":
    import jax
    _d = setup_inputs()
    print(jax.jit(kernel)(*tuple(_d.values())))

</pallas_src>

<mosaic_0001>
#map = affine_map<(d0, d1) -> (0, 0)>
#map1 = affine_map<(d0, d1) -> (0, 0, 0, 0)>
#map2 = affine_map<(d0, d1) -> (0, 0, 0)>
module attributes {stable_mosaic.version = 14 : i64} {
  func.func @_edge_agg_body(%arg0: i32, %arg1: i32, %arg2: memref<10000x128xf32, #tpu.memory_space<hbm>>, %arg3: memref<2x16x98x128xi32, #tpu.memory_space<hbm>>, %arg4: memref<2x16x98x128xi32, #tpu.memory_space<hbm>>, %arg5: memref<10112x128xf32, #tpu.memory_space<hbm>>, %arg6: memref<2x10112x128xf32, #tpu.memory_space<hbm>>, %arg7: memref<98x128xi32, #tpu.memory_space<vmem>>, %arg8: memref<98x128xi32, #tpu.memory_space<vmem>>, %arg9: memref<128x128xf32, #tpu.memory_space<vmem>>, %arg10: memref<10112x128xf32, #tpu.memory_space<vmem_shared>>, %arg11: memref<!tpu.dma_semaphore, #tpu.memory_space<semaphore_mem>>) attributes {dimension_semantics = [#tpu.dimension_semantics<core_parallel>, #tpu.dimension_semantics<subcore_parallel>], iteration_bounds = array<i64: 2, 16>, scalar_prefetch = 0 : i64, scratch_operands = 5 : i64, tpu.core_type = #tpu.core_type<sc_vector_subcore>, window_params = [{transform_indices = #map}, {transform_indices = #map1}, {transform_indices = #map1}, {transform_indices = #map}, {transform_indices = #map2}]} {
    %mul3A = arith.constant 632 : i32
    %mul3A_0 = arith.muli %arg1, %mul3A : i32
    "tpu.region"() ({
      %run_scoped3A = tpu.sem_alloc : memref<!tpu.dma_semaphore, #tpu.memory_space<semaphore_mem>>
      %dma_start3A = arith.constant 0 : i32
      %dma_start3A_13 = arith.constant 0 : i32
      %dma_start3A_14 = tpu.memref_slice %arg3[%arg0, %arg1, %dma_start3A, %dma_start3A_13] : memref<2x16x98x128xi32, #tpu.memory_space<hbm>> -> memref<1x1x98x128xi32, #tpu.memory_space<hbm>>
      %dma_start3A_15 = tpu.memref_squeeze %dma_start3A_14 : memref<1x1x98x128xi32, #tpu.memory_space<hbm>> -> memref<98x128xi32, #tpu.memory_space<hbm>>
      %dma_start3A_16 = arith.constant 0 : i32
      %dma_start3A_17 = arith.constant 0 : i32
      %dma_start3A_18 = tpu.memref_slice %arg3[%arg0, %arg1, %dma_start3A_16, %dma_start3A_17] : memref<2x16x98x128xi32, #tpu.memory_space<hbm>> -> memref<1x1x98x128xi32, #tpu.memory_space<hbm>>
      %dma_start3A_19 = tpu.memref_squeeze %dma_start3A_18 : memref<1x1x98x128xi32, #tpu.memory_space<hbm>> -> memref<98x128xi32, #tpu.memory_space<hbm>>
      tpu.enqueue_dma source(%dma_start3A_19 : memref<98x128xi32, #tpu.memory_space<hbm>>) target(%arg7 : memref<98x128xi32, #tpu.memory_space<vmem>>) target_semaphore(%run_scoped3A : memref<!tpu.dma_semaphore, #tpu.memory_space<semaphore_mem>>)
      %dma_wait3A = arith.constant 0 : i32
      %dma_wait3A_20 = arith.constant 0 : i32
      %dma_wait3A_21 = tpu.memref_slice %arg3[%arg0, %arg1, %dma_wait3A, %dma_wait3A_20] : memref<2x16x98x128xi32, #tpu.memory_space<hbm>> -> memref<1x1x98x128xi32, #tpu.memory_space<hbm>>
      %dma_wait3A_22 = tpu.memref_squeeze %dma_wait3A_21 : memref<1x1x98x128xi32, #tpu.memory_space<hbm>> -> memref<98x128xi32, #tpu.memory_space<hbm>>
      %dma_wait3A_23 = arith.constant 0 : i32
      %dma_wait3A_24 = arith.constant 0 : i32
      %dma_wait3A_25 = tpu.memref_slice %arg3[%arg0, %arg1, %dma_wait3A_23, %dma_wait3A_24] : memref<2x16x98x128xi32, #tpu.memory_space<hbm>> -> memref<1x1x98x128xi32, #tpu.memory_space<hbm>>
      %dma_wait3A_26 = tpu.memref_squeeze %dma_wait3A_25 : memref<1x1x98x128xi32, #tpu.memory_space<hbm>> -> memref<98x128xi32, #tpu.memory_space<hbm>>
      tpu.wait_dma2 semaphore(%run_scoped3A : memref<!tpu.dma_semaphore, #tpu.memory_space<semaphore_mem>>) src(%dma_wait3A_26 : memref<98x128xi32, #tpu.memory_space<hbm>>) dst(%arg7 : memref<98x128xi32, #tpu.memory_space<vmem>>)
      tpu.yield
    }) : () -> ()
    "tpu.region"() ({
      %run_scoped3A = tpu.sem_alloc : memref<!tpu.dma_semaphore, #tpu.memory_space<semaphore_mem>>
      %dma_start3A = arith.constant 0 : i32
      %dma_start3A_13 = arith.constant 0 : i32
      %dma_start3A_14 = tpu.memref_slice %arg4[%arg0, %arg1, %dma_start3A, %dma_start3A_13] : memref<2x16x98x128xi32, #tpu.memory_space<hbm>> -> memref<1x1x98x128xi32, #tpu.memory_space<hbm>>
      %dma_start3A_15 = tpu.memref_squeeze %dma_start3A_14 : memref<1x1x98x128xi32, #tpu.memory_space<hbm>> -> memref<98x128xi32, #tpu.memory_space<hbm>>
      %dma_start3A_16 = arith.constant 0 : i32
      %dma_start3A_17 = arith.constant 0 : i32
      %dma_start3A_18 = tpu.memref_slice %arg4[%arg0, %arg1, %dma_start3A_16, %dma_start3A_17] : memref<2x16x98x128xi32, #tpu.memory_space<hbm>> -> memref<1x1x98x128xi32, #tpu.memory_space<hbm>>
      %dma_start3A_19 = tpu.memref_squeeze %dma_start3A_18 : memref<1x1x98x128xi32, #tpu.memory_space<hbm>> -> memref<98x128xi32, #tpu.memory_space<hbm>>
      tpu.enqueue_dma source(%dma_start3A_19 : memref<98x128xi32, #tpu.memory_space<hbm>>) target(%arg8 : memref<98x128xi32, #tpu.memory_space<vmem>>) target_semaphore(%run_scoped3A : memref<!tpu.dma_semaphore, #tpu.memory_space<semaphore_mem>>)
      %dma_wait3A = arith.constant 0 : i32
      %dma_wait3A_20 = arith.constant 0 : i32
      %dma_wait3A_21 = tpu.memref_slice %arg4[%arg0, %arg1, %dma_wait3A, %dma_wait3A_20] : memref<2x16x98x128xi32, #tpu.memory_space<hbm>> -> memref<1x1x98x128xi32, #tpu.memory_space<hbm>>
      %dma_wait3A_22 = tpu.memref_squeeze %dma_wait3A_21 : memref<1x1x98x128xi32, #tpu.memory_space<hbm>> -> memref<98x128xi32, #tpu.memory_space<hbm>>
      %dma_wait3A_23 = arith.constant 0 : i32
      %dma_wait3A_24 = arith.constant 0 : i32
      %dma_wait3A_25 = tpu.memref_slice %arg4[%arg0, %arg1, %dma_wait3A_23, %dma_wait3A_24] : memref<2x16x98x128xi32, #tpu.memory_space<hbm>> -> memref<1x1x98x128xi32, #tpu.memory_space<hbm>>
      %dma_wait3A_26 = tpu.memref_squeeze %dma_wait3A_25 : memref<1x1x98x128xi32, #tpu.memory_space<hbm>> -> memref<98x128xi32, #tpu.memory_space<hbm>>
      tpu.wait_dma2 semaphore(%run_scoped3A : memref<!tpu.dma_semaphore, #tpu.memory_space<semaphore_mem>>) src(%dma_wait3A_26 : memref<98x128xi32, #tpu.memory_space<hbm>>) dst(%arg8 : memref<98x128xi32, #tpu.memory_space<vmem>>)
      tpu.yield
    }) : () -> ()
    "tpu.region"() ({
      %run_scoped3A = tpu.sem_alloc : memref<!tpu.dma_semaphore, #tpu.memory_space<semaphore_mem>>
      %dma_start3A = arith.constant 0 : i32
      %dma_start3A_13 = tpu.memref_slice %arg10[%mul3A_0, %dma_start3A] : memref<10112x128xf32, #tpu.memory_space<vmem_shared>> -> memref<632x128xf32, #tpu.memory_space<vmem_shared>>
      %dma_start3A_14 = arith.constant 0 : i32
      %dma_start3A_15 = tpu.memref_slice %arg5[%mul3A_0, %dma_start3A_14] : memref<10112x128xf32, #tpu.memory_space<hbm>> -> memref<632x128xf32, #tpu.memory_space<hbm>>
      tpu.enqueue_dma source(%dma_start3A_15 : memref<632x128xf32, #tpu.memory_space<hbm>>) target(%dma_start3A_13 : memref<632x128xf32, #tpu.memory_space<vmem_shared>>) target_semaphore(%run_scoped3A : memref<!tpu.dma_semaphore, #tpu.memory_space<semaphore_mem>>)
      %dma_wait3A = arith.constant 0 : i32
      %dma_wait3A_16 = tpu.memref_slice %arg10[%mul3A_0, %dma_wait3A] : memref<10112x128xf32, #tpu.memory_space<vmem_shared>> -> memref<632x128xf32, #tpu.memory_space<vmem_shared>>
      %dma_wait3A_17 = arith.constant 0 : i32
      %dma_wait3A_18 = tpu.memref_slice %arg5[%mul3A_0, %dma_wait3A_17] : memref<10112x128xf32, #tpu.memory_space<hbm>> -> memref<632x128xf32, #tpu.memory_space<hbm>>
      tpu.wait_dma2 semaphore(%run_scoped3A : memref<!tpu.dma_semaphore, #tpu.memory_space<semaphore_mem>>) src(%dma_wait3A_18 : memref<632x128xf32, #tpu.memory_space<hbm>>) dst(%dma_wait3A_16 : memref<632x128xf32, #tpu.memory_space<vmem_shared>>)
      tpu.yield
    }) : () -> ()
    %barrier3A = arith.constant 0 : index
    tpu.barrier barrier_id(%barrier3A)
    %eq3A = arith.constant 0 : i32
    %eq3A_1 = arith.cmpi eq, %arg0, %eq3A : i32
    %jit3A = arith.constant 98 : i32
    %jit3A_2 = arith.constant 59 : i32
    %select_n3A = arith.select %eq3A_1, %jit3A, %jit3A_2 : i32
    %while3A = arith.constant 0 : i32
    %while3A_3 = arith.constant 0 : i32
    %while3A_4 = arith.subi %select_n3A, %while3A_3 : i32
    %while3A_5 = arith.addi %while3A_3, %while3A_4 : i32
    %while3A_6 = arith.constant 1 : i32
    %while3A_7 = arith.divsi %while3A_4, %while3A_6 : i32
    %while3A_8 = arith.muli %while3A_7, %while3A_6 : i32
    %while3A_9 = arith.addi %while3A_3, %while3A_8 : i32
    %while3A_10 = arith.constant 1 : i32
    scf.for %while3A_13 = %while3A_3 to %while3A_9 step %while3A_10  : i32 {
      %dma_start3A = arith.constant 0 : i32
      %dma_start3A_14 = tpu.memref_slice %arg7[%while3A_13, %dma_start3A] : memref<98x128xi32, #tpu.memory_space<vmem>> -> memref<1x128xi32, #tpu.memory_space<vmem>>
      %dma_start3A_15 = tpu.memref_squeeze %dma_start3A_14 : memref<1x128xi32, #tpu.memory_space<vmem>> -> memref<128xi32, #tpu.memory_space<vmem>>
      %dma_start3A_16 = arith.constant 0 : i32
      %dma_start3A_17 = arith.constant 0 : i32
      %dma_start3A_18 = tpu.memref_slice %arg2[%dma_start3A_16, %dma_start3A_17] : memref<10000x128xf32, #tpu.memory_space<hbm>> -> memref<10000x128xf32, #tpu.memory_space<hbm>>
      tpu.enqueue_indirect_dma source(%dma_start3A_18 : memref<10000x128xf32, #tpu.memory_space<hbm>>) target(%arg9 : memref<128x128xf32, #tpu.memory_space<vmem>>) offsets(%dma_start3A_15 : memref<128xi32, #tpu.memory_space<vmem>>) semaphore(%arg11 : memref<!tpu.dma_semaphore, #tpu.memory_space<semaphore_mem>>)
      %dma_wait3A = arith.constant 0 : i32
      %dma_wait3A_19 = tpu.memref_slice %arg7[%while3A_13, %dma_wait3A] : memref<98x128xi32, #tpu.memory_space<vmem>> -> memref<1x128xi32, #tpu.memory_space<vmem>>
      %dma_wait3A_20 = tpu.memref_squeeze %dma_wait3A_19 : memref<1x128xi32, #tpu.memory_space<vmem>> -> memref<128xi32, #tpu.memory_space<vmem>>
      %dma_wait3A_21 = arith.constant 0 : i32
      %dma_wait3A_22 = arith.constant 0 : i32
      %dma_wait3A_23 = tpu.memref_slice %arg2[%dma_wait3A_21, %dma_wait3A_22] : memref<10000x128xf32, #tpu.memory_space<hbm>> -> memref<10000x128xf32, #tpu.memory_space<hbm>>
      tpu.wait_indirect_dma semaphore(%arg11 : memref<!tpu.dma_semaphore, #tpu.memory_space<semaphore_mem>>) src(%dma_wait3A_23 : memref<10000x128xf32, #tpu.memory_space<hbm>>) dst(%arg9 : memref<128x128xf32, #tpu.memory_space<vmem>>)
      "tpu.region"() ({
        %run_scoped3A = tpu.sem_alloc : memref<!tpu.dma_semaphore, #tpu.memory_space<semaphore_mem>>
        %dma_start3A_24 = arith.constant 0 : i32
        %dma_start3A_25 = tpu.memref_slice %arg8[%while3A_13, %dma_start3A_24] : memref<98x128xi32, #tpu.memory_space<vmem>> -> memref<1x128xi32, #tpu.memory_space<vmem>>
        %dma_start3A_26 = tpu.memref_squeeze %dma_start3A_25 : memref<1x128xi32, #tpu.memory_space<vmem>> -> memref<128xi32, #tpu.memory_space<vmem>>
        %dma_start3A_27 = arith.constant 0 : i32
        %dma_start3A_28 = arith.constant 0 : i32
        %dma_start3A_29 = tpu.memref_slice %arg10[%dma_start3A_27, %dma_start3A_28] : memref<10112x128xf32, #tpu.memory_space<vmem_shared>> -> memref<10112x128xf32, #tpu.memory_space<vmem_shared>>
        tpu.enqueue_indirect_dma source(%arg9 : memref<128x128xf32, #tpu.memory_space<vmem>>) target(%dma_start3A_29 : memref<10112x128xf32, #tpu.memory_space<vmem_shared>>) offsets(%dma_start3A_26 : memref<128xi32, #tpu.memory_space<vmem>>) semaphore(%run_scoped3A : memref<!tpu.dma_semaphore, #tpu.memory_space<semaphore_mem>>) {add = true}
        %dma_wait3A_30 = arith.constant 0 : i32
        %dma_wait3A_31 = tpu.memref_slice %arg8[%while3A_13, %dma_wait3A_30] : memref<98x128xi32, #tpu.memory_space<vmem>> -> memref<1x128xi32, #tpu.memory_space<vmem>>
        %dma_wait3A_32 = tpu.memref_squeeze %dma_wait3A_31 : memref<1x128xi32, #tpu.memory_space<vmem>> -> memref<128xi32, #tpu.memory_space<vmem>>
        %dma_wait3A_33 = arith.constant 0 : i32
        %dma_wait3A_34 = arith.constant 0 : i32
        %dma_wait3A_35 = tpu.memref_slice %arg10[%dma_wait3A_33, %dma_wait3A_34] : memref<10112x128xf32, #tpu.memory_space<vmem_shared>> -> memref<10112x128xf32, #tpu.memory_space<vmem_shared>>
        tpu.wait_indirect_dma semaphore(%run_scoped3A : memref<!tpu.dma_semaphore, #tpu.memory_space<semaphore_mem>>) src(%arg9 : memref<128x128xf32, #tpu.memory_space<vmem>>) dst(%dma_wait3A_35 : memref<10112x128xf32, #tpu.memory_space<vmem_shared>>)
        tpu.yield
      }) : () -> ()
    }
    %while3A_11 = arith.constant 1 : i32
    scf.for %while3A_13 = %while3A_9 to %while3A_5 step %while3A_11  : i32 {
      %dma_start3A = arith.constant 0 : i32
      %dma_start3A_14 = tpu.memref_slice %arg7[%while3A_13, %dma_start3A] : memref<98x128xi32, #tpu.memory_space<vmem>> -> memref<1x128xi32, #tpu.memory_space<vmem>>
      %dma_start3A_15 = tpu.memref_squeeze %dma_start3A_14 : memref<1x128xi32, #tpu.memory_space<vmem>> -> memref<128xi32, #tpu.memory_space<vmem>>
      %dma_start3A_16 = arith.constant 0 : i32
      %dma_start3A_17 = arith.constant 0 : i32
      %dma_start3A_18 = tpu.memref_slice %arg2[%dma_start3A_16, %dma_start3A_17] : memref<10000x128xf32, #tpu.memory_space<hbm>> -> memref<10000x128xf32, #tpu.memory_space<hbm>>
      tpu.enqueue_indirect_dma source(%dma_start3A_18 : memref<10000x128xf32, #tpu.memory_space<hbm>>) target(%arg9 : memref<128x128xf32, #tpu.memory_space<vmem>>) offsets(%dma_start3A_15 : memref<128xi32, #tpu.memory_space<vmem>>) semaphore(%arg11 : memref<!tpu.dma_semaphore, #tpu.memory_space<semaphore_mem>>)
      %dma_wait3A = arith.constant 0 : i32
      %dma_wait3A_19 = tpu.memref_slice %arg7[%while3A_13, %dma_wait3A] : memref<98x128xi32, #tpu.memory_space<vmem>> -> memref<1x128xi32, #tpu.memory_space<vmem>>
      %dma_wait3A_20 = tpu.memref_squeeze %dma_wait3A_19 : memref<1x128xi32, #tpu.memory_space<vmem>> -> memref<128xi32, #tpu.memory_space<vmem>>
      %dma_wait3A_21 = arith.constant 0 : i32
      %dma_wait3A_22 = arith.constant 0 : i32
      %dma_wait3A_23 = tpu.memref_slice %arg2[%dma_wait3A_21, %dma_wait3A_22] : memref<10000x128xf32, #tpu.memory_space<hbm>> -> memref<10000x128xf32, #tpu.memory_space<hbm>>
      tpu.wait_indirect_dma semaphore(%arg11 : memref<!tpu.dma_semaphore, #tpu.memory_space<semaphore_mem>>) src(%dma_wait3A_23 : memref<10000x128xf32, #tpu.memory_space<hbm>>) dst(%arg9 : memref<128x128xf32, #tpu.memory_space<vmem>>)
      "tpu.region"() ({
        %run_scoped3A = tpu.sem_alloc : memref<!tpu.dma_semaphore, #tpu.memory_space<semaphore_mem>>
        %dma_start3A_24 = arith.constant 0 : i32
        %dma_start3A_25 = tpu.memref_slice %arg8[%while3A_13, %dma_start3A_24] : memref<98x128xi32, #tpu.memory_space<vmem>> -> memref<1x128xi32, #tpu.memory_space<vmem>>
        %dma_start3A_26 = tpu.memref_squeeze %dma_start3A_25 : memref<1x128xi32, #tpu.memory_space<vmem>> -> memref<128xi32, #tpu.memory_space<vmem>>
        %dma_start3A_27 = arith.constant 0 : i32
        %dma_start3A_28 = arith.constant 0 : i32
        %dma_start3A_29 = tpu.memref_slice %arg10[%dma_start3A_27, %dma_start3A_28] : memref<10112x128xf32, #tpu.memory_space<vmem_shared>> -> memref<10112x128xf32, #tpu.memory_space<vmem_shared>>
        tpu.enqueue_indirect_dma source(%arg9 : memref<128x128xf32, #tpu.memory_space<vmem>>) target(%dma_start3A_29 : memref<10112x128xf32, #tpu.memory_space<vmem_shared>>) offsets(%dma_start3A_26 : memref<128xi32, #tpu.memory_space<vmem>>) semaphore(%run_scoped3A : memref<!tpu.dma_semaphore, #tpu.memory_space<semaphore_mem>>) {add = true}
        %dma_wait3A_30 = arith.constant 0 : i32
        %dma_wait3A_31 = tpu.memref_slice %arg8[%while3A_13, %dma_wait3A_30] : memref<98x128xi32, #tpu.memory_space<vmem>> -> memref<1x128xi32, #tpu.memory_space<vmem>>
        %dma_wait3A_32 = tpu.memref_squeeze %dma_wait3A_31 : memref<1x128xi32, #tpu.memory_space<vmem>> -> memref<128xi32, #tpu.memory_space<vmem>>
        %dma_wait3A_33 = arith.constant 0 : i32
        %dma_wait3A_34 = arith.constant 0 : i32
        %dma_wait3A_35 = tpu.memref_slice %arg10[%dma_wait3A_33, %dma_wait3A_34] : memref<10112x128xf32, #tpu.memory_space<vmem_shared>> -> memref<10112x128xf32, #tpu.memory_space<vmem_shared>>
        tpu.wait_indirect_dma semaphore(%run_scoped3A : memref<!tpu.dma_semaphore, #tpu.memory_space<semaphore_mem>>) src(%arg9 : memref<128x128xf32, #tpu.memory_space<vmem>>) dst(%dma_wait3A_35 : memref<10112x128xf32, #tpu.memory_space<vmem_shared>>)
        tpu.yield
      }) : () -> ()
    }
    %barrier3A_12 = arith.constant 0 : index
    tpu.barrier barrier_id(%barrier3A_12)
    "tpu.region"() ({
      %run_scoped3A = tpu.sem_alloc : memref<!tpu.dma_semaphore, #tpu.memory_space<semaphore_mem>>
      %dma_start3A = arith.constant 0 : i32
      %dma_start3A_13 = tpu.memref_slice %arg6[%arg0, %mul3A_0, %dma_start3A] : memref<2x10112x128xf32, #tpu.memory_space<hbm>> -> memref<1x632x128xf32, #tpu.memory_space<hbm>>
      %dma_start3A_14 = tpu.memref_squeeze %dma_start3A_13 : memref<1x632x128xf32, #tpu.memory_space<hbm>> -> memref<632x128xf32, #tpu.memory_space<hbm>>
      %dma_start3A_15 = arith.constant 0 : i32
      %dma_start3A_16 = tpu.memref_slice %arg10[%mul3A_0, %dma_start3A_15] : memref<10112x128xf32, #tpu.memory_space<vmem_shared>> -> memref<632x128xf32, #tpu.memory_space<vmem_shared>>
      tpu.enqueue_dma source(%dma_start3A_16 : memref<632x128xf32, #tpu.memory_space<vmem_shared>>) target(%dma_start3A_14 : memref<632x128xf32, #tpu.memory_space<hbm>>) target_semaphore(%run_scoped3A : memref<!tpu.dma_semaphore, #tpu.memory_space<semaphore_mem>>)
      %dma_wait3A = arith.constant 0 : i32
      %dma_wait3A_17 = tpu.memref_slice %arg6[%arg0, %mul3A_0, %dma_wait3A] : memref<2x10112x128xf32, #tpu.memory_space<hbm>> -> memref<1x632x128xf32, #tpu.memory_space<hbm>>
      %dma_wait3A_18 = tpu.memref_squeeze %dma_wait3A_17 : memref<1x632x128xf32, #tpu.memory_space<hbm>> -> memref<632x128xf32, #tpu.memory_space<hbm>>
      %dma_wait3A_19 = arith.constant 0 : i32
      %dma_wait3A_20 = tpu.memref_slice %arg10[%mul3A_0, %dma_wait3A_19] : memref<10112x128xf32, #tpu.memory_space<vmem_shared>> -> memref<632x128xf32, #tpu.memory_space<vmem_shared>>
      tpu.wait_dma2 semaphore(%run_scoped3A : memref<!tpu.dma_semaphore, #tpu.memory_space<semaphore_mem>>) src(%dma_wait3A_20 : memref<632x128xf32, #tpu.memory_space<vmem_shared>>) dst(%dma_wait3A_18 : memref<632x128xf32, #tpu.memory_space<hbm>>)
      tpu.yield
    }) : () -> ()
    return
  }
}

#map = affine_map<(d0, d1) -> (0, 0)>
#map1 = affine_map<(d0, d1) -> (0, 0, 0, 0)>
#map2 = affine_map<(d0, d1) -> (0, 0, 0)>
module attributes {stable_mosaic.version = 14 : i64} {
  func.func @_edge_agg_body(%arg0: i32, %arg1: i32, %arg2: memref<10000x128xf32, #tpu.memory_space<hbm>>, %arg3: memref<2x16x98x128xi32, #tpu.memory_space<hbm>>, %arg4: memref<2x16x98x128xi32, #tpu.memory_space<hbm>>, %arg5: memref<10112x128xf32, #tpu.memory_space<hbm>>, %arg6: memref<2x10112x128xf32, #tpu.memory_space<hbm>>, %arg7: memref<98x128xi32, #tpu.memory_space<vmem>>, %arg8: memref<98x128xi32, #tpu.memory_space<vmem>>, %arg9: memref<128x128xf32, #tpu.memory_space<vmem>>, %arg10: memref<10112x128xf32, #tpu.memory_space<vmem_shared>>, %arg11: memref<!tpu.dma_semaphore, #tpu.memory_space<semaphore_mem>>) attributes {dimension_semantics = [#tpu.dimension_semantics<core_parallel>, #tpu.dimension_semantics<subcore_parallel>], iteration_bounds = array<i64: 2, 16>, scalar_prefetch = 0 : i64, scratch_operands = 5 : i64, tpu.core_type = #tpu.core_type<sc_vector_subcore>, window_params = [{transform_indices = #map}, {transform_indices = #map1}, {transform_indices = #map1}, {transform_indices = #map}, {transform_indices = #map2}]} {
    %mul3A = arith.constant 632 : i32
    %mul3A_0 = arith.muli %arg1, %mul3A : i32
    "tpu.region"() ({
      %run_scoped3A = tpu.sem_alloc : memref<!tpu.dma_semaphore, #tpu.memory_space<semaphore_mem>>
      %dma_start3A = arith.constant 0 : i32
      %dma_start3A_13 = arith.constant 0 : i32
      %dma_start3A_14 = tpu.memref_slice %arg3[%arg0, %arg1, %dma_start3A, %dma_start3A_13] : memref<2x16x98x128xi32, #tpu.memory_space<hbm>> -> memref<1x1x98x128xi32, #tpu.memory_space<hbm>>
      %dma_start3A_15 = tpu.memref_squeeze %dma_start3A_14 : memref<1x1x98x128xi32, #tpu.memory_space<hbm>> -> memref<98x128xi32, #tpu.memory_space<hbm>>
      %dma_start3A_16 = arith.constant 0 : i32
      %dma_start3A_17 = arith.constant 0 : i32
      %dma_start3A_18 = tpu.memref_slice %arg3[%arg0, %arg1, %dma_start3A_16, %dma_start3A_17] : memref<2x16x98x128xi32, #tpu.memory_space<hbm>> -> memref<1x1x98x128xi32, #tpu.memory_space<hbm>>
      %dma_start3A_19 = tpu.memref_squeeze %dma_start3A_18 : memref<1x1x98x128xi32, #tpu.memory_space<hbm>> -> memref<98x128xi32, #tpu.memory_space<hbm>>
      tpu.enqueue_dma source(%dma_start3A_19 : memref<98x128xi32, #tpu.memory_space<hbm>>) target(%arg7 : memref<98x128xi32, #tpu.memory_space<vmem>>) target_semaphore(%run_scoped3A : memref<!tpu.dma_semaphore, #tpu.memory_space<semaphore_mem>>)
      %dma_wait3A = arith.constant 0 : i32
      %dma_wait3A_20 = arith.constant 0 : i32
      %dma_wait3A_21 = tpu.memref_slice %arg3[%arg0, %arg1, %dma_wait3A, %dma_wait3A_20] : memref<2x16x98x128xi32, #tpu.memory_space<hbm>> -> memref<1x1x98x128xi32, #tpu.memory_space<hbm>>
      %dma_wait3A_22 = tpu.memref_squeeze %dma_wait3A_21 : memref<1x1x98x128xi32, #tpu.memory_space<hbm>> -> memref<98x128xi32, #tpu.memory_space<hbm>>
      %dma_wait3A_23 = arith.constant 0 : i32
      %dma_wait3A_24 = arith.constant 0 : i32
      %dma_wait3A_25 = tpu.memref_slice %arg3[%arg0, %arg1, %dma_wait3A_23, %dma_wait3A_24] : memref<2x16x98x128xi32, #tpu.memory_space<hbm>> -> memref<1x1x98x128xi32, #tpu.memory_space<hbm>>
      %dma_wait3A_26 = tpu.memref_squeeze %dma_wait3A_25 : memref<1x1x98x128xi32, #tpu.memory_space<hbm>> -> memref<98x128xi32, #tpu.memory_space<hbm>>
      tpu.wait_dma2 semaphore(%run_scoped3A : memref<!tpu.dma_semaphore, #tpu.memory_space<semaphore_mem>>) src(%dma_wait3A_26 : memref<98x128xi32, #tpu.memory_space<hbm>>) dst(%arg7 : memref<98x128xi32, #tpu.memory_space<vmem>>)
      tpu.yield
    }) : () -> ()
    "tpu.region"() ({
      %run_scoped3A = tpu.sem_alloc : memref<!tpu.dma_semaphore, #tpu.memory_space<semaphore_mem>>
      %dma_start3A = arith.constant 0 : i32
      %dma_start3A_13 = arith.constant 0 : i32
      %dma_start3A_14 = tpu.memref_slice %arg4[%arg0, %arg1, %dma_start3A, %dma_start3A_13] : memref<2x16x98x128xi32, #tpu.memory_space<hbm>> -> memref<1x1x98x128xi32, #tpu.memory_space<hbm>>
      %dma_start3A_15 = tpu.memref_squeeze %dma_start3A_14 : memref<1x1x98x128xi32, #tpu.memory_space<hbm>> -> memref<98x128xi32, #tpu.memory_space<hbm>>
      %dma_start3A_16 = arith.constant 0 : i32
      %dma_start3A_17 = arith.constant 0 : i32
      %dma_start3A_18 = tpu.memref_slice %arg4[%arg0, %arg1, %dma_start3A_16, %dma_start3A_17] : memref<2x16x98x128xi32, #tpu.memory_space<hbm>> -> memref<1x1x98x128xi32, #tpu.memory_space<hbm>>
      %dma_start3A_19 = tpu.memref_squeeze %dma_start3A_18 : memref<1x1x98x128xi32, #tpu.memory_space<hbm>> -> memref<98x128xi32, #tpu.memory_space<hbm>>
      tpu.enqueue_dma source(%dma_start3A_19 : memref<98x128xi32, #tpu.memory_space<hbm>>) target(%arg8 : memref<98x128xi32, #tpu.memory_space<vmem>>) target_semaphore(%run_scoped3A : memref<!tpu.dma_semaphore, #tpu.memory_space<semaphore_mem>>)
      %dma_wait3A = arith.constant 0 : i32
      %dma_wait3A_20 = arith.constant 0 : i32
      %dma_wait3A_21 = tpu.memref_slice %arg4[%arg0, %arg1, %dma_wait3A, %dma_wait3A_20] : memref<2x16x98x128xi32, #tpu.memory_space<hbm>> -> memref<1x1x98x128xi32, #tpu.memory_space<hbm>>
      %dma_wait3A_22 = tpu.memref_squeeze %dma_wait3A_21 : memref<1x1x98x128xi32, #tpu.memory_space<hbm>> -> memref<98x128xi32, #tpu.memory_space<hbm>>
      %dma_wait3A_23 = arith.constant 0 : i32
      %dma_wait3A_24 = arith.constant 0 : i32
      %dma_wait3A_25 = tpu.memref_slice %arg4[%arg0, %arg1, %dma_wait3A_23, %dma_wait3A_24] : memref<2x16x98x128xi32, #tpu.memory_space<hbm>> -> memref<1x1x98x128xi32, #tpu.memory_space<hbm>>
      %dma_wait3A_26 = tpu.memref_squeeze %dma_wait3A_25 : memref<1x1x98x128xi32, #tpu.memory_space<hbm>> -> memref<98x128xi32, #tpu.memory_space<hbm>>
      tpu.wait_dma2 semaphore(%run_scoped3A : memref<!tpu.dma_semaphore, #tpu.memory_space<semaphore_mem>>) src(%dma_wait3A_26 : memref<98x128xi32, #tpu.memory_space<hbm>>) dst(%arg8 : memref<98x128xi32, #tpu.memory_space<vmem>>)
      tpu.yield
    }) : () -> ()
    "tpu.region"() ({
      %run_scoped3A = tpu.sem_alloc : memref<!tpu.dma_semaphore, #tpu.memory_space<semaphore_mem>>
      %dma_start3A = arith.constant 0 : i32
      %dma_start3A_13 = tpu.memref_slice %arg10[%mul3A_0, %dma_start3A] : memref<10112x128xf32, #tpu.memory_space<vmem_shared>> -> memref<632x128xf32, #tpu.memory_space<vmem_shared>>
      %dma_start3A_14 = arith.constant 0 : i32
      %dma_start3A_15 = tpu.memref_slice %arg5[%mul3A_0, %dma_start3A_14] : memref<10112x128xf32, #tpu.memory_space<hbm>> -> memref<632x128xf32, #tpu.memory_space<hbm>>
      tpu.enqueue_dma source(%dma_start3A_15 : memref<632x128xf32, #tpu.memory_space<hbm>>) target(%dma_start3A_13 : memref<632x128xf32, #tpu.memory_space<vmem_shared>>) target_semaphore(%run_scoped3A : memref<!tpu.dma_semaphore, #tpu.memory_space<semaphore_mem>>)
      %dma_wait3A = arith.constant 0 : i32
      %dma_wait3A_16 = tpu.memref_slice %arg10[%mul3A_0, %dma_wait3A] : memref<10112x128xf32, #tpu.memory_space<vmem_shared>> -> memref<632x128xf32, #tpu.memory_space<vmem_shared>>
      %dma_wait3A_17 = arith.constant 0 : i32
      %dma_wait3A_18 = tpu.memref_slice %arg5[%mul3A_0, %dma_wait3A_17] : memref<10112x128xf32, #tpu.memory_space<hbm>> -> memref<632x128xf32, #tpu.memory_space<hbm>>
      tpu.wait_dma2 semaphore(%run_scoped3A : memref<!tpu.dma_semaphore, #tpu.memory_space<semaphore_mem>>) src(%dma_wait3A_18 : memref<632x128xf32, #tpu.memory_space<hbm>>) dst(%dma_wait3A_16 : memref<632x128xf32, #tpu.memory_space<vmem_shared>>)
      tpu.yield
    }) : () -> ()
    %barrier3A = arith.constant 0 : index
    tpu.barrier barrier_id(%barrier3A)
    %eq3A = arith.constant 0 : i32
    %eq3A_1 = arith.cmpi eq, %arg0, %eq3A : i32
    %jit3A = arith.constant 98 : i32
    %jit3A_2 = arith.constant 59 : i32
    %select_n3A = arith.select %eq3A_1, %jit3A, %jit3A_2 : i32
    %while3A = arith.constant 0 : i32
    %while3A_3 = arith.constant 0 : i32
    %while3A_4 = arith.subi %select_n3A, %while3A_3 : i32
    %while3A_5 = arith.addi %while3A_3, %while3A_4 : i32
    %while3A_6 = arith.constant 1 : i32
    %while3A_7 = arith.divsi %while3A_4, %while3A_6 : i32
    %while3A_8 = arith.muli %while3A_7, %while3A_6 : i32
    %while3A_9 = arith.addi %while3A_3, %while3A_8 : i32
    %while3A_10 = arith.constant 1 : i32
    scf.for %while3A_13 = %while3A_3 to %while3A_9 step %while3A_10  : i32 {
      %dma_start3A = arith.constant 0 : i32
      %dma_start3A_14 = tpu.memref_slice %arg7[%while3A_13, %dma_start3A] : memref<98x128xi32, #tpu.memory_space<vmem>> -> memref<1x128xi32, #tpu.memory_space<vmem>>
      %dma_start3A_15 = tpu.memref_squeeze %dma_start3A_14 : memref<1x128xi32, #tpu.memory_space<vmem>> -> memref<128xi32, #tpu.memory_space<vmem>>
      %dma_start3A_16 = arith.constant 0 : i32
      %dma_start3A_17 = arith.constant 0 : i32
      %dma_start3A_18 = tpu.memref_slice %arg2[%dma_start3A_16, %dma_start3A_17] : memref<10000x128xf32, #tpu.memory_space<hbm>> -> memref<10000x128xf32, #tpu.memory_space<hbm>>
      tpu.enqueue_indirect_dma source(%dma_start3A_18 : memref<10000x128xf32, #tpu.memory_space<hbm>>) target(%arg9 : memref<128x128xf32, #tpu.memory_space<vmem>>) offsets(%dma_start3A_15 : memref<128xi32, #tpu.memory_space<vmem>>) semaphore(%arg11 : memref<!tpu.dma_semaphore, #tpu.memory_space<semaphore_mem>>)
      %dma_wait3A = arith.constant 0 : i32
      %dma_wait3A_19 = tpu.memref_slice %arg7[%while3A_13, %dma_wait3A] : memref<98x128xi32, #tpu.memory_space<vmem>> -> memref<1x128xi32, #tpu.memory_space<vmem>>
      %dma_wait3A_20 = tpu.memref_squeeze %dma_wait3A_19 : memref<1x128xi32, #tpu.memory_space<vmem>> -> memref<128xi32, #tpu.memory_space<vmem>>
      %dma_wait3A_21 = arith.constant 0 : i32
      %dma_wait3A_22 = arith.constant 0 : i32
      %dma_wait3A_23 = tpu.memref_slice %arg2[%dma_wait3A_21, %dma_wait3A_22] : memref<10000x128xf32, #tpu.memory_space<hbm>> -> memref<10000x128xf32, #tpu.memory_space<hbm>>
      tpu.wait_indirect_dma semaphore(%arg11 : memref<!tpu.dma_semaphore, #tpu.memory_space<semaphore_mem>>) src(%dma_wait3A_23 : memref<10000x128xf32, #tpu.memory_space<hbm>>) dst(%arg9 : memref<128x128xf32, #tpu.memory_space<vmem>>)
      "tpu.region"() ({
        %run_scoped3A = tpu.sem_alloc : memref<!tpu.dma_semaphore, #tpu.memory_space<semaphore_mem>>
        %dma_start3A_24 = arith.constant 0 : i32
        %dma_start3A_25 = tpu.memref_slice %arg8[%while3A_13, %dma_start3A_24] : memref<98x128xi32, #tpu.memory_space<vmem>> -> memref<1x128xi32, #tpu.memory_space<vmem>>
        %dma_start3A_26 = tpu.memref_squeeze %dma_start3A_25 : memref<1x128xi32, #tpu.memory_space<vmem>> -> memref<128xi32, #tpu.memory_space<vmem>>
        %dma_start3A_27 = arith.constant 0 : i32
        %dma_start3A_28 = arith.constant 0 : i32
        %dma_start3A_29 = tpu.memref_slice %arg10[%dma_start3A_27, %dma_start3A_28] : memref<10112x128xf32, #tpu.memory_space<vmem_shared>> -> memref<10112x128xf32, #tpu.memory_space<vmem_shared>>
        tpu.enqueue_indirect_dma source(%arg9 : memref<128x128xf32, #tpu.memory_space<vmem>>) target(%dma_start3A_29 : memref<10112x128xf32, #tpu.memory_space<vmem_shared>>) offsets(%dma_start3A_26 : memref<128xi32, #tpu.memory_space<vmem>>) semaphore(%run_scoped3A : memref<!tpu.dma_semaphore, #tpu.memory_space<semaphore_mem>>) {add = true}
        %dma_wait3A_30 = arith.constant 0 : i32
        %dma_wait3A_31 = tpu.memref_slice %arg8[%while3A_13, %dma_wait3A_30] : memref<98x128xi32, #tpu.memory_space<vmem>> -> memref<1x128xi32, #tpu.memory_space<vmem>>
        %dma_wait3A_32 = tpu.memref_squeeze %dma_wait3A_31 : memref<1x128xi32, #tpu.memory_space<vmem>> -> memref<128xi32, #tpu.memory_space<vmem>>
        %dma_wait3A_33 = arith.constant 0 : i32
        %dma_wait3A_34 = arith.constant 0 : i32
        %dma_wait3A_35 = tpu.memref_slice %arg10[%dma_wait3A_33, %dma_wait3A_34] : memref<10112x128xf32, #tpu.memory_space<vmem_shared>> -> memref<10112x128xf32, #tpu.memory_space<vmem_shared>>
        tpu.wait_indirect_dma semaphore(%run_scoped3A : memref<!tpu.dma_semaphore, #tpu.memory_space<semaphore_mem>>) src(%arg9 : memref<128x128xf32, #tpu.memory_space<vmem>>) dst(%dma_wait3A_35 : memref<10112x128xf32, #tpu.memory_space<vmem_shared>>)
        tpu.yield
      }) : () -> ()
    }
    %while3A_11 = arith.constant 1 : i32
    scf.for %while3A_13 = %while3A_9 to %while3A_5 step %while3A_11  : i32 {
      %dma_start3A = arith.constant 0 : i32
      %dma_start3A_14 = tpu.memref_slice %arg7[%while3A_13, %dma_start3A] : memref<98x128xi32, #tpu.memory_space<vmem>> -> memref<1x128xi32, #tpu.memory_space<vmem>>
      %dma_start3A_15 = tpu.memref_squeeze %dma_start3A_14 : memref<1x128xi32, #tpu.memory_space<vmem>> -> memref<128xi32, #tpu.memory_space<vmem>>
      %dma_start3A_16 = arith.constant 0 : i32
      %dma_start3A_17 = arith.constant 0 : i32
      %dma_start3A_18 = tpu.memref_slice %arg2[%dma_start3A_16, %dma_start3A_17] : memref<10000x128xf32, #tpu.memory_space<hbm>> -> memref<10000x128xf32, #tpu.memory_space<hbm>>
      tpu.enqueue_indirect_dma source(%dma_start3A_18 : memref<10000x128xf32, #tpu.memory_space<hbm>>) target(%arg9 : memref<128x128xf32, #tpu.memory_space<vmem>>) offsets(%dma_start3A_15 : memref<128xi32, #tpu.memory_space<vmem>>) semaphore(%arg11 : memref<!tpu.dma_semaphore, #tpu.memory_space<semaphore_mem>>)
      %dma_wait3A = arith.constant 0 : i32
      %dma_wait3A_19 = tpu.memref_slice %arg7[%while3A_13, %dma_wait3A] : memref<98x128xi32, #tpu.memory_space<vmem>> -> memref<1x128xi32, #tpu.memory_space<vmem>>
      %dma_wait3A_20 = tpu.memref_squeeze %dma_wait3A_19 : memref<1x128xi32, #tpu.memory_space<vmem>> -> memref<128xi32, #tpu.memory_space<vmem>>
      %dma_wait3A_21 = arith.constant 0 : i32
      %dma_wait3A_22 = arith.constant 0 : i32
      %dma_wait3A_23 = tpu.memref_slice %arg2[%dma_wait3A_21, %dma_wait3A_22] : memref<10000x128xf32, #tpu.memory_space<hbm>> -> memref<10000x128xf32, #tpu.memory_space<hbm>>
      tpu.wait_indirect_dma semaphore(%arg11 : memref<!tpu.dma_semaphore, #tpu.memory_space<semaphore_mem>>) src(%dma_wait3A_23 : memref<10000x128xf32, #tpu.memory_space<hbm>>) dst(%arg9 : memref<128x128xf32, #tpu.memory_space<vmem>>)
      "tpu.region"() ({
        %run_scoped3A = tpu.sem_alloc : memref<!tpu.dma_semaphore, #tpu.memory_space<semaphore_mem>>
        %dma_start3A_24 = arith.constant 0 : i32
        %dma_start3A_25 = tpu.memref_slice %arg8[%while3A_13, %dma_start3A_24] : memref<98x128xi32, #tpu.memory_space<vmem>> -> memref<1x128xi32, #tpu.memory_space<vmem>>
        %dma_start3A_26 = tpu.memref_squeeze %dma_start3A_25 : memref<1x128xi32, #tpu.memory_space<vmem>> -> memref<128xi32, #tpu.memory_space<vmem>>
        %dma_start3A_27 = arith.constant 0 : i32
        %dma_start3A_28 = arith.constant 0 : i32
        %dma_start3A_29 = tpu.memref_slice %arg10[%dma_start3A_27, %dma_start3A_28] : memref<10112x128xf32, #tpu.memory_space<vmem_shared>> -> memref<10112x128xf32, #tpu.memory_space<vmem_shared>>
        tpu.enqueue_indirect_dma source(%arg9 : memref<128x128xf32, #tpu.memory_space<vmem>>) target(%dma_start3A_29 : memref<10112x128xf32, #tpu.memory_space<vmem_shared>>) offsets(%dma_start3A_26 : memref<128xi32, #tpu.memory_space<vmem>>) semaphore(%run_scoped3A : memref<!tpu.dma_semaphore, #tpu.memory_space<semaphore_mem>>) {add = true}
        %dma_wait3A_30 = arith.constant 0 : i32
        %dma_wait3A_31 = tpu.memref_slice %arg8[%while3A_13, %dma_wait3A_30] : memref<98x128xi32, #tpu.memory_space<vmem>> -> memref<1x128xi32, #tpu.memory_space<vmem>>
        %dma_wait3A_32 = tpu.memref_squeeze %dma_wait3A_31 : memref<1x128xi32, #tpu.memory_space<vmem>> -> memref<128xi32, #tpu.memory_space<vmem>>
        %dma_wait3A_33 = arith.constant 0 : i32
        %dma_wait3A_34 = arith.constant 0 : i32
        %dma_wait3A_35 = tpu.memref_slice %arg10[%dma_wait3A_33, %dma_wait3A_34] : memref<10112x128xf32, #tpu.memory_space<vmem_shared>> -> memref<10112x128xf32, #tpu.memory_space<vmem_shared>>
        tpu.wait_indirect_dma semaphore(%run_scoped3A : memref<!tpu.dma_semaphore, #tpu.memory_space<semaphore_mem>>) src(%arg9 : memref<128x128xf32, #tpu.memory_space<vmem>>) dst(%dma_wait3A_35 : memref<10112x128xf32, #tpu.memory_space<vmem_shared>>)
        tpu.yield
      }) : () -> ()
    }
    %barrier3A_12 = arith.constant 0 : index
    tpu.barrier barrier_id(%barrier3A_12)
    "tpu.region"() ({
      %run_scoped3A = tpu.sem_alloc : memref<!tpu.dma_semaphore, #tpu.memory_space<semaphore_mem>>
      %dma_start3A = arith.constant 0 : i32
      %dma_start3A_13 = tpu.memref_slice %arg6[%arg0, %mul3A_0, %dma_start3A] : memref<2x10112x128xf32, #tpu.memory_space<hbm>> -> memref<1x632x128xf32, #tpu.memory_space<hbm>>
      %dma_start3A_14 = tpu.memref_squeeze %dma_start3A_13 : memref<1x632x128xf32, #tpu.memory_space<hbm>> -> memref<632x128xf32, #tpu.memory_space<hbm>>
      %dma_start3A_15 = arith.constant 0 : i32
      %dma_start3A_16 = tpu.memref_slice %arg10[%mul3A_0, %dma_start3A_15] : memref<10112x128xf32, #tpu.memory_space<vmem_shared>> -> memref<632x128xf32, #tpu.memory_space<vmem_shared>>
      tpu.enqueue_dma source(%dma_start3A_16 : memref<632x128xf32, #tpu.memory_space<vmem_shared>>) target(%dma_start3A_14 : memref<632x128xf32, #tpu.memory_space<hbm>>) target_semaphore(%run_scoped3A : memref<!tpu.dma_semaphore, #tpu.memory_space<semaphore_mem>>)
      %dma_wait3A = arith.constant 0 : i32
      %dma_wait3A_17 = tpu.memref_slice %arg6[%arg0, %mul3A_0, %dma_wait3A] : memref<2x10112x128xf32, #tpu.memory_space<hbm>> -> memref<1x632x128xf32, #tpu.memory_space<hbm>>
      %dma_wait3A_18 = tpu.memref_squeeze %dma_wait3A_17 : memref<1x632x128xf32, #tpu.memory_space<hbm>> -> memref<632x128xf32, #tpu.memory_space<hbm>>
      %dma_wait3A_19 = arith.constant 0 : i32
      %dma_wait3A_20 = tpu.memref_slice %arg10[%mul3A_0, %dma_wait3A_19] : memref<10112x128xf32, #tpu.memory_space<vmem_shared>> -> memref<632x128xf32, #tpu.memory_space<vmem_shared>>
      tpu.wait_dma2 semaphore(%run_scoped3A : memref<!tpu.dma_semaphore, #tpu.memory_space<semaphore_mem>>) src(%dma_wait3A_20 : memref<632x128xf32, #tpu.memory_space<vmem_shared>>) dst(%dma_wait3A_18 : memref<632x128xf32, #tpu.memory_space<hbm>>)
      tpu.yield
    }) : () -> ()
    return
  }
}

#map = affine_map<(d0, d1) -> (0, 0)>
#map1 = affine_map<(d0, d1) -> (0, 0, 0, 0)>
#map2 = affine_map<(d0, d1) -> (0, 0, 0)>
module attributes {stable_mosaic.version = 14 : i64} {
  func.func @_edge_agg_body(%arg0: i32, %arg1: i32, %arg2: memref<10000x128xf32, #tpu.memory_space<hbm>>, %arg3: memref<2x16x98x128xi32, #tpu.memory_space<hbm>>, %arg4: memref<2x16x98x128xi32, #tpu.memory_space<hbm>>, %arg5: memref<10112x128xf32, #tpu.memory_space<hbm>>, %arg6: memref<2x10112x128xf32, #tpu.memory_space<hbm>>, %arg7: memref<98x128xi32, #tpu.memory_space<vmem>>, %arg8: memref<98x128xi32, #tpu.memory_space<vmem>>, %arg9: memref<128x128xf32, #tpu.memory_space<vmem>>, %arg10: memref<10112x128xf32, #tpu.memory_space<vmem_shared>>, %arg11: memref<!tpu.dma_semaphore, #tpu.memory_space<semaphore_mem>>) attributes {dimension_semantics = [#tpu.dimension_semantics<core_parallel>, #tpu.dimension_semantics<subcore_parallel>], iteration_bounds = array<i64: 2, 16>, scalar_prefetch = 0 : i64, scratch_operands = 5 : i64, tpu.core_type = #tpu.core_type<sc_vector_subcore>, window_params = [{transform_indices = #map}, {transform_indices = #map1}, {transform_indices = #map1}, {transform_indices = #map}, {transform_indices = #map2}]} {
    %mul3A = arith.constant 632 : i32
    %mul3A_0 = arith.muli %arg1, %mul3A : i32
    "tpu.region"() ({
      %run_scoped3A = tpu.sem_alloc : memref<!tpu.dma_semaphore, #tpu.memory_space<semaphore_mem>>
      %dma_start3A = arith.constant 0 : i32
      %dma_start3A_13 = arith.constant 0 : i32
      %dma_start3A_14 = tpu.memref_slice %arg3[%arg0, %arg1, %dma_start3A, %dma_start3A_13] : memref<2x16x98x128xi32, #tpu.memory_space<hbm>> -> memref<1x1x98x128xi32, #tpu.memory_space<hbm>>
      %dma_start3A_15 = tpu.memref_squeeze %dma_start3A_14 : memref<1x1x98x128xi32, #tpu.memory_space<hbm>> -> memref<98x128xi32, #tpu.memory_space<hbm>>
      %dma_start3A_16 = arith.constant 0 : i32
      %dma_start3A_17 = arith.constant 0 : i32
      %dma_start3A_18 = tpu.memref_slice %arg3[%arg0, %arg1, %dma_start3A_16, %dma_start3A_17] : memref<2x16x98x128xi32, #tpu.memory_space<hbm>> -> memref<1x1x98x128xi32, #tpu.memory_space<hbm>>
      %dma_start3A_19 = tpu.memref_squeeze %dma_start3A_18 : memref<1x1x98x128xi32, #tpu.memory_space<hbm>> -> memref<98x128xi32, #tpu.memory_space<hbm>>
      tpu.enqueue_dma source(%dma_start3A_19 : memref<98x128xi32, #tpu.memory_space<hbm>>) target(%arg7 : memref<98x128xi32, #tpu.memory_space<vmem>>) target_semaphore(%run_scoped3A : memref<!tpu.dma_semaphore, #tpu.memory_space<semaphore_mem>>)
      %dma_wait3A = arith.constant 0 : i32
      %dma_wait3A_20 = arith.constant 0 : i32
      %dma_wait3A_21 = tpu.memref_slice %arg3[%arg0, %arg1, %dma_wait3A, %dma_wait3A_20] : memref<2x16x98x128xi32, #tpu.memory_space<hbm>> -> memref<1x1x98x128xi32, #tpu.memory_space<hbm>>
      %dma_wait3A_22 = tpu.memref_squeeze %dma_wait3A_21 : memref<1x1x98x128xi32, #tpu.memory_space<hbm>> -> memref<98x128xi32, #tpu.memory_space<hbm>>
      %dma_wait3A_23 = arith.constant 0 : i32
      %dma_wait3A_24 = arith.constant 0 : i32
      %dma_wait3A_25 = tpu.memref_slice %arg3[%arg0, %arg1, %dma_wait3A_23, %dma_wait3A_24] : memref<2x16x98x128xi32, #tpu.memory_space<hbm>> -> memref<1x1x98x128xi32, #tpu.memory_space<hbm>>
      %dma_wait3A_26 = tpu.memref_squeeze %dma_wait3A_25 : memref<1x1x98x128xi32, #tpu.memory_space<hbm>> -> memref<98x128xi32, #tpu.memory_space<hbm>>
      tpu.wait_dma2 semaphore(%run_scoped3A : memref<!tpu.dma_semaphore, #tpu.memory_space<semaphore_mem>>) src(%dma_wait3A_26 : memref<98x128xi32, #tpu.memory_space<hbm>>) dst(%arg7 : memref<98x128xi32, #tpu.memory_space<vmem>>)
      tpu.yield
    }) : () -> ()
    "tpu.region"() ({
      %run_scoped3A = tpu.sem_alloc : memref<!tpu.dma_semaphore, #tpu.memory_space<semaphore_mem>>
      %dma_start3A = arith.constant 0 : i32
      %dma_start3A_13 = arith.constant 0 : i32
      %dma_start3A_14 = tpu.memref_slice %arg4[%arg0, %arg1, %dma_start3A, %dma_start3A_13] : memref<2x16x98x128xi32, #tpu.memory_space<hbm>> -> memref<1x1x98x128xi32, #tpu.memory_space<hbm>>
      %dma_start3A_15 = tpu.memref_squeeze %dma_start3A_14 : memref<1x1x98x128xi32, #tpu.memory_space<hbm>> -> memref<98x128xi32, #tpu.memory_space<hbm>>
      %dma_start3A_16 = arith.constant 0 : i32
      %dma_start3A_17 = arith.constant 0 : i32
      %dma_start3A_18 = tpu.memref_slice %arg4[%arg0, %arg1, %dma_start3A_16, %dma_start3A_17] : memref<2x16x98x128xi32, #tpu.memory_space<hbm>> -> memref<1x1x98x128xi32, #tpu.memory_space<hbm>>
      %dma_start3A_19 = tpu.memref_squeeze %dma_start3A_18 : memref<1x1x98x128xi32, #tpu.memory_space<hbm>> -> memref<98x128xi32, #tpu.memory_space<hbm>>
      tpu.enqueue_dma source(%dma_start3A_19 : memref<98x128xi32, #tpu.memory_space<hbm>>) target(%arg8 : memref<98x128xi32, #tpu.memory_space<vmem>>) target_semaphore(%run_scoped3A : memref<!tpu.dma_semaphore, #tpu.memory_space<semaphore_mem>>)
      %dma_wait3A = arith.constant 0 : i32
      %dma_wait3A_20 = arith.constant 0 : i32
      %dma_wait3A_21 = tpu.memref_slice %arg4[%arg0, %arg1, %dma_wait3A, %dma_wait3A_20] : memref<2x16x98x128xi32, #tpu.memory_space<hbm>> -> memref<1x1x98x128xi32, #tpu.memory_space<hbm>>
      %dma_wait3A_22 = tpu.memref_squeeze %dma_wait3A_21 : memref<1x1x98x128xi32, #tpu.memory_space<hbm>> -> memref<98x128xi32, #tpu.memory_space<hbm>>
      %dma_wait3A_23 = arith.constant 0 : i32
      %dma_wait3A_24 = arith.constant 0 : i32
      %dma_wait3A_25 = tpu.memref_slice %arg4[%arg0, %arg1, %dma_wait3A_23, %dma_wait3A_24] : memref<2x16x98x128xi32, #tpu.memory_space<hbm>> -> memref<1x1x98x128xi32, #tpu.memory_space<hbm>>
      %dma_wait3A_26 = tpu.memref_squeeze %dma_wait3A_25 : memref<1x1x98x128xi32, #tpu.memory_space<hbm>> -> memref<98x128xi32, #tpu.memory_space<hbm>>
      tpu.wait_dma2 semaphore(%run_scoped3A : memref<!tpu.dma_semaphore, #tpu.memory_space<semaphore_mem>>) src(%dma_wait3A_26 : memref<98x128xi32, #tpu.memory_space<hbm>>) dst(%arg8 : memref<98x128xi32, #tpu.memory_space<vmem>>)
      tpu.yield
    }) : () -> ()
    "tpu.region"() ({
      %run_scoped3A = tpu.sem_alloc : memref<!tpu.dma_semaphore, #tpu.memory_space<semaphore_mem>>
      %dma_start3A = arith.constant 0 : i32
      %dma_start3A_13 = tpu.memref_slice %arg10[%mul3A_0, %dma_start3A] : memref<10112x128xf32, #tpu.memory_space<vmem_shared>> -> memref<632x128xf32, #tpu.memory_space<vmem_shared>>
      %dma_start3A_14 = arith.constant 0 : i32
      %dma_start3A_15 = tpu.memref_slice %arg5[%mul3A_0, %dma_start3A_14] : memref<10112x128xf32, #tpu.memory_space<hbm>> -> memref<632x128xf32, #tpu.memory_space<hbm>>
      tpu.enqueue_dma source(%dma_start3A_15 : memref<632x128xf32, #tpu.memory_space<hbm>>) target(%dma_start3A_13 : memref<632x128xf32, #tpu.memory_space<vmem_shared>>) target_semaphore(%run_scoped3A : memref<!tpu.dma_semaphore, #tpu.memory_space<semaphore_mem>>)
      %dma_wait3A = arith.constant 0 : i32
      %dma_wait3A_16 = tpu.memref_slice %arg10[%mul3A_0, %dma_wait3A] : memref<10112x128xf32, #tpu.memory_space<vmem_shared>> -> memref<632x128xf32, #tpu.memory_space<vmem_shared>>
      %dma_wait3A_17 = arith.constant 0 : i32
      %dma_wait3A_18 = tpu.memref_slice %arg5[%mul3A_0, %dma_wait3A_17] : memref<10112x128xf32, #tpu.memory_space<hbm>> -> memref<632x128xf32, #tpu.memory_space<hbm>>
      tpu.wait_dma2 semaphore(%run_scoped3A : memref<!tpu.dma_semaphore, #tpu.memory_space<semaphore_mem>>) src(%dma_wait3A_18 : memref<632x128xf32, #tpu.memory_space<hbm>>) dst(%dma_wait3A_16 : memref<632x128xf32, #tpu.memory_space<vmem_shared>>)
      tpu.yield
    }) : () -> ()
    %barrier3A = arith.constant 0 : index
    tpu.barrier barrier_id(%barrier3A)
    %eq3A = arith.constant 0 : i32
    %eq3A_1 = arith.cmpi eq, %arg0, %eq3A : i32
    %jit3A = arith.constant 98 : i32
    %jit3A_2 = arith.constant 59 : i32
    %select_n3A = arith.select %eq3A_1, %jit3A, %jit3A_2 : i32
    %while3A = arith.constant 0 : i32
    %while3A_3 = arith.constant 0 : i32
    %while3A_4 = arith.subi %select_n3A, %while3A_3 : i32
    %while3A_5 = arith.addi %while3A_3, %while3A_4 : i32
    %while3A_6 = arith.constant 1 : i32
    %while3A_7 = arith.divsi %while3A_4, %while3A_6 : i32
    %while3A_8 = arith.muli %while3A_7, %while3A_6 : i32
    %while3A_9 = arith.addi %while3A_3, %while3A_8 : i32
    %while3A_10 = arith.constant 1 : i32
    scf.for %while3A_13 = %while3A_3 to %while3A_9 step %while3A_10  : i32 {
      %dma_start3A = arith.constant 0 : i32
      %dma_start3A_14 = tpu.memref_slice %arg7[%while3A_13, %dma_start3A] : memref<98x128xi32, #tpu.memory_space<vmem>> -> memref<1x128xi32, #tpu.memory_space<vmem>>
      %dma_start3A_15 = tpu.memref_squeeze %dma_start3A_14 : memref<1x128xi32, #tpu.memory_space<vmem>> -> memref<128xi32, #tpu.memory_space<vmem>>
      %dma_start3A_16 = arith.constant 0 : i32
      %dma_start3A_17 = arith.constant 0 : i32
      %dma_start3A_18 = tpu.memref_slice %arg2[%dma_start3A_16, %dma_start3A_17] : memref<10000x128xf32, #tpu.memory_space<hbm>> -> memref<10000x128xf32, #tpu.memory_space<hbm>>
      tpu.enqueue_indirect_dma source(%dma_start3A_18 : memref<10000x128xf32, #tpu.memory_space<hbm>>) target(%arg9 : memref<128x128xf32, #tpu.memory_space<vmem>>) offsets(%dma_start3A_15 : memref<128xi32, #tpu.memory_space<vmem>>) semaphore(%arg11 : memref<!tpu.dma_semaphore, #tpu.memory_space<semaphore_mem>>)
      %dma_wait3A = arith.constant 0 : i32
      %dma_wait3A_19 = tpu.memref_slice %arg7[%while3A_13, %dma_wait3A] : memref<98x128xi32, #tpu.memory_space<vmem>> -> memref<1x128xi32, #tpu.memory_space<vmem>>
      %dma_wait3A_20 = tpu.memref_squeeze %dma_wait3A_19 : memref<1x128xi32, #tpu.memory_space<vmem>> -> memref<128xi32, #tpu.memory_space<vmem>>
      %dma_wait3A_21 = arith.constant 0 : i32
      %dma_wait3A_22 = arith.constant 0 : i32
      %dma_wait3A_23 = tpu.memref_slice %arg2[%dma_wait3A_21, %dma_wait3A_22] : memref<10000x128xf32, #tpu.memory_space<hbm>> -> memref<10000x128xf32, #tpu.memory_space<hbm>>
      tpu.wait_indirect_dma semaphore(%arg11 : memref<!tpu.dma_semaphore, #tpu.memory_space<semaphore_mem>>) src(%dma_wait3A_23 : memref<10000x128xf32, #tpu.memory_space<hbm>>) dst(%arg9 : memref<128x128xf32, #tpu.memory_space<vmem>>)
      "tpu.region"() ({
        %run_scoped3A = tpu.sem_alloc : memref<!tpu.dma_semaphore, #tpu.memory_space<semaphore_mem>>
        %dma_start3A_24 = arith.constant 0 : i32
        %dma_start3A_25 = tpu.memref_slice %arg8[%while3A_13, %dma_start3A_24] : memref<98x128xi32, #tpu.memory_space<vmem>> -> memref<1x128xi32, #tpu.memory_space<vmem>>
        %dma_start3A_26 = tpu.memref_squeeze %dma_start3A_25 : memref<1x128xi32, #tpu.memory_space<vmem>> -> memref<128xi32, #tpu.memory_space<vmem>>
        %dma_start3A_27 = arith.constant 0 : i32
        %dma_start3A_28 = arith.constant 0 : i32
        %dma_start3A_29 = tpu.memref_slice %arg10[%dma_start3A_27, %dma_start3A_28] : memref<10112x128xf32, #tpu.memory_space<vmem_shared>> -> memref<10112x128xf32, #tpu.memory_space<vmem_shared>>
        tpu.enqueue_indirect_dma source(%arg9 : memref<128x128xf32, #tpu.memory_space<vmem>>) target(%dma_start3A_29 : memref<10112x128xf32, #tpu.memory_space<vmem_shared>>) offsets(%dma_start3A_26 : memref<128xi32, #tpu.memory_space<vmem>>) semaphore(%run_scoped3A : memref<!tpu.dma_semaphore, #tpu.memory_space<semaphore_mem>>) {add = true}
        %dma_wait3A_30 = arith.constant 0 : i32
        %dma_wait3A_31 = tpu.memref_slice %arg8[%while3A_13, %dma_wait3A_30] : memref<98x128xi32, #tpu.memory_space<vmem>> -> memref<1x128xi32, #tpu.memory_space<vmem>>
        %dma_wait3A_32 = tpu.memref_squeeze %dma_wait3A_31 : memref<1x128xi32, #tpu.memory_space<vmem>> -> memref<128xi32, #tpu.memory_space<vmem>>
        %dma_wait3A_33 = arith.constant 0 : i32
        %dma_wait3A_34 = arith.constant 0 : i32
        %dma_wait3A_35 = tpu.memref_slice %arg10[%dma_wait3A_33, %dma_wait3A_34] : memref<10112x128xf32, #tpu.memory_space<vmem_shared>> -> memref<10112x128xf32, #tpu.memory_space<vmem_shared>>
        tpu.wait_indirect_dma semaphore(%run_scoped3A : memref<!tpu.dma_semaphore, #tpu.memory_space<semaphore_mem>>) src(%arg9 : memref<128x128xf32, #tpu.memory_space<vmem>>) dst(%dma_wait3A_35 : memref<10112x128xf32, #tpu.memory_space<vmem_shared>>)
        tpu.yield
      }) : () -> ()
    }
    %while3A_11 = arith.constant 1 : i32
    scf.for %while3A_13 = %while3A_9 to %while3A_5 step %while3A_11  : i32 {
      %dma_start3A = arith.constant 0 : i32
      %dma_start3A_14 = tpu.memref_slice %arg7[%while3A_13, %dma_start3A] : memref<98x128xi32, #tpu.memory_space<vmem>> -> memref<1x128xi32, #tpu.memory_space<vmem>>
      %dma_start3A_15 = tpu.memref_squeeze %dma_start3A_14 : memref<1x128xi32, #tpu.memory_space<vmem>> -> memref<128xi32, #tpu.memory_space<vmem>>
      %dma_start3A_16 = arith.constant 0 : i32
      %dma_start3A_17 = arith.constant 0 : i32
      %dma_start3A_18 = tpu.memref_slice %arg2[%dma_start3A_16, %dma_start3A_17] : memref<10000x128xf32, #tpu.memory_space<hbm>> -> memref<10000x128xf32, #tpu.memory_space<hbm>>
      tpu.enqueue_indirect_dma source(%dma_start3A_18 : memref<10000x128xf32, #tpu.memory_space<hbm>>) target(%arg9 : memref<128x128xf32, #tpu.memory_space<vmem>>) offsets(%dma_start3A_15 : memref<128xi32, #tpu.memory_space<vmem>>) semaphore(%arg11 : memref<!tpu.dma_semaphore, #tpu.memory_space<semaphore_mem>>)
      %dma_wait3A = arith.constant 0 : i32
      %dma_wait3A_19 = tpu.memref_slice %arg7[%while3A_13, %dma_wait3A] : memref<98x128xi32, #tpu.memory_space<vmem>> -> memref<1x128xi32, #tpu.memory_space<vmem>>
      %dma_wait3A_20 = tpu.memref_squeeze %dma_wait3A_19 : memref<1x128xi32, #tpu.memory_space<vmem>> -> memref<128xi32, #tpu.memory_space<vmem>>
      %dma_wait3A_21 = arith.constant 0 : i32
      %dma_wait3A_22 = arith.constant 0 : i32
      %dma_wait3A_23 = tpu.memref_slice %arg2[%dma_wait3A_21, %dma_wait3A_22] : memref<10000x128xf32, #tpu.memory_space<hbm>> -> memref<10000x128xf32, #tpu.memory_space<hbm>>
      tpu.wait_indirect_dma semaphore(%arg11 : memref<!tpu.dma_semaphore, #tpu.memory_space<semaphore_mem>>) src(%dma_wait3A_23 : memref<10000x128xf32, #tpu.memory_space<hbm>>) dst(%arg9 : memref<128x128xf32, #tpu.memory_space<vmem>>)
      "tpu.region"() ({
        %run_scoped3A = tpu.sem_alloc : memref<!tpu.dma_semaphore, #tpu.memory_space<semaphore_mem>>
        %dma_start3A_24 = arith.constant 0 : i32
        %dma_start3A_25 = tpu.memref_slice %arg8[%while3A_13, %dma_start3A_24] : memref<98x128xi32, #tpu.memory_space<vmem>> -> memref<1x128xi32, #tpu.memory_space<vmem>>
        %dma_start3A_26 = tpu.memref_squeeze %dma_start3A_25 : memref<1x128xi32, #tpu.memory_space<vmem>> -> memref<128xi32, #tpu.memory_space<vmem>>
        %dma_start3A_27 = arith.constant 0 : i32
        %dma_start3A_28 = arith.constant 0 : i32
        %dma_start3A_29 = tpu.memref_slice %arg10[%dma_start3A_27, %dma_start3A_28] : memref<10112x128xf32, #tpu.memory_space<vmem_shared>> -> memref<10112x128xf32, #tpu.memory_space<vmem_shared>>
        tpu.enqueue_indirect_dma source(%arg9 : memref<128x128xf32, #tpu.memory_space<vmem>>) target(%dma_start3A_29 : memref<10112x128xf32, #tpu.memory_space<vmem_shared>>) offsets(%dma_start3A_26 : memref<128xi32, #tpu.memory_space<vmem>>) semaphore(%run_scoped3A : memref<!tpu.dma_semaphore, #tpu.memory_space<semaphore_mem>>) {add = true}
        %dma_wait3A_30 = arith.constant 0 : i32
        %dma_wait3A_31 = tpu.memref_slice %arg8[%while3A_13, %dma_wait3A_30] : memref<98x128xi32, #tpu.memory_space<vmem>> -> memref<1x128xi32, #tpu.memory_space<vmem>>
        %dma_wait3A_32 = tpu.memref_squeeze %dma_wait3A_31 : memref<1x128xi32, #tpu.memory_space<vmem>> -> memref<128xi32, #tpu.memory_space<vmem>>
        %dma_wait3A_33 = arith.constant 0 : i32
        %dma_wait3A_34 = arith.constant 0 : i32
        %dma_wait3A_35 = tpu.memref_slice %arg10[%dma_wait3A_33, %dma_wait3A_34] : memref<10112x128xf32, #tpu.memory_space<vmem_shared>> -> memref<10112x128xf32, #tpu.memory_space<vmem_shared>>
        tpu.wait_indirect_dma semaphore(%run_scoped3A : memref<!tpu.dma_semaphore, #tpu.memory_space<semaphore_mem>>) src(%arg9 : memref<128x128xf32, #tpu.memory_space<vmem>>) dst(%dma_wait3A_35 : memref<10112x128xf32, #tpu.memory_space<vmem_shared>>)
        tpu.yield
      }) : () -> ()
    }
    %barrier3A_12 = arith.constant 0 : index
    tpu.barrier barrier_id(%barrier3A_12)
    "tpu.region"() ({
      %run_scoped3A = tpu.sem_alloc : memref<!tpu.dma_semaphore, #tpu.memory_space<semaphore_mem>>
      %dma_start3A = arith.constant 0 : i32
      %dma_start3A_13 = tpu.memref_slice %arg6[%arg0, %mul3A_0, %dma_start3A] : memref<2x10112x128xf32, #tpu.memory_space<hbm>> -> memref<1x632x128xf32, #tpu.memory_space<hbm>>
      %dma_start3A_14 = tpu.memref_squeeze %dma_start3A_13 : memref<1x632x128xf32, #tpu.memory_space<hbm>> -> memref<632x128xf32, #tpu.memory_space<hbm>>
      %dma_start3A_15 = arith.constant 0 : i32
      %dma_start3A_16 = tpu.memref_slice %arg10[%mul3A_0, %dma_start3A_15] : memref<10112x128xf32, #tpu.memory_space<vmem_shared>> -> memref<632x128xf32, #tpu.memory_space<vmem_shared>>
      tpu.enqueue_dma source(%dma_start3A_16 : memref<632x128xf32, #tpu.memory_space<vmem_shared>>) target(%dma_start3A_14 : memref<632x128xf32, #tpu.memory_space<hbm>>) target_semaphore(%run_scoped3A : memref<!tpu.dma_semaphore, #tpu.memory_space<semaphore_mem>>)
      %dma_wait3A = arith.constant 0 : i32
      %dma_wait3A_17 = tpu.memref_slice %arg6[%arg0, %mul3A_0, %dma_wait3A] : memref<2x10112x128xf32, #tpu.memory_space<hbm>> -> memref<1x632x128xf32, #tpu.memory_space<hbm>>
      %dma_wait3A_18 = tpu.memref_squeeze %dma_wait3A_17 : memref<1x632x128xf32, #tpu.memory_space<hbm>> -> memref<632x128xf32, #tpu.memory_space<hbm>>
      %dma_wait3A_19 = arith.constant 0 : i32
      %dma_wait3A_20 = tpu.memref_slice %arg10[%mul3A_0, %dma_wait3A_19] : memref<10112x128xf32, #tpu.memory_space<vmem_shared>> -> memref<632x128xf32, #tpu.memory_space<vmem_shared>>
      tpu.wait_dma2 semaphore(%run_scoped3A : memref<!tpu.dma_semaphore, #tpu.memory_space<semaphore_mem>>) src(%dma_wait3A_20 : memref<632x128xf32, #tpu.memory_space<vmem_shared>>) dst(%dma_wait3A_18 : memref<632x128xf32, #tpu.memory_space<hbm>>)
      tpu.yield
    }) : () -> ()
    return
  }
}

#map = affine_map<(d0, d1) -> (0, 0)>
#map1 = affine_map<(d0, d1) -> (0, 0, 0, 0)>
#map2 = affine_map<(d0, d1) -> (0, 0, 0)>
module attributes {stable_mosaic.version = 14 : i64} {
  func.func @_edge_agg_body(%arg0: i32, %arg1: i32, %arg2: memref<10000x128xf32, #tpu.memory_space<hbm>>, %arg3: memref<2x16x98x128xi32, #tpu.memory_space<hbm>>, %arg4: memref<2x16x98x128xi32, #tpu.memory_space<hbm>>, %arg5: memref<10112x128xf32, #tpu.memory_space<hbm>>, %arg6: memref<2x10112x128xf32, #tpu.memory_space<hbm>>, %arg7: memref<98x128xi32, #tpu.memory_space<vmem>>, %arg8: memref<98x128xi32, #tpu.memory_space<vmem>>, %arg9: memref<128x128xf32, #tpu.memory_space<vmem>>, %arg10: memref<10112x128xf32, #tpu.memory_space<vmem_shared>>, %arg11: memref<!tpu.dma_semaphore, #tpu.memory_space<semaphore_mem>>) attributes {dimension_semantics = [#tpu.dimension_semantics<core_parallel>, #tpu.dimension_semantics<subcore_parallel>], iteration_bounds = array<i64: 2, 16>, scalar_prefetch = 0 : i64, scratch_operands = 5 : i64, tpu.core_type = #tpu.core_type<sc_vector_subcore>, window_params = [{transform_indices = #map}, {transform_indices = #map1}, {transform_indices = #map1}, {transform_indices = #map}, {transform_indices = #map2}]} {
    %mul3A = arith.constant 632 : i32
    %mul3A_0 = arith.muli %arg1, %mul3A : i32
    "tpu.region"() ({
      %run_scoped3A = tpu.sem_alloc : memref<!tpu.dma_semaphore, #tpu.memory_space<semaphore_mem>>
      %dma_start3A = arith.constant 0 : i32
      %dma_start3A_13 = arith.constant 0 : i32
      %dma_start3A_14 = tpu.memref_slice %arg3[%arg0, %arg1, %dma_start3A, %dma_start3A_13] : memref<2x16x98x128xi32, #tpu.memory_space<hbm>> -> memref<1x1x98x128xi32, #tpu.memory_space<hbm>>
      %dma_start3A_15 = tpu.memref_squeeze %dma_start3A_14 : memref<1x1x98x128xi32, #tpu.memory_space<hbm>> -> memref<98x128xi32, #tpu.memory_space<hbm>>
      %dma_start3A_16 = arith.constant 0 : i32
      %dma_start3A_17 = arith.constant 0 : i32
      %dma_start3A_18 = tpu.memref_slice %arg3[%arg0, %arg1, %dma_start3A_16, %dma_start3A_17] : memref<2x16x98x128xi32, #tpu.memory_space<hbm>> -> memref<1x1x98x128xi32, #tpu.memory_space<hbm>>
      %dma_start3A_19 = tpu.memref_squeeze %dma_start3A_18 : memref<1x1x98x128xi32, #tpu.memory_space<hbm>> -> memref<98x128xi32, #tpu.memory_space<hbm>>
      tpu.enqueue_dma source(%dma_start3A_19 : memref<98x128xi32, #tpu.memory_space<hbm>>) target(%arg7 : memref<98x128xi32, #tpu.memory_space<vmem>>) target_semaphore(%run_scoped3A : memref<!tpu.dma_semaphore, #tpu.memory_space<semaphore_mem>>)
      %dma_wait3A = arith.constant 0 : i32
      %dma_wait3A_20 = arith.constant 0 : i32
      %dma_wait3A_21 = tpu.memref_slice %arg3[%arg0, %arg1, %dma_wait3A, %dma_wait3A_20] : memref<2x16x98x128xi32, #tpu.memory_space<hbm>> -> memref<1x1x98x128xi32, #tpu.memory_space<hbm>>
      %dma_wait3A_22 = tpu.memref_squeeze %dma_wait3A_21 : memref<1x1x98x128xi32, #tpu.memory_space<hbm>> -> memref<98x128xi32, #tpu.memory_space<hbm>>
      %dma_wait3A_23 = arith.constant 0 : i32
      %dma_wait3A_24 = arith.constant 0 : i32
      %dma_wait3A_25 = tpu.memref_slice %arg3[%arg0, %arg1, %dma_wait3A_23, %dma_wait3A_24] : memref<2x16x98x128xi32, #tpu.memory_space<hbm>> -> memref<1x1x98x128xi32, #tpu.memory_space<hbm>>
      %dma_wait3A_26 = tpu.memref_squeeze %dma_wait3A_25 : memref<1x1x98x128xi32, #tpu.memory_space<hbm>> -> memref<98x128xi32, #tpu.memory_space<hbm>>
      tpu.wait_dma2 semaphore(%run_scoped3A : memref<!tpu.dma_semaphore, #tpu.memory_space<semaphore_mem>>) src(%dma_wait3A_26 : memref<98x128xi32, #tpu.memory_space<hbm>>) dst(%arg7 : memref<98x128xi32, #tpu.memory_space<vmem>>)
      tpu.yield
    }) : () -> ()
    "tpu.region"() ({
      %run_scoped3A = tpu.sem_alloc : memref<!tpu.dma_semaphore, #tpu.memory_space<semaphore_mem>>
      %dma_start3A = arith.constant 0 : i32
      %dma_start3A_13 = arith.constant 0 : i32
      %dma_start3A_14 = tpu.memref_slice %arg4[%arg0, %arg1, %dma_start3A, %dma_start3A_13] : memref<2x16x98x128xi32, #tpu.memory_space<hbm>> -> memref<1x1x98x128xi32, #tpu.memory_space<hbm>>
      %dma_start3A_15 = tpu.memref_squeeze %dma_start3A_14 : memref<1x1x98x128xi32, #tpu.memory_space<hbm>> -> memref<98x128xi32, #tpu.memory_space<hbm>>
      %dma_start3A_16 = arith.constant 0 : i32
      %dma_start3A_17 = arith.constant 0 : i32
      %dma_start3A_18 = tpu.memref_slice %arg4[%arg0, %arg1, %dma_start3A_16, %dma_start3A_17] : memref<2x16x98x128xi32, #tpu.memory_space<hbm>> -> memref<1x1x98x128xi32, #tpu.memory_space<hbm>>
      %dma_start3A_19 = tpu.memref_squeeze %dma_start3A_18 : memref<1x1x98x128xi32, #tpu.memory_space<hbm>> -> memref<98x128xi32, #tpu.memory_space<hbm>>
      tpu.enqueue_dma source(%dma_start3A_19 : memref<98x128xi32, #tpu.memory_space<hbm>>) target(%arg8 : memref<98x128xi32, #tpu.memory_space<vmem>>) target_semaphore(%run_scoped3A : memref<!tpu.dma_semaphore, #tpu.memory_space<semaphore_mem>>)
      %dma_wait3A = arith.constant 0 : i32
      %dma_wait3A_20 = arith.constant 0 : i32
      %dma_wait3A_21 = tpu.memref_slice %arg4[%arg0, %arg1, %dma_wait3A, %dma_wait3A_20] : memref<2x16x98x128xi32, #tpu.memory_space<hbm>> -> memref<1x1x98x128xi32, #tpu.memory_space<hbm>>
      %dma_wait3A_22 = tpu.memref_squeeze %dma_wait3A_21 : memref<1x1x98x128xi32, #tpu.memory_space<hbm>> -> memref<98x128xi32, #tpu.memory_space<hbm>>
      %dma_wait3A_23 = arith.constant 0 : i32
      %dma_wait3A_24 = arith.constant 0 : i32
      %dma_wait3A_25 = tpu.memref_slice %arg4[%arg0, %arg1, %dma_wait3A_23, %dma_wait3A_24] : memref<2x16x98x128xi32, #tpu.memory_space<hbm>> -> memref<1x1x98x128xi32, #tpu.memory_space<hbm>>
      %dma_wait3A_26 = tpu.memref_squeeze %dma_wait3A_25 : memref<1x1x98x128xi32, #tpu.memory_space<hbm>> -> memref<98x128xi32, #tpu.memory_space<hbm>>
      tpu.wait_dma2 semaphore(%run_scoped3A : memref<!tpu.dma_semaphore, #tpu.memory_space<semaphore_mem>>) src(%dma_wait3A_26 : memref<98x128xi32, #tpu.memory_space<hbm>>) dst(%arg8 : memref<98x128xi32, #tpu.memory_space<vmem>>)
      tpu.yield
    }) : () -> ()
    "tpu.region"() ({
      %run_scoped3A = tpu.sem_alloc : memref<!tpu.dma_semaphore, #tpu.memory_space<semaphore_mem>>
      %dma_start3A = arith.constant 0 : i32
      %dma_start3A_13 = tpu.memref_slice %arg10[%mul3A_0, %dma_start3A] : memref<10112x128xf32, #tpu.memory_space<vmem_shared>> -> memref<632x128xf32, #tpu.memory_space<vmem_shared>>
      %dma_start3A_14 = arith.constant 0 : i32
      %dma_start3A_15 = tpu.memref_slice %arg5[%mul3A_0, %dma_start3A_14] : memref<10112x128xf32, #tpu.memory_space<hbm>> -> memref<632x128xf32, #tpu.memory_space<hbm>>
      tpu.enqueue_dma source(%dma_start3A_15 : memref<632x128xf32, #tpu.memory_space<hbm>>) target(%dma_start3A_13 : memref<632x128xf32, #tpu.memory_space<vmem_shared>>) target_semaphore(%run_scoped3A : memref<!tpu.dma_semaphore, #tpu.memory_space<semaphore_mem>>)
      %dma_wait3A = arith.constant 0 : i32
      %dma_wait3A_16 = tpu.memref_slice %arg10[%mul3A_0, %dma_wait3A] : memref<10112x128xf32, #tpu.memory_space<vmem_shared>> -> memref<632x128xf32, #tpu.memory_space<vmem_shared>>
      %dma_wait3A_17 = arith.constant 0 : i32
      %dma_wait3A_18 = tpu.memref_slice %arg5[%mul3A_0, %dma_wait3A_17] : memref<10112x128xf32, #tpu.memory_space<hbm>> -> memref<632x128xf32, #tpu.memory_space<hbm>>
      tpu.wait_dma2 semaphore(%run_scoped3A : memref<!tpu.dma_semaphore, #tpu.memory_space<semaphore_mem>>) src(%dma_wait3A_18 : memref<632x128xf32, #tpu.memory_space<hbm>>) dst(%dma_wait3A_16 : memref<632x128xf32, #tpu.memory_space<vmem_shared>>)
      tpu.yield
    }) : () -> ()
    %barrier3A = arith.constant 0 : index
    tpu.barrier barrier_id(%barrier3A)
    %eq3A = arith.constant 0 : i32
    %eq3A_1 = arith.cmpi eq, %arg0, %eq3A : i32
    %jit3A = arith.constant 98 : i32
    %jit3A_2 = arith.constant 59 : i32
    %select_n3A = arith.select %eq3A_1, %jit3A, %jit3A_2 : i32
    %while3A = arith.constant 0 : i32
    %while3A_3 = arith.constant 0 : i32
    %while3A_4 = arith.subi %select_n3A, %while3A_3 : i32
    %while3A_5 = arith.addi %while3A_3, %while3A_4 : i32
    %while3A_6 = arith.constant 1 : i32
    %while3A_7 = arith.divsi %while3A_4, %while3A_6 : i32
    %while3A_8 = arith.muli %while3A_7, %while3A_6 : i32
    %while3A_9 = arith.addi %while3A_3, %while3A_8 : i32
    %while3A_10 = arith.constant 1 : i32
    scf.for %while3A_13 = %while3A_3 to %while3A_9 step %while3A_10  : i32 {
      %dma_start3A = arith.constant 0 : i32
      %dma_start3A_14 = tpu.memref_slice %arg7[%while3A_13, %dma_start3A] : memref<98x128xi32, #tpu.memory_space<vmem>> -> memref<1x128xi32, #tpu.memory_space<vmem>>
      %dma_start3A_15 = tpu.memref_squeeze %dma_start3A_14 : memref<1x128xi32, #tpu.memory_space<vmem>> -> memref<128xi32, #tpu.memory_space<vmem>>
      %dma_start3A_16 = arith.constant 0 : i32
      %dma_start3A_17 = arith.constant 0 : i32
      %dma_start3A_18 = tpu.memref_slice %arg2[%dma_start3A_16, %dma_start3A_17] : memref<10000x128xf32, #tpu.memory_space<hbm>> -> memref<10000x128xf32, #tpu.memory_space<hbm>>
      tpu.enqueue_indirect_dma source(%dma_start3A_18 : memref<10000x128xf32, #tpu.memory_space<hbm>>) target(%arg9 : memref<128x128xf32, #tpu.memory_space<vmem>>) offsets(%dma_start3A_15 : memref<128xi32, #tpu.memory_space<vmem>>) semaphore(%arg11 : memref<!tpu.dma_semaphore, #tpu.memory_space<semaphore_mem>>)
      %dma_wait3A = arith.constant 0 : i32
      %dma_wait3A_19 = tpu.memref_slice %arg7[%while3A_13, %dma_wait3A] : memref<98x128xi32, #tpu.memory_space<vmem>> -> memref<1x128xi32, #tpu.memory_space<vmem>>
      %dma_wait3A_20 = tpu.memref_squeeze %dma_wait3A_19 : memref<1x128xi32, #tpu.memory_space<vmem>> -> memref<128xi32, #tpu.memory_space<vmem>>
      %dma_wait3A_21 = arith.constant 0 : i32
      %dma_wait3A_22 = arith.constant 0 : i32
      %dma_wait3A_23 = tpu.memref_slice %arg2[%dma_wait3A_21, %dma_wait3A_22] : memref<10000x128xf32, #tpu.memory_space<hbm>> -> memref<10000x128xf32, #tpu.memory_space<hbm>>
      tpu.wait_indirect_dma semaphore(%arg11 : memref<!tpu.dma_semaphore, #tpu.memory_space<semaphore_mem>>) src(%dma_wait3A_23 : memref<10000x128xf32, #tpu.memory_space<hbm>>) dst(%arg9 : memref<128x128xf32, #tpu.memory_space<vmem>>)
      "tpu.region"() ({
        %run_scoped3A = tpu.sem_alloc : memref<!tpu.dma_semaphore, #tpu.memory_space<semaphore_mem>>
        %dma_start3A_24 = arith.constant 0 : i32
        %dma_start3A_25 = tpu.memref_slice %arg8[%while3A_13, %dma_start3A_24] : memref<98x128xi32, #tpu.memory_space<vmem>> -> memref<1x128xi32, #tpu.memory_space<vmem>>
        %dma_start3A_26 = tpu.memref_squeeze %dma_start3A_25 : memref<1x128xi32, #tpu.memory_space<vmem>> -> memref<128xi32, #tpu.memory_space<vmem>>
        %dma_start3A_27 = arith.constant 0 : i32
        %dma_start3A_28 = arith.constant 0 : i32
        %dma_start3A_29 = tpu.memref_slice %arg10[%dma_start3A_27, %dma_start3A_28] : memref<10112x128xf32, #tpu.memory_space<vmem_shared>> -> memref<10112x128xf32, #tpu.memory_space<vmem_shared>>
        tpu.enqueue_indirect_dma source(%arg9 : memref<128x128xf32, #tpu.memory_space<vmem>>) target(%dma_start3A_29 : memref<10112x128xf32, #tpu.memory_space<vmem_shared>>) offsets(%dma_start3A_26 : memref<128xi32, #tpu.memory_space<vmem>>) semaphore(%run_scoped3A : memref<!tpu.dma_semaphore, #tpu.memory_space<semaphore_mem>>) {add = true}
        %dma_wait3A_30 = arith.constant 0 : i32
        %dma_wait3A_31 = tpu.memref_slice %arg8[%while3A_13, %dma_wait3A_30] : memref<98x128xi32, #tpu.memory_space<vmem>> -> memref<1x128xi32, #tpu.memory_space<vmem>>
        %dma_wait3A_32 = tpu.memref_squeeze %dma_wait3A_31 : memref<1x128xi32, #tpu.memory_space<vmem>> -> memref<128xi32, #tpu.memory_space<vmem>>
        %dma_wait3A_33 = arith.constant 0 : i32
        %dma_wait3A_34 = arith.constant 0 : i32
        %dma_wait3A_35 = tpu.memref_slice %arg10[%dma_wait3A_33, %dma_wait3A_34] : memref<10112x128xf32, #tpu.memory_space<vmem_shared>> -> memref<10112x128xf32, #tpu.memory_space<vmem_shared>>
        tpu.wait_indirect_dma semaphore(%run_scoped3A : memref<!tpu.dma_semaphore, #tpu.memory_space<semaphore_mem>>) src(%arg9 : memref<128x128xf32, #tpu.memory_space<vmem>>) dst(%dma_wait3A_35 : memref<10112x128xf32, #tpu.memory_space<vmem_shared>>)
        tpu.yield
      }) : () -> ()
    }
    %while3A_11 = arith.constant 1 : i32
    scf.for %while3A_13 = %while3A_9 to %while3A_5 step %while3A_11  : i32 {
      %dma_start3A = arith.constant 0 : i32
      %dma_start3A_14 = tpu.memref_slice %arg7[%while3A_13, %dma_start3A] : memref<98x128xi32, #tpu.memory_space<vmem>> -> memref<1x128xi32, #tpu.memory_space<vmem>>
      %dma_start3A_15 = tpu.memref_squeeze %dma_start3A_14 : memref<1x128xi32, #tpu.memory_space<vmem>> -> memref<128xi32, #tpu.memory_space<vmem>>
      %dma_start3A_16 = arith.constant 0 : i32
      %dma_start3A_17 = arith.constant 0 : i32
      %dma_start3A_18 = tpu.memref_slice %arg2[%dma_start3A_16, %dma_start3A_17] : memref<10000x128xf32, #tpu.memory_space<hbm>> -> memref<10000x128xf32, #tpu.memory_space<hbm>>
      tpu.enqueue_indirect_dma source(%dma_start3A_18 : memref<10000x128xf32, #tpu.memory_space<hbm>>) target(%arg9 : memref<128x128xf32, #tpu.memory_space<vmem>>) offsets(%dma_start3A_15 : memref<128xi32, #tpu.memory_space<vmem>>) semaphore(%arg11 : memref<!tpu.dma_semaphore, #tpu.memory_space<semaphore_mem>>)
      %dma_wait3A = arith.constant 0 : i32
      %dma_wait3A_19 = tpu.memref_slice %arg7[%while3A_13, %dma_wait3A] : memref<98x128xi32, #tpu.memory_space<vmem>> -> memref<1x128xi32, #tpu.memory_space<vmem>>
      %dma_wait3A_20 = tpu.memref_squeeze %dma_wait3A_19 : memref<1x128xi32, #tpu.memory_space<vmem>> -> memref<128xi32, #tpu.memory_space<vmem>>
      %dma_wait3A_21 = arith.constant 0 : i32
      %dma_wait3A_22 = arith.constant 0 : i32
      %dma_wait3A_23 = tpu.memref_slice %arg2[%dma_wait3A_21, %dma_wait3A_22] : memref<10000x128xf32, #tpu.memory_space<hbm>> -> memref<10000x128xf32, #tpu.memory_space<hbm>>
      tpu.wait_indirect_dma semaphore(%arg11 : memref<!tpu.dma_semaphore, #tpu.memory_space<semaphore_mem>>) src(%dma_wait3A_23 : memref<10000x128xf32, #tpu.memory_space<hbm>>) dst(%arg9 : memref<128x128xf32, #tpu.memory_space<vmem>>)
      "tpu.region"() ({
        %run_scoped3A = tpu.sem_alloc : memref<!tpu.dma_semaphore, #tpu.memory_space<semaphore_mem>>
        %dma_start3A_24 = arith.constant 0 : i32
        %dma_start3A_25 = tpu.memref_slice %arg8[%while3A_13, %dma_start3A_24] : memref<98x128xi32, #tpu.memory_space<vmem>> -> memref<1x128xi32, #tpu.memory_space<vmem>>
        %dma_start3A_26 = tpu.memref_squeeze %dma_start3A_25 : memref<1x128xi32, #tpu.memory_space<vmem>> -> memref<128xi32, #tpu.memory_space<vmem>>
        %dma_start3A_27 = arith.constant 0 : i32
        %dma_start3A_28 = arith.constant 0 : i32
        %dma_start3A_29 = tpu.memref_slice %arg10[%dma_start3A_27, %dma_start3A_28] : memref<10112x128xf32, #tpu.memory_space<vmem_shared>> -> memref<10112x128xf32, #tpu.memory_space<vmem_shared>>
        tpu.enqueue_indirect_dma source(%arg9 : memref<128x128xf32, #tpu.memory_space<vmem>>) target(%dma_start3A_29 : memref<10112x128xf32, #tpu.memory_space<vmem_shared>>) offsets(%dma_start3A_26 : memref<128xi32, #tpu.memory_space<vmem>>) semaphore(%run_scoped3A : memref<!tpu.dma_semaphore, #tpu.memory_space<semaphore_mem>>) {add = true}
        %dma_wait3A_30 = arith.constant 0 : i32
        %dma_wait3A_31 = tpu.memref_slice %arg8[%while3A_13, %dma_wait3A_30] : memref<98x128xi32, #tpu.memory_space<vmem>> -> memref<1x128xi32, #tpu.memory_space<vmem>>
        %dma_wait3A_32 = tpu.memref_squeeze %dma_wait3A_31 : memref<1x128xi32, #tpu.memory_space<vmem>> -> memref<128xi32, #tpu.memory_space<vmem>>
        %dma_wait3A_33 = arith.constant 0 : i32
        %dma_wait3A_34 = arith.constant 0 : i32
        %dma_wait3A_35 = tpu.memref_slice %arg10[%dma_wait3A_33, %dma_wait3A_34] : memref<10112x128xf32, #tpu.memory_space<vmem_shared>> -> memref<10112x128xf32, #tpu.memory_space<vmem_shared>>
        tpu.wait_indirect_dma semaphore(%run_scoped3A : memref<!tpu.dma_semaphore, #tpu.memory_space<semaphore_mem>>) src(%arg9 : memref<128x128xf32, #tpu.memory_space<vmem>>) dst(%dma_wait3A_35 : memref<10112x128xf32, #tpu.memory_space<vmem_shared>>)
        tpu.yield
      }) : () -> ()
    }
    %barrier3A_12 = arith.constant 0 : index
    tpu.barrier barrier_id(%barrier3A_12)
    "tpu.region"() ({
      %run_scoped3A = tpu.sem_alloc : memref<!tpu.dma_semaphore, #tpu.memory_space<semaphore_mem>>
      %dma_start3A = arith.constant 0 : i32
      %dma_start3A_13 = tpu.memref_slice %arg6[%arg0, %mul3A_0, %dma_start3A] : memref<2x10112x128xf32, #tpu.memory_space<hbm>> -> memref<1x632x128xf32, #tpu.memory_space<hbm>>
      %dma_start3A_14 = tpu.memref_squeeze %dma_start3A_13 : memref<1x632x128xf32, #tpu.memory_space<hbm>> -> memref<632x128xf32, #tpu.memory_space<hbm>>
      %dma_start3A_15 = arith.constant 0 : i32
      %dma_start3A_16 = tpu.memref_slice %arg10[%mul3A_0, %dma_start3A_15] : memref<10112x128xf32, #tpu.memory_space<vmem_shared>> -> memref<632x128xf32, #tpu.memory_space<vmem_shared>>
      tpu.enqueue_dma source(%dma_start3A_16 : memref<632x128xf32, #tpu.memory_space<vmem_shared>>) target(%dma_start3A_14 : memref<632x128xf32, #tpu.memory_space<hbm>>) target_semaphore(%run_scoped3A : memref<!tpu.dma_semaphore, #tpu.memory_space<semaphore_mem>>)
      %dma_wait3A = arith.constant 0 : i32
      %dma_wait3A_17 = tpu.memref_slice %arg6[%arg0, %mul3A_0, %dma_wait3A] : memref<2x10112x128xf32, #tpu.memory_space<hbm>> -> memref<1x632x128xf32, #tpu.memory_space<hbm>>
      %dma_wait3A_18 = tpu.memref_squeeze %dma_wait3A_17 : memref<1x632x128xf32, #tpu.memory_space<hbm>> -> memref<632x128xf32, #tpu.memory_space<hbm>>
      %dma_wait3A_19 = arith.constant 0 : i32
      %dma_wait3A_20 = tpu.memref_slice %arg10[%mul3A_0, %dma_wait3A_19] : memref<10112x128xf32, #tpu.memory_space<vmem_shared>> -> memref<632x128xf32, #tpu.memory_space<vmem_shared>>
      tpu.wait_dma2 semaphore(%run_scoped3A : memref<!tpu.dma_semaphore, #tpu.memory_space<semaphore_mem>>) src(%dma_wait3A_20 : memref<632x128xf32, #tpu.memory_space<vmem_shared>>) dst(%dma_wait3A_18 : memref<632x128xf32, #tpu.memory_space<hbm>>)
      tpu.yield
    }) : () -> ()
    return
  }
}

#map = affine_map<(d0, d1) -> (0, 0)>
#map1 = affine_map<(d0, d1) -> (0, 0, 0, 0)>
#map2 = affine_map<(d0, d1) -> (0, 0, 0)>
module attributes {stable_mosaic.version = 14 : i64} {
  func.func @_edge_agg_body(%arg0: i32, %arg1: i32, %arg2: memref<10000x128xf32, #tpu.memory_space<hbm>>, %arg3: memref<2x16x98x128xi32, #tpu.memory_space<hbm>>, %arg4: memref<2x16x98x128xi32, #tpu.memory_space<hbm>>, %arg5: memref<10112x128xf32, #tpu.memory_space<hbm>>, %arg6: memref<2x10112x128xf32, #tpu.memory_space<hbm>>, %arg7: memref<98x128xi32, #tpu.memory_space<vmem>>, %arg8: memref<98x128xi32, #tpu.memory_space<vmem>>, %arg9: memref<128x128xf32, #tpu.memory_space<vmem>>, %arg10: memref<10112x128xf32, #tpu.memory_space<vmem_shared>>, %arg11: memref<!tpu.dma_semaphore, #tpu.memory_space<semaphore_mem>>) attributes {dimension_semantics = [#tpu.dimension_semantics<core_parallel>, #tpu.dimension_semantics<subcore_parallel>], iteration_bounds = array<i64: 2, 16>, scalar_prefetch = 0 : i64, scratch_operands = 5 : i64, tpu.core_type = #tpu.core_type<sc_vector_subcore>, window_params = [{transform_indices = #map}, {transform_indices = #map1}, {transform_indices = #map1}, {transform_indices = #map}, {transform_indices = #map2}]} {
    %mul3A = arith.constant 632 : i32
    %mul3A_0 = arith.muli %arg1, %mul3A : i32
    "tpu.region"() ({
      %run_scoped3A = tpu.sem_alloc : memref<!tpu.dma_semaphore, #tpu.memory_space<semaphore_mem>>
      %dma_start3A = arith.constant 0 : i32
      %dma_start3A_13 = arith.constant 0 : i32
      %dma_start3A_14 = tpu.memref_slice %arg3[%arg0, %arg1, %dma_start3A, %dma_start3A_13] : memref<2x16x98x128xi32, #tpu.memory_space<hbm>> -> memref<1x1x98x128xi32, #tpu.memory_space<hbm>>
      %dma_start3A_15 = tpu.memref_squeeze %dma_start3A_14 : memref<1x1x98x128xi32, #tpu.memory_space<hbm>> -> memref<98x128xi32, #tpu.memory_space<hbm>>
      %dma_start3A_16 = arith.constant 0 : i32
      %dma_start3A_17 = arith.constant 0 : i32
      %dma_start3A_18 = tpu.memref_slice %arg3[%arg0, %arg1, %dma_start3A_16, %dma_start3A_17] : memref<2x16x98x128xi32, #tpu.memory_space<hbm>> -> memref<1x1x98x128xi32, #tpu.memory_space<hbm>>
      %dma_start3A_19 = tpu.memref_squeeze %dma_start3A_18 : memref<1x1x98x128xi32, #tpu.memory_space<hbm>> -> memref<98x128xi32, #tpu.memory_space<hbm>>
      tpu.enqueue_dma source(%dma_start3A_19 : memref<98x128xi32, #tpu.memory_space<hbm>>) target(%arg7 : memref<98x128xi32, #tpu.memory_space<vmem>>) target_semaphore(%run_scoped3A : memref<!tpu.dma_semaphore, #tpu.memory_space<semaphore_mem>>)
      %dma_wait3A = arith.constant 0 : i32
      %dma_wait3A_20 = arith.constant 0 : i32
      %dma_wait3A_21 = tpu.memref_slice %arg3[%arg0, %arg1, %dma_wait3A, %dma_wait3A_20] : memref<2x16x98x128xi32, #tpu.memory_space<hbm>> -> memref<1x1x98x128xi32, #tpu.memory_space<hbm>>
      %dma_wait3A_22 = tpu.memref_squeeze %dma_wait3A_21 : memref<1x1x98x128xi32, #tpu.memory_space<hbm>> -> memref<98x128xi32, #tpu.memory_space<hbm>>
      %dma_wait3A_23 = arith.constant 0 : i32
      %dma_wait3A_24 = arith.constant 0 : i32
      %dma_wait3A_25 = tpu.memref_slice %arg3[%arg0, %arg1, %dma_wait3A_23, %dma_wait3A_24] : memref<2x16x98x128xi32, #tpu.memory_space<hbm>> -> memref<1x1x98x128xi32, #tpu.memory_space<hbm>>
      %dma_wait3A_26 = tpu.memref_squeeze %dma_wait3A_25 : memref<1x1x98x128xi32, #tpu.memory_space<hbm>> -> memref<98x128xi32, #tpu.memory_space<hbm>>
      tpu.wait_dma2 semaphore(%run_scoped3A : memref<!tpu.dma_semaphore, #tpu.memory_space<semaphore_mem>>) src(%dma_wait3A_26 : memref<98x128xi32, #tpu.memory_space<hbm>>) dst(%arg7 : memref<98x128xi32, #tpu.memory_space<vmem>>)
      tpu.yield
    }) : () -> ()
    "tpu.region"() ({
      %run_scoped3A = tpu.sem_alloc : memref<!tpu.dma_semaphore, #tpu.memory_space<semaphore_mem>>
      %dma_start3A = arith.constant 0 : i32
      %dma_start3A_13 = arith.constant 0 : i32
      %dma_start3A_14 = tpu.memref_slice %arg4[%arg0, %arg1, %dma_start3A, %dma_start3A_13] : memref<2x16x98x128xi32, #tpu.memory_space<hbm>> -> memref<1x1x98x128xi32, #tpu.memory_space<hbm>>
      %dma_start3A_15 = tpu.memref_squeeze %dma_start3A_14 : memref<1x1x98x128xi32, #tpu.memory_space<hbm>> -> memref<98x128xi32, #tpu.memory_space<hbm>>
      %dma_start3A_16 = arith.constant 0 : i32
      %dma_start3A_17 = arith.constant 0 : i32
      %dma_start3A_18 = tpu.memref_slice %arg4[%arg0, %arg1, %dma_start3A_16, %dma_start3A_17] : memref<2x16x98x128xi32, #tpu.memory_space<hbm>> -> memref<1x1x98x128xi32, #tpu.memory_space<hbm>>
      %dma_start3A_19 = tpu.memref_squeeze %dma_start3A_18 : memref<1x1x98x128xi32, #tpu.memory_space<hbm>> -> memref<98x128xi32, #tpu.memory_space<hbm>>
      tpu.enqueue_dma source(%dma_start3A_19 : memref<98x128xi32, #tpu.memory_space<hbm>>) target(%arg8 : memref<98x128xi32, #tpu.memory_space<vmem>>) target_semaphore(%run_scoped3A : memref<!tpu.dma_semaphore, #tpu.memory_space<semaphore_mem>>)
      %dma_wait3A = arith.constant 0 : i32
      %dma_wait3A_20 = arith.constant 0 : i32
      %dma_wait3A_21 = tpu.memref_slice %arg4[%arg0, %arg1, %dma_wait3A, %dma_wait3A_20] : memref<2x16x98x128xi32, #tpu.memory_space<hbm>> -> memref<1x1x98x128xi32, #tpu.memory_space<hbm>>
      %dma_wait3A_22 = tpu.memref_squeeze %dma_wait3A_21 : memref<1x1x98x128xi32, #tpu.memory_space<hbm>> -> memref<98x128xi32, #tpu.memory_space<hbm>>
      %dma_wait3A_23 = arith.constant 0 : i32
      %dma_wait3A_24 = arith.constant 0 : i32
      %dma_wait3A_25 = tpu.memref_slice %arg4[%arg0, %arg1, %dma_wait3A_23, %dma_wait3A_24] : memref<2x16x98x128xi32, #tpu.memory_space<hbm>> -> memref<1x1x98x128xi32, #tpu.memory_space<hbm>>
      %dma_wait3A_26 = tpu.memref_squeeze %dma_wait3A_25 : memref<1x1x98x128xi32, #tpu.memory_space<hbm>> -> memref<98x128xi32, #tpu.memory_space<hbm>>
      tpu.wait_dma2 semaphore(%run_scoped3A : memref<!tpu.dma_semaphore, #tpu.memory_space<semaphore_mem>>) src(%dma_wait3A_26 : memref<98x128xi32, #tpu.memory_space<hbm>>) dst(%arg8 : memref<98x128xi32, #tpu.memory_space<vmem>>)
      tpu.yield
    }) : () -> ()
    "tpu.region"() ({
      %run_scoped3A = tpu.sem_alloc : memref<!tpu.dma_semaphore, #tpu.memory_space<semaphore_mem>>
      %dma_start3A = arith.constant 0 : i32
      %dma_start3A_13 = tpu.memref_slice %arg10[%mul3A_0, %dma_start3A] : memref<10112x128xf32, #tpu.memory_space<vmem_shared>> -> memref<632x128xf32, #tpu.memory_space<vmem_shared>>
      %dma_start3A_14 = arith.constant 0 : i32
      %dma_start3A_15 = tpu.memref_slice %arg5[%mul3A_0, %dma_start3A_14] : memref<10112x128xf32, #tpu.memory_space<hbm>> -> memref<632x128xf32, #tpu.memory_space<hbm>>
      tpu.enqueue_dma source(%dma_start3A_15 : memref<632x128xf32, #tpu.memory_space<hbm>>) target(%dma_start3A_13 : memref<632x128xf32, #tpu.memory_space<vmem_shared>>) target_semaphore(%run_scoped3A : memref<!tpu.dma_semaphore, #tpu.memory_space<semaphore_mem>>)
      %dma_wait3A = arith.constant 0 : i32
      %dma_wait3A_16 = tpu.memref_slice %arg10[%mul3A_0, %dma_wait3A] : memref<10112x128xf32, #tpu.memory_space<vmem_shared>> -> memref<632x128xf32, #tpu.memory_space<vmem_shared>>
      %dma_wait3A_17 = arith.constant 0 : i32
      %dma_wait3A_18 = tpu.memref_slice %arg5[%mul3A_0, %dma_wait3A_17] : memref<10112x128xf32, #tpu.memory_space<hbm>> -> memref<632x128xf32, #tpu.memory_space<hbm>>
      tpu.wait_dma2 semaphore(%run_scoped3A : memref<!tpu.dma_semaphore, #tpu.memory_space<semaphore_mem>>) src(%dma_wait3A_18 : memref<632x128xf32, #tpu.memory_space<hbm>>) dst(%dma_wait3A_16 : memref<632x128xf32, #tpu.memory_space<vmem_shared>>)
      tpu.yield
    }) : () -> ()
    %barrier3A = arith.constant 0 : index
    tpu.barrier barrier_id(%barrier3A)
    %eq3A = arith.constant 0 : i32
    %eq3A_1 = arith.cmpi eq, %arg0, %eq3A : i32
    %jit3A = arith.constant 98 : i32
    %jit3A_2 = arith.constant 59 : i32
    %select_n3A = arith.select %eq3A_1, %jit3A, %jit3A_2 : i32
    %while3A = arith.constant 0 : i32
    %while3A_3 = arith.constant 0 : i32
    %while3A_4 = arith.subi %select_n3A, %while3A_3 : i32
    %while3A_5 = arith.addi %while3A_3, %while3A_4 : i32
    %while3A_6 = arith.constant 1 : i32
    %while3A_7 = arith.divsi %while3A_4, %while3A_6 : i32
    %while3A_8 = arith.muli %while3A_7, %while3A_6 : i32
    %while3A_9 = arith.addi %while3A_3, %while3A_8 : i32
    %while3A_10 = arith.constant 1 : i32
    scf.for %while3A_13 = %while3A_3 to %while3A_9 step %while3A_10  : i32 {
      %dma_start3A = arith.constant 0 : i32
      %dma_start3A_14 = tpu.memref_slice %arg7[%while3A_13, %dma_start3A] : memref<98x128xi32, #tpu.memory_space<vmem>> -> memref<1x128xi32, #tpu.memory_space<vmem>>
      %dma_start3A_15 = tpu.memref_squeeze %dma_start3A_14 : memref<1x128xi32, #tpu.memory_space<vmem>> -> memref<128xi32, #tpu.memory_space<vmem>>
      %dma_start3A_16 = arith.constant 0 : i32
      %dma_start3A_17 = arith.constant 0 : i32
      %dma_start3A_18 = tpu.memref_slice %arg2[%dma_start3A_16, %dma_start3A_17] : memref<10000x128xf32, #tpu.memory_space<hbm>> -> memref<10000x128xf32, #tpu.memory_space<hbm>>
      tpu.enqueue_indirect_dma source(%dma_start3A_18 : memref<10000x128xf32, #tpu.memory_space<hbm>>) target(%arg9 : memref<128x128xf32, #tpu.memory_space<vmem>>) offsets(%dma_start3A_15 : memref<128xi32, #tpu.memory_space<vmem>>) semaphore(%arg11 : memref<!tpu.dma_semaphore, #tpu.memory_space<semaphore_mem>>)
      %dma_wait3A = arith.constant 0 : i32
      %dma_wait3A_19 = tpu.memref_slice %arg7[%while3A_13, %dma_wait3A] : memref<98x128xi32, #tpu.memory_space<vmem>> -> memref<1x128xi32, #tpu.memory_space<vmem>>
      %dma_wait3A_20 = tpu.memref_squeeze %dma_wait3A_19 : memref<1x128xi32, #tpu.memory_space<vmem>> -> memref<128xi32, #tpu.memory_space<vmem>>
      %dma_wait3A_21 = arith.constant 0 : i32
      %dma_wait3A_22 = arith.constant 0 : i32
      %dma_wait3A_23 = tpu.memref_slice %arg2[%dma_wait3A_21, %dma_wait3A_22] : memref<10000x128xf32, #tpu.memory_space<hbm>> -> memref<10000x128xf32, #tpu.memory_space<hbm>>
      tpu.wait_indirect_dma semaphore(%arg11 : memref<!tpu.dma_semaphore, #tpu.memory_space<semaphore_mem>>) src(%dma_wait3A_23 : memref<10000x128xf32, #tpu.memory_space<hbm>>) dst(%arg9 : memref<128x128xf32, #tpu.memory_space<vmem>>)
      "tpu.region"() ({
        %run_scoped3A = tpu.sem_alloc : memref<!tpu.dma_semaphore, #tpu.memory_space<semaphore_mem>>
        %dma_start3A_24 = arith.constant 0 : i32
        %dma_start3A_25 = tpu.memref_slice %arg8[%while3A_13, %dma_start3A_24] : memref<98x128xi32, #tpu.memory_space<vmem>> -> memref<1x128xi32, #tpu.memory_space<vmem>>
        %dma_start3A_26 = tpu.memref_squeeze %dma_start3A_25 : memref<1x128xi32, #tpu.memory_space<vmem>> -> memref<128xi32, #tpu.memory_space<vmem>>
        %dma_start3A_27 = arith.constant 0 : i32
        %dma_start3A_28 = arith.constant 0 : i32
        %dma_start3A_29 = tpu.memref_slice %arg10[%dma_start3A_27, %dma_start3A_28] : memref<10112x128xf32, #tpu.memory_space<vmem_shared>> -> memref<10112x128xf32, #tpu.memory_space<vmem_shared>>
        tpu.enqueue_indirect_dma source(%arg9 : memref<128x128xf32, #tpu.memory_space<vmem>>) target(%dma_start3A_29 : memref<10112x128xf32, #tpu.memory_space<vmem_shared>>) offsets(%dma_start3A_26 : memref<128xi32, #tpu.memory_space<vmem>>) semaphore(%run_scoped3A : memref<!tpu.dma_semaphore, #tpu.memory_space<semaphore_mem>>) {add = true}
        %dma_wait3A_30 = arith.constant 0 : i32
        %dma_wait3A_31 = tpu.memref_slice %arg8[%while3A_13, %dma_wait3A_30] : memref<98x128xi32, #tpu.memory_space<vmem>> -> memref<1x128xi32, #tpu.memory_space<vmem>>
        %dma_wait3A_32 = tpu.memref_squeeze %dma_wait3A_31 : memref<1x128xi32, #tpu.memory_space<vmem>> -> memref<128xi32, #tpu.memory_space<vmem>>
        %dma_wait3A_33 = arith.constant 0 : i32
        %dma_wait3A_34 = arith.constant 0 : i32
        %dma_wait3A_35 = tpu.memref_slice %arg10[%dma_wait3A_33, %dma_wait3A_34] : memref<10112x128xf32, #tpu.memory_space<vmem_shared>> -> memref<10112x128xf32, #tpu.memory_space<vmem_shared>>
        tpu.wait_indirect_dma semaphore(%run_scoped3A : memref<!tpu.dma_semaphore, #tpu.memory_space<semaphore_mem>>) src(%arg9 : memref<128x128xf32, #tpu.memory_space<vmem>>) dst(%dma_wait3A_35 : memref<10112x128xf32, #tpu.memory_space<vmem_shared>>)
        tpu.yield
      }) : () -> ()
    }
    %while3A_11 = arith.constant 1 : i32
    scf.for %while3A_13 = %while3A_9 to %while3A_5 step %while3A_11  : i32 {
      %dma_start3A = arith.constant 0 : i32
      %dma_start3A_14 = tpu.memref_slice %arg7[%while3A_13, %dma_start3A] : memref<98x128xi32, #tpu.memory_space<vmem>> -> memref<1x128xi32, #tpu.memory_space<vmem>>
      %dma_start3A_15 = tpu.memref_squeeze %dma_start3A_14 : memref<1x128xi32, #tpu.memory_space<vmem>> -> memref<128xi32, #tpu.memory_space<vmem>>
      %dma_start3A_16 = arith.constant 0 : i32
      %dma_start3A_17 = arith.constant 0 : i32
      %dma_start3A_18 = tpu.memref_slice %arg2[%dma_start3A_16, %dma_start3A_17] : memref<10000x128xf32, #tpu.memory_space<hbm>> -> memref<10000x128xf32, #tpu.memory_space<hbm>>
      tpu.enqueue_indirect_dma source(%dma_start3A_18 : memref<10000x128xf32, #tpu.memory_space<hbm>>) target(%arg9 : memref<128x128xf32, #tpu.memory_space<vmem>>) offsets(%dma_start3A_15 : memref<128xi32, #tpu.memory_space<vmem>>) semaphore(%arg11 : memref<!tpu.dma_semaphore, #tpu.memory_space<semaphore_mem>>)
      %dma_wait3A = arith.constant 0 : i32
      %dma_wait3A_19 = tpu.memref_slice %arg7[%while3A_13, %dma_wait3A] : memref<98x128xi32, #tpu.memory_space<vmem>> -> memref<1x128xi32, #tpu.memory_space<vmem>>
      %dma_wait3A_20 = tpu.memref_squeeze %dma_wait3A_19 : memref<1x128xi32, #tpu.memory_space<vmem>> -> memref<128xi32, #tpu.memory_space<vmem>>
      %dma_wait3A_21 = arith.constant 0 : i32
      %dma_wait3A_22 = arith.constant 0 : i32
      %dma_wait3A_23 = tpu.memref_slice %arg2[%dma_wait3A_21, %dma_wait3A_22] : memref<10000x128xf32, #tpu.memory_space<hbm>> -> memref<10000x128xf32, #tpu.memory_space<hbm>>
      tpu.wait_indirect_dma semaphore(%arg11 : memref<!tpu.dma_semaphore, #tpu.memory_space<semaphore_mem>>) src(%dma_wait3A_23 : memref<10000x128xf32, #tpu.memory_space<hbm>>) dst(%arg9 : memref<128x128xf32, #tpu.memory_space<vmem>>)
      "tpu.region"() ({
        %run_scoped3A = tpu.sem_alloc : memref<!tpu.dma_semaphore, #tpu.memory_space<semaphore_mem>>
        %dma_start3A_24 = arith.constant 0 : i32
        %dma_start3A_25 = tpu.memref_slice %arg8[%while3A_13, %dma_start3A_24] : memref<98x128xi32, #tpu.memory_space<vmem>> -> memref<1x128xi32, #tpu.memory_space<vmem>>
        %dma_start3A_26 = tpu.memref_squeeze %dma_start3A_25 : memref<1x128xi32, #tpu.memory_space<vmem>> -> memref<128xi32, #tpu.memory_space<vmem>>
        %dma_start3A_27 = arith.constant 0 : i32
        %dma_start3A_28 = arith.constant 0 : i32
        %dma_start3A_29 = tpu.memref_slice %arg10[%dma_start3A_27, %dma_start3A_28] : memref<10112x128xf32, #tpu.memory_space<vmem_shared>> -> memref<10112x128xf32, #tpu.memory_space<vmem_shared>>
        tpu.enqueue_indirect_dma source(%arg9 : memref<128x128xf32, #tpu.memory_space<vmem>>) target(%dma_start3A_29 : memref<10112x128xf32, #tpu.memory_space<vmem_shared>>) offsets(%dma_start3A_26 : memref<128xi32, #tpu.memory_space<vmem>>) semaphore(%run_scoped3A : memref<!tpu.dma_semaphore, #tpu.memory_space<semaphore_mem>>) {add = true}
        %dma_wait3A_30 = arith.constant 0 : i32
        %dma_wait3A_31 = tpu.memref_slice %arg8[%while3A_13, %dma_wait3A_30] : memref<98x128xi32, #tpu.memory_space<vmem>> -> memref<1x128xi32, #tpu.memory_space<vmem>>
        %dma_wait3A_32 = tpu.memref_squeeze %dma_wait3A_31 : memref<1x128xi32, #tpu.memory_space<vmem>> -> memref<128xi32, #tpu.memory_space<vmem>>
        %dma_wait3A_33 = arith.constant 0 : i32
        %dma_wait3A_34 = arith.constant 0 : i32
        %dma_wait3A_35 = tpu.memref_slice %arg10[%dma_wait3A_33, %dma_wait3A_34] : memref<10112x128xf32, #tpu.memory_space<vmem_shared>> -> memref<10112x128xf32, #tpu.memory_space<vmem_shared>>
        tpu.wait_indirect_dma semaphore(%run_scoped3A : memref<!tpu.dma_semaphore, #tpu.memory_space<semaphore_mem>>) src(%arg9 : memref<128x128xf32, #tpu.memory_space<vmem>>) dst(%dma_wait3A_35 : memref<10112x128xf32, #tpu.memory_space<vmem_shared>>)
        tpu.yield
      }) : () -> ()
    }
    %barrier3A_12 = arith.constant 0 : index
    tpu.barrier barrier_id(%barrier3A_12)
    "tpu.region"() ({
      %run_scoped3A = tpu.sem_alloc : memref<!tpu.dma_semaphore, #tpu.memory_space<semaphore_mem>>
      %dma_start3A = arith.constant 0 : i32
      %dma_start3A_13 = tpu.memref_slice %arg6[%arg0, %mul3A_0, %dma_start3A] : memref<2x10112x128xf32, #tpu.memory_space<hbm>> -> memref<1x632x128xf32, #tpu.memory_space<hbm>>
      %dma_start3A_14 = tpu.memref_squeeze %dma_start3A_13 : memref<1x632x128xf32, #tpu.memory_space<hbm>> -> memref<632x128xf32, #tpu.memory_space<hbm>>
      %dma_start3A_15 = arith.constant 0 : i32
      %dma_start3A_16 = tpu.memref_slice %arg10[%mul3A_0, %dma_start3A_15] : memref<10112x128xf32, #tpu.memory_space<vmem_shared>> -> memref<632x128xf32, #tpu.memory_space<vmem_shared>>
      tpu.enqueue_dma source(%dma_start3A_16 : memref<632x128xf32, #tpu.memory_space<vmem_shared>>) target(%dma_start3A_14 : memref<632x128xf32, #tpu.memory_space<hbm>>) target_semaphore(%run_scoped3A : memref<!tpu.dma_semaphore, #tpu.memory_space<semaphore_mem>>)
      %dma_wait3A = arith.constant 0 : i32
      %dma_wait3A_17 = tpu.memref_slice %arg6[%arg0, %mul3A_0, %dma_wait3A] : memref<2x10112x128xf32, #tpu.memory_space<hbm>> -> memref<1x632x128xf32, #tpu.memory_space<hbm>>
      %dma_wait3A_18 = tpu.memref_squeeze %dma_wait3A_17 : memref<1x632x128xf32, #tpu.memory_space<hbm>> -> memref<632x128xf32, #tpu.memory_space<hbm>>
      %dma_wait3A_19 = arith.constant 0 : i32
      %dma_wait3A_20 = tpu.memref_slice %arg10[%mul3A_0, %dma_wait3A_19] : memref<10112x128xf32, #tpu.memory_space<vmem_shared>> -> memref<632x128xf32, #tpu.memory_space<vmem_shared>>
      tpu.wait_dma2 semaphore(%run_scoped3A : memref<!tpu.dma_semaphore, #tpu.memory_space<semaphore_mem>>) src(%dma_wait3A_20 : memref<632x128xf32, #tpu.memory_space<vmem_shared>>) dst(%dma_wait3A_18 : memref<632x128xf32, #tpu.memory_space<hbm>>)
      tpu.yield
    }) : () -> ()
    return
  }
}

#map = affine_map<(d0, d1) -> (0, 0)>
#map1 = affine_map<(d0, d1) -> (0, 0, 0, 0)>
#map2 = affine_map<(d0, d1) -> (0, 0, 0)>
module attributes {stable_mosaic.version = 14 : i64} {
  func.func @_edge_agg_body(%arg0: i32, %arg1: i32, %arg2: memref<10000x128xf32, #tpu.memory_space<hbm>>, %arg3: memref<2x16x98x128xi32, #tpu.memory_space<hbm>>, %arg4: memref<2x16x98x128xi32, #tpu.memory_space<hbm>>, %arg5: memref<10112x128xf32, #tpu.memory_space<hbm>>, %arg6: memref<2x10112x128xf32, #tpu.memory_space<hbm>>, %arg7: memref<98x128xi32, #tpu.memory_space<vmem>>, %arg8: memref<98x128xi32, #tpu.memory_space<vmem>>, %arg9: memref<128x128xf32, #tpu.memory_space<vmem>>, %arg10: memref<10112x128xf32, #tpu.memory_space<vmem_shared>>, %arg11: memref<!tpu.dma_semaphore, #tpu.memory_space<semaphore_mem>>) attributes {dimension_semantics = [#tpu.dimension_semantics<core_parallel>, #tpu.dimension_semantics<subcore_parallel>], iteration_bounds = array<i64: 2, 16>, scalar_prefetch = 0 : i64, scratch_operands = 5 : i64, tpu.core_type = #tpu.core_type<sc_vector_subcore>, window_params = [{transform_indices = #map}, {transform_indices = #map1}, {transform_indices = #map1}, {transform_indices = #map}, {transform_indices = #map2}]} {
    %mul3A = arith.constant 632 : i32
    %mul3A_0 = arith.muli %arg1, %mul3A : i32
    "tpu.region"() ({
      %run_scoped3A = tpu.sem_alloc : memref<!tpu.dma_semaphore, #tpu.memory_space<semaphore_mem>>
      %dma_start3A = arith.constant 0 : i32
      %dma_start3A_13 = arith.constant 0 : i32
      %dma_start3A_14 = tpu.memref_slice %arg3[%arg0, %arg1, %dma_start3A, %dma_start3A_13] : memref<2x16x98x128xi32, #tpu.memory_space<hbm>> -> memref<1x1x98x128xi32, #tpu.memory_space<hbm>>
      %dma_start3A_15 = tpu.memref_squeeze %dma_start3A_14 : memref<1x1x98x128xi32, #tpu.memory_space<hbm>> -> memref<98x128xi32, #tpu.memory_space<hbm>>
      %dma_start3A_16 = arith.constant 0 : i32
      %dma_start3A_17 = arith.constant 0 : i32
      %dma_start3A_18 = tpu.memref_slice %arg3[%arg0, %arg1, %dma_start3A_16, %dma_start3A_17] : memref<2x16x98x128xi32, #tpu.memory_space<hbm>> -> memref<1x1x98x128xi32, #tpu.memory_space<hbm>>
      %dma_start3A_19 = tpu.memref_squeeze %dma_start3A_18 : memref<1x1x98x128xi32, #tpu.memory_space<hbm>> -> memref<98x128xi32, #tpu.memory_space<hbm>>
      tpu.enqueue_dma source(%dma_start3A_19 : memref<98x128xi32, #tpu.memory_space<hbm>>) target(%arg7 : memref<98x128xi32, #tpu.memory_space<vmem>>) target_semaphore(%run_scoped3A : memref<!tpu.dma_semaphore, #tpu.memory_space<semaphore_mem>>)
      %dma_wait3A = arith.constant 0 : i32
      %dma_wait3A_20 = arith.constant 0 : i32
      %dma_wait3A_21 = tpu.memref_slice %arg3[%arg0, %arg1, %dma_wait3A, %dma_wait3A_20] : memref<2x16x98x128xi32, #tpu.memory_space<hbm>> -> memref<1x1x98x128xi32, #tpu.memory_space<hbm>>
      %dma_wait3A_22 = tpu.memref_squeeze %dma_wait3A_21 : memref<1x1x98x128xi32, #tpu.memory_space<hbm>> -> memref<98x128xi32, #tpu.memory_space<hbm>>
      %dma_wait3A_23 = arith.constant 0 : i32
      %dma_wait3A_24 = arith.constant 0 : i32
      %dma_wait3A_25 = tpu.memref_slice %arg3[%arg0, %arg1, %dma_wait3A_23, %dma_wait3A_24] : memref<2x16x98x128xi32, #tpu.memory_space<hbm>> -> memref<1x1x98x128xi32, #tpu.memory_space<hbm>>
      %dma_wait3A_26 = tpu.memref_squeeze %dma_wait3A_25 : memref<1x1x98x128xi32, #tpu.memory_space<hbm>> -> memref<98x128xi32, #tpu.memory_space<hbm>>
      tpu.wait_dma2 semaphore(%run_scoped3A : memref<!tpu.dma_semaphore, #tpu.memory_space<semaphore_mem>>) src(%dma_wait3A_26 : memref<98x128xi32, #tpu.memory_space<hbm>>) dst(%arg7 : memref<98x128xi32, #tpu.memory_space<vmem>>)
      tpu.yield
    }) : () -> ()
    "tpu.region"() ({
      %run_scoped3A = tpu.sem_alloc : memref<!tpu.dma_semaphore, #tpu.memory_space<semaphore_mem>>
      %dma_start3A = arith.constant 0 : i32
      %dma_start3A_13 = arith.constant 0 : i32
      %dma_start3A_14 = tpu.memref_slice %arg4[%arg0, %arg1, %dma_start3A, %dma_start3A_13] : memref<2x16x98x128xi32, #tpu.memory_space<hbm>> -> memref<1x1x98x128xi32, #tpu.memory_space<hbm>>
      %dma_start3A_15 = tpu.memref_squeeze %dma_start3A_14 : memref<1x1x98x128xi32, #tpu.memory_space<hbm>> -> memref<98x128xi32, #tpu.memory_space<hbm>>
      %dma_start3A_16 = arith.constant 0 : i32
      %dma_start3A_17 = arith.constant 0 : i32
      %dma_start3A_18 = tpu.memref_slice %arg4[%arg0, %arg1, %dma_start3A_16, %dma_start3A_17] : memref<2x16x98x128xi32, #tpu.memory_space<hbm>> -> memref<1x1x98x128xi32, #tpu.memory_space<hbm>>
      %dma_start3A_19 = tpu.memref_squeeze %dma_start3A_18 : memref<1x1x98x128xi32, #tpu.memory_space<hbm>> -> memref<98x128xi32, #tpu.memory_space<hbm>>
      tpu.enqueue_dma source(%dma_start3A_19 : memref<98x128xi32, #tpu.memory_space<hbm>>) target(%arg8 : memref<98x128xi32, #tpu.memory_space<vmem>>) target_semaphore(%run_scoped3A : memref<!tpu.dma_semaphore, #tpu.memory_space<semaphore_mem>>)
      %dma_wait3A = arith.constant 0 : i32
      %dma_wait3A_20 = arith.constant 0 : i32
      %dma_wait3A_21 = tpu.memref_slice %arg4[%arg0, %arg1, %dma_wait3A, %dma_wait3A_20] : memref<2x16x98x128xi32, #tpu.memory_space<hbm>> -> memref<1x1x98x128xi32, #tpu.memory_space<hbm>>
      %dma_wait3A_22 = tpu.memref_squeeze %dma_wait3A_21 : memref<1x1x98x128xi32, #tpu.memory_space<hbm>> -> memref<98x128xi32, #tpu.memory_space<hbm>>
      %dma_wait3A_23 = arith.constant 0 : i32
      %dma_wait3A_24 = arith.constant 0 : i32
      %dma_wait3A_25 = tpu.memref_slice %arg4[%arg0, %arg1, %dma_wait3A_23, %dma_wait3A_24] : memref<2x16x98x128xi32, #tpu.memory_space<hbm>> -> memref<1x1x98x128xi32, #tpu.memory_space<hbm>>
      %dma_wait3A_26 = tpu.memref_squeeze %dma_wait3A_25 : memref<1x1x98x128xi32, #tpu.memory_space<hbm>> -> memref<98x128xi32, #tpu.memory_space<hbm>>
      tpu.wait_dma2 semaphore(%run_scoped3A : memref<!tpu.dma_semaphore, #tpu.memory_space<semaphore_mem>>) src(%dma_wait3A_26 : memref<98x128xi32, #tpu.memory_space<hbm>>) dst(%arg8 : memref<98x128xi32, #tpu.memory_space<vmem>>)
      tpu.yield
    }) : () -> ()
    "tpu.region"() ({
      %run_scoped3A = tpu.sem_alloc : memref<!tpu.dma_semaphore, #tpu.memory_space<semaphore_mem>>
      %dma_start3A = arith.constant 0 : i32
      %dma_start3A_13 = tpu.memref_slice %arg10[%mul3A_0, %dma_start3A] : memref<10112x128xf32, #tpu.memory_space<vmem_shared>> -> memref<632x128xf32, #tpu.memory_space<vmem_shared>>
      %dma_start3A_14 = arith.constant 0 : i32
      %dma_start3A_15 = tpu.memref_slice %arg5[%mul3A_0, %dma_start3A_14] : memref<10112x128xf32, #tpu.memory_space<hbm>> -> memref<632x128xf32, #tpu.memory_space<hbm>>
      tpu.enqueue_dma source(%dma_start3A_15 : memref<632x128xf32, #tpu.memory_space<hbm>>) target(%dma_start3A_13 : memref<632x128xf32, #tpu.memory_space<vmem_shared>>) target_semaphore(%run_scoped3A : memref<!tpu.dma_semaphore, #tpu.memory_space<semaphore_mem>>)
      %dma_wait3A = arith.constant 0 : i32
      %dma_wait3A_16 = tpu.memref_slice %arg10[%mul3A_0, %dma_wait3A] : memref<10112x128xf32, #tpu.memory_space<vmem_shared>> -> memref<632x128xf32, #tpu.memory_space<vmem_shared>>
      %dma_wait3A_17 = arith.constant 0 : i32
      %dma_wait3A_18 = tpu.memref_slice %arg5[%mul3A_0, %dma_wait3A_17] : memref<10112x128xf32, #tpu.memory_space<hbm>> -> memref<632x128xf32, #tpu.memory_space<hbm>>
      tpu.wait_dma2 semaphore(%run_scoped3A : memref<!tpu.dma_semaphore, #tpu.memory_space<semaphore_mem>>) src(%dma_wait3A_18 : memref<632x128xf32, #tpu.memory_space<hbm>>) dst(%dma_wait3A_16 : memref<632x128xf32, #tpu.memory_space<vmem_shared>>)
      tpu.yield
    }) : () -> ()
    %barrier3A = arith.constant 0 : index
    tpu.barrier barrier_id(%barrier3A)
    %eq3A = arith.constant 0 : i32
    %eq3A_1 = arith.cmpi eq, %arg0, %eq3A : i32
    %jit3A = arith.constant 98 : i32
    %jit3A_2 = arith.constant 59 : i32
    %select_n3A = arith.select %eq3A_1, %jit3A, %jit3A_2 : i32
    %while3A = arith.constant 0 : i32
    %while3A_3 = arith.constant 0 : i32
    %while3A_4 = arith.subi %select_n3A, %while3A_3 : i32
    %while3A_5 = arith.addi %while3A_3, %while3A_4 : i32
    %while3A_6 = arith.constant 1 : i32
    %while3A_7 = arith.divsi %while3A_4, %while3A_6 : i32
    %while3A_8 = arith.muli %while3A_7, %while3A_6 : i32
    %while3A_9 = arith.addi %while3A_3, %while3A_8 : i32
    %while3A_10 = arith.constant 1 : i32
    scf.for %while3A_13 = %while3A_3 to %while3A_9 step %while3A_10  : i32 {
      %dma_start3A = arith.constant 0 : i32
      %dma_start3A_14 = tpu.memref_slice %arg7[%while3A_13, %dma_start3A] : memref<98x128xi32, #tpu.memory_space<vmem>> -> memref<1x128xi32, #tpu.memory_space<vmem>>
      %dma_start3A_15 = tpu.memref_squeeze %dma_start3A_14 : memref<1x128xi32, #tpu.memory_space<vmem>> -> memref<128xi32, #tpu.memory_space<vmem>>
      %dma_start3A_16 = arith.constant 0 : i32
      %dma_start3A_17 = arith.constant 0 : i32
      %dma_start3A_18 = tpu.memref_slice %arg2[%dma_start3A_16, %dma_start3A_17] : memref<10000x128xf32, #tpu.memory_space<hbm>> -> memref<10000x128xf32, #tpu.memory_space<hbm>>
      tpu.enqueue_indirect_dma source(%dma_start3A_18 : memref<10000x128xf32, #tpu.memory_space<hbm>>) target(%arg9 : memref<128x128xf32, #tpu.memory_space<vmem>>) offsets(%dma_start3A_15 : memref<128xi32, #tpu.memory_space<vmem>>) semaphore(%arg11 : memref<!tpu.dma_semaphore, #tpu.memory_space<semaphore_mem>>)
      %dma_wait3A = arith.constant 0 : i32
      %dma_wait3A_19 = tpu.memref_slice %arg7[%while3A_13, %dma_wait3A] : memref<98x128xi32, #tpu.memory_space<vmem>> -> memref<1x128xi32, #tpu.memory_space<vmem>>
      %dma_wait3A_20 = tpu.memref_squeeze %dma_wait3A_19 : memref<1x128xi32, #tpu.memory_space<vmem>> -> memref<128xi32, #tpu.memory_space<vmem>>
      %dma_wait3A_21 = arith.constant 0 : i32
      %dma_wait3A_22 = arith.constant 0 : i32
      %dma_wait3A_23 = tpu.memref_slice %arg2[%dma_wait3A_21, %dma_wait3A_22] : memref<10000x128xf32, #tpu.memory_space<hbm>> -> memref<10000x128xf32, #tpu.memory_space<hbm>>
      tpu.wait_indirect_dma semaphore(%arg11 : memref<!tpu.dma_semaphore, #tpu.memory_space<semaphore_mem>>) src(%dma_wait3A_23 : memref<10000x128xf32, #tpu.memory_space<hbm>>) dst(%arg9 : memref<128x128xf32, #tpu.memory_space<vmem>>)
      "tpu.region"() ({
        %run_scoped3A = tpu.sem_alloc : memref<!tpu.dma_semaphore, #tpu.memory_space<semaphore_mem>>
        %dma_start3A_24 = arith.constant 0 : i32
        %dma_start3A_25 = tpu.memref_slice %arg8[%while3A_13, %dma_start3A_24] : memref<98x128xi32, #tpu.memory_space<vmem>> -> memref<1x128xi32, #tpu.memory_space<vmem>>
        %dma_start3A_26 = tpu.memref_squeeze %dma_start3A_25 : memref<1x128xi32, #tpu.memory_space<vmem>> -> memref<128xi32, #tpu.memory_space<vmem>>
        %dma_start3A_27 = arith.constant 0 : i32
        %dma_start3A_28 = arith.constant 0 : i32
        %dma_start3A_29 = tpu.memref_slice %arg10[%dma_start3A_27, %dma_start3A_28] : memref<10112x128xf32, #tpu.memory_space<vmem_shared>> -> memref<10112x128xf32, #tpu.memory_space<vmem_shared>>
        tpu.enqueue_indirect_dma source(%arg9 : memref<128x128xf32, #tpu.memory_space<vmem>>) target(%dma_start3A_29 : memref<10112x128xf32, #tpu.memory_space<vmem_shared>>) offsets(%dma_start3A_26 : memref<128xi32, #tpu.memory_space<vmem>>) semaphore(%run_scoped3A : memref<!tpu.dma_semaphore, #tpu.memory_space<semaphore_mem>>) {add = true}
        %dma_wait3A_30 = arith.constant 0 : i32
        %dma_wait3A_31 = tpu.memref_slice %arg8[%while3A_13, %dma_wait3A_30] : memref<98x128xi32, #tpu.memory_space<vmem>> -> memref<1x128xi32, #tpu.memory_space<vmem>>
        %dma_wait3A_32 = tpu.memref_squeeze %dma_wait3A_31 : memref<1x128xi32, #tpu.memory_space<vmem>> -> memref<128xi32, #tpu.memory_space<vmem>>
        %dma_wait3A_33 = arith.constant 0 : i32
        %dma_wait3A_34 = arith.constant 0 : i32
        %dma_wait3A_35 = tpu.memref_slice %arg10[%dma_wait3A_33, %dma_wait3A_34] : memref<10112x128xf32, #tpu.memory_space<vmem_shared>> -> memref<10112x128xf32, #tpu.memory_space<vmem_shared>>
        tpu.wait_indirect_dma semaphore(%run_scoped3A : memref<!tpu.dma_semaphore, #tpu.memory_space<semaphore_mem>>) src(%arg9 : memref<128x128xf32, #tpu.memory_space<vmem>>) dst(%dma_wait3A_35 : memref<10112x128xf32, #tpu.memory_space<vmem_shared>>)
        tpu.yield
      }) : () -> ()
    }
    %while3A_11 = arith.constant 1 : i32
    scf.for %while3A_13 = %while3A_9 to %while3A_5 step %while3A_11  : i32 {
      %dma_start3A = arith.constant 0 : i32
      %dma_start3A_14 = tpu.memref_slice %arg7[%while3A_13, %dma_start3A] : memref<98x128xi32, #tpu.memory_space<vmem>> -> memref<1x128xi32, #tpu.memory_space<vmem>>
      %dma_start3A_15 = tpu.memref_squeeze %dma_start3A_14 : memref<1x128xi32, #tpu.memory_space<vmem>> -> memref<128xi32, #tpu.memory_space<vmem>>
      %dma_start3A_16 = arith.constant 0 : i32
      %dma_start3A_17 = arith.constant 0 : i32
      %dma_start3A_18 = tpu.memref_slice %arg2[%dma_start3A_16, %dma_start3A_17] : memref<10000x128xf32, #tpu.memory_space<hbm>> -> memref<10000x128xf32, #tpu.memory_space<hbm>>
      tpu.enqueue_indirect_dma source(%dma_start3A_18 : memref<10000x128xf32, #tpu.memory_space<hbm>>) target(%arg9 : memref<128x128xf32, #tpu.memory_space<vmem>>) offsets(%dma_start3A_15 : memref<128xi32, #tpu.memory_space<vmem>>) semaphore(%arg11 : memref<!tpu.dma_semaphore, #tpu.memory_space<semaphore_mem>>)
      %dma_wait3A = arith.constant 0 : i32
      %dma_wait3A_19 = tpu.memref_slice %arg7[%while3A_13, %dma_wait3A] : memref<98x128xi32, #tpu.memory_space<vmem>> -> memref<1x128xi32, #tpu.memory_space<vmem>>
      %dma_wait3A_20 = tpu.memref_squeeze %dma_wait3A_19 : memref<1x128xi32, #tpu.memory_space<vmem>> -> memref<128xi32, #tpu.memory_space<vmem>>
      %dma_wait3A_21 = arith.constant 0 : i32
      %dma_wait3A_22 = arith.constant 0 : i32
      %dma_wait3A_23 = tpu.memref_slice %arg2[%dma_wait3A_21, %dma_wait3A_22] : memref<10000x128xf32, #tpu.memory_space<hbm>> -> memref<10000x128xf32, #tpu.memory_space<hbm>>
      tpu.wait_indirect_dma semaphore(%arg11 : memref<!tpu.dma_semaphore, #tpu.memory_space<semaphore_mem>>) src(%dma_wait3A_23 : memref<10000x128xf32, #tpu.memory_space<hbm>>) dst(%arg9 : memref<128x128xf32, #tpu.memory_space<vmem>>)
      "tpu.region"() ({
        %run_scoped3A = tpu.sem_alloc : memref<!tpu.dma_semaphore, #tpu.memory_space<semaphore_mem>>
        %dma_start3A_24 = arith.constant 0 : i32
        %dma_start3A_25 = tpu.memref_slice %arg8[%while3A_13, %dma_start3A_24] : memref<98x128xi32, #tpu.memory_space<vmem>> -> memref<1x128xi32, #tpu.memory_space<vmem>>
        %dma_start3A_26 = tpu.memref_squeeze %dma_start3A_25 : memref<1x128xi32, #tpu.memory_space<vmem>> -> memref<128xi32, #tpu.memory_space<vmem>>
        %dma_start3A_27 = arith.constant 0 : i32
        %dma_start3A_28 = arith.constant 0 : i32
        %dma_start3A_29 = tpu.memref_slice %arg10[%dma_start3A_27, %dma_start3A_28] : memref<10112x128xf32, #tpu.memory_space<vmem_shared>> -> memref<10112x128xf32, #tpu.memory_space<vmem_shared>>
        tpu.enqueue_indirect_dma source(%arg9 : memref<128x128xf32, #tpu.memory_space<vmem>>) target(%dma_start3A_29 : memref<10112x128xf32, #tpu.memory_space<vmem_shared>>) offsets(%dma_start3A_26 : memref<128xi32, #tpu.memory_space<vmem>>) semaphore(%run_scoped3A : memref<!tpu.dma_semaphore, #tpu.memory_space<semaphore_mem>>) {add = true}
        %dma_wait3A_30 = arith.constant 0 : i32
        %dma_wait3A_31 = tpu.memref_slice %arg8[%while3A_13, %dma_wait3A_30] : memref<98x128xi32, #tpu.memory_space<vmem>> -> memref<1x128xi32, #tpu.memory_space<vmem>>
        %dma_wait3A_32 = tpu.memref_squeeze %dma_wait3A_31 : memref<1x128xi32, #tpu.memory_space<vmem>> -> memref<128xi32, #tpu.memory_space<vmem>>
        %dma_wait3A_33 = arith.constant 0 : i32
        %dma_wait3A_34 = arith.constant 0 : i32
        %dma_wait3A_35 = tpu.memref_slice %arg10[%dma_wait3A_33, %dma_wait3A_34] : memref<10112x128xf32, #tpu.memory_space<vmem_shared>> -> memref<10112x128xf32, #tpu.memory_space<vmem_shared>>
        tpu.wait_indirect_dma semaphore(%run_scoped3A : memref<!tpu.dma_semaphore, #tpu.memory_space<semaphore_mem>>) src(%arg9 : memref<128x128xf32, #tpu.memory_space<vmem>>) dst(%dma_wait3A_35 : memref<10112x128xf32, #tpu.memory_space<vmem_shared>>)
        tpu.yield
      }) : () -> ()
    }
    %barrier3A_12 = arith.constant 0 : index
    tpu.barrier barrier_id(%barrier3A_12)
    "tpu.region"() ({
      %run_scoped3A = tpu.sem_alloc : memref<!tpu.dma_semaphore, #tpu.memory_space<semaphore_mem>>
      %dma_start3A = arith.constant 0 : i32
      %dma_start3A_13 = tpu.memref_slice %arg6[%arg0, %mul3A_0, %dma_start3A] : memref<2x10112x128xf32, #tpu.memory_space<hbm>> -> memref<1x632x128xf32, #tpu.memory_space<hbm>>
      %dma_start3A_14 = tpu.memref_squeeze %dma_start3A_13 : memref<1x632x128xf32, #tpu.memory_space<hbm>> -> memref<632x128xf32, #tpu.memory_space<hbm>>
      %dma_start3A_15 = arith.constant 0 : i32
      %dma_start3A_16 = tpu.memref_slice %arg10[%mul3A_0, %dma_start3A_15] : memref<10112x128xf32, #tpu.memory_space<vmem_shared>> -> memref<632x128xf32, #tpu.memory_space<vmem_shared>>
      tpu.enqueue_dma source(%dma_start3A_16 : memref<632x128xf32, #tpu.memory_space<vmem_shared>>) target(%dma_start3A_14 : memref<632x128xf32, #tpu.memory_space<hbm>>) target_semaphore(%run_scoped3A : memref<!tpu.dma_semaphore, #tpu.memory_space<semaphore_mem>>)
      %dma_wait3A = arith.constant 0 : i32
      %dma_wait3A_17 = tpu.memref_slice %arg6[%arg0, %mul3A_0, %dma_wait3A] : memref<2x10112x128xf32, #tpu.memory_space<hbm>> -> memref<1x632x128xf32, #tpu.memory_space<hbm>>
      %dma_wait3A_18 = tpu.memref_squeeze %dma_wait3A_17 : memref<1x632x128xf32, #tpu.memory_space<hbm>> -> memref<632x128xf32, #tpu.memory_space<hbm>>
      %dma_wait3A_19 = arith.constant 0 : i32
      %dma_wait3A_20 = tpu.memref_slice %arg10[%mul3A_0, %dma_wait3A_19] : memref<10112x128xf32, #tpu.memory_space<vmem_shared>> -> memref<632x128xf32, #tpu.memory_space<vmem_shared>>
      tpu.wait_dma2 semaphore(%run_scoped3A : memref<!tpu.dma_semaphore, #tpu.memory_space<semaphore_mem>>) src(%dma_wait3A_20 : memref<632x128xf32, #tpu.memory_space<vmem_shared>>) dst(%dma_wait3A_18 : memref<632x128xf32, #tpu.memory_space<hbm>>)
      tpu.yield
    }) : () -> ()
    return
  }
}

module attributes {stable_mosaic.version = 14 : i64} {
  func.func @_mm2_body(%arg0: memref<10000x128xf32, #tpu.memory_space<vmem>>, %arg1: memref<128x128xf32, #tpu.memory_space<vmem>>, %arg2: memref<128x128xf32, #tpu.memory_space<vmem>>, %arg3: memref<1x128xf32, #tpu.memory_space<vmem>>, %arg4: memref<10000x128xf32, #tpu.memory_space<vmem>>, %arg5: memref<10000x128xf32, #tpu.memory_space<vmem>>) attributes {dimension_semantics = [], scalar_prefetch = 0 : i64, scratch_operands = 0 : i64, tpu.core_type = #tpu.core_type<tc>} {
    %get3A = arith.constant 0 : index
    %get3A_0 = arith.constant 0 : index
    %get3A_1 = vector.load %arg0[%get3A, %get3A_0] : memref<10000x128xf32, #tpu.memory_space<vmem>>, vector<10000x128xf32>
    %get3A_2 = arith.constant 0 : index
    %get3A_3 = arith.constant 0 : index
    %get3A_4 = vector.load %arg1[%get3A_2, %get3A_3] : memref<128x128xf32, #tpu.memory_space<vmem>>, vector<128x128xf32>
    %dot_general3A = arith.constant dense<0.000000e+00> : vector<10000x128xf32>
    %dot_general3A_5 = tpu.matmul %get3A_1, %get3A_4, %dot_general3A {dimension_numbers = #tpu.dot_dimension_numbers<[1], [0], [0], [1], [0, 0, 1, 1], [], []>, transpose_lhs_hint = false} : vector<10000x128xf32>, vector<128x128xf32>, vector<10000x128xf32> -> vector<10000x128xf32>
    %swap3A = arith.constant 0 : index
    %swap3A_6 = arith.constant 0 : index
    %swap3A_7 = vector.load %arg4[%swap3A, %swap3A_6] : memref<10000x128xf32, #tpu.memory_space<vmem>>, vector<10000x128xf32>
    tpu.vector_store %arg4[%swap3A, %swap3A_6], %dot_general3A_5 {strides = array<i32>} : memref<10000x128xf32, #tpu.memory_space<vmem>>, vector<10000x128xf32>,
    %get3A_8 = arith.constant 0 : index
    %get3A_9 = arith.constant 0 : index
    %get3A_10 = vector.load %arg2[%get3A_8, %get3A_9] : memref<128x128xf32, #tpu.memory_space<vmem>>, vector<128x128xf32>
    %dot_general3A_11 = arith.constant dense<0.000000e+00> : vector<10000x128xf32>
    %dot_general3A_12 = tpu.matmul %get3A_1, %get3A_10, %dot_general3A_11 {dimension_numbers = #tpu.dot_dimension_numbers<[1], [0], [0], [1], [0, 0, 1, 1], [], []>, transpose_lhs_hint = false} : vector<10000x128xf32>, vector<128x128xf32>, vector<10000x128xf32> -> vector<10000x128xf32>
    %get3A_13 = arith.constant 0 : index
    %get3A_14 = arith.constant 0 : index
    %get3A_15 = vector.load %arg3[%get3A_13, %get3A_14] : memref<1x128xf32, #tpu.memory_space<vmem>>, vector<1x128xf32>
    %add3A = vector.broadcast %get3A_15 : vector<1x128xf32> to vector<10000x128xf32>
    %add3A_16 = arith.addf %dot_general3A_12, %add3A : vector<10000x128xf32>
    %swap3A_17 = arith.constant 0 : index
    %swap3A_18 = arith.constant 0 : index
    %swap3A_19 = vector.load %arg5[%swap3A_17, %swap3A_18] : memref<10000x128xf32, #tpu.memory_space<vmem>>, vector<10000x128xf32>
    tpu.vector_store %arg5[%swap3A_17, %swap3A_18], %add3A_16 {strides = array<i32>} : memref<10000x128xf32, #tpu.memory_space<vmem>>, vector<10000x128xf32>,
    return
  }
}

module attributes {stable_mosaic.version = 14 : i64} {
  func.func @_bnmm_body(%arg0: memref<2x10112x128xf32, #tpu.memory_space<vmem>>, %arg1: memref<10000x128xf32, #tpu.memory_space<vmem>>, %arg2: memref<1x128xf32, #tpu.memory_space<vmem>>, %arg3: memref<1x128xf32, #tpu.memory_space<vmem>>, %arg4: memref<10000x128xf32, #tpu.memory_space<vmem>>, %arg5: memref<128x128xf32, #tpu.memory_space<vmem>>, %arg6: memref<128x128xf32, #tpu.memory_space<vmem>>, %arg7: memref<1x128xf32, #tpu.memory_space<vmem>>, %arg8: memref<10000x128xf32, #tpu.memory_space<vmem>>, %arg9: memref<10000x128xf32, #tpu.memory_space<vmem>>, %arg10: memref<10000x128xf32, #tpu.memory_space<vmem>>) attributes {dimension_semantics = [], scalar_prefetch = 0 : i64, scratch_operands = 0 : i64, tpu.core_type = #tpu.core_type<tc>} {
    %get3A = arith.constant 0 : index
    %get3A_0 = arith.constant 0 : index
    %get3A_1 = arith.constant 0 : index
    %get3A_2 = vector.load %arg0[%get3A, %get3A_0, %get3A_1] : memref<2x10112x128xf32, #tpu.memory_space<vmem>>, vector<1x10000x128xf32>
    %get3A_3 = vector.shape_cast %get3A_2 : vector<1x10000x128xf32> to vector<10000x128xf32>
    %get3A_4 = arith.constant 1 : index
    %get3A_5 = arith.constant 0 : index
    %get3A_6 = arith.constant 0 : index
    %get3A_7 = vector.load %arg0[%get3A_4, %get3A_5, %get3A_6] : memref<2x10112x128xf32, #tpu.memory_space<vmem>>, vector<1x10000x128xf32>
    %get3A_8 = vector.shape_cast %get3A_7 : vector<1x10000x128xf32> to vector<10000x128xf32>
    %add3A = arith.addf %get3A_3, %get3A_8 : vector<10000x128xf32>
    %get3A_9 = arith.constant 0 : index
    %get3A_10 = arith.constant 0 : index
    %get3A_11 = vector.load %arg1[%get3A_9, %get3A_10] : memref<10000x128xf32, #tpu.memory_space<vmem>>, vector<10000x128xf32>
    %add3A_12 = arith.addf %add3A, %get3A_11 : vector<10000x128xf32>
    %reduce_sum3A = arith.constant dense<0.000000e+00> : vector<128xf32>
    %reduce_sum3A_13 = vector.multi_reduction <add>, %add3A_12, %reduce_sum3A [0] : vector<10000x128xf32> to vector<128xf32>
    %broadcast_in_dim3A = vector.shape_cast %reduce_sum3A_13 : vector<128xf32> to vector<1x128xf32>
    %div3A = arith.constant 1.000000e+04 : f32
    %div3A_14 = vector.broadcast %div3A : f32 to vector<1x128xf32>
    %div3A_15 = arith.divf %broadcast_in_dim3A, %div3A_14 : vector<1x128xf32>
    %sub3A = vector.broadcast %div3A_15 : vector<1x128xf32> to vector<10000x128xf32>
    %sub3A_16 = arith.subf %add3A_12, %sub3A : vector<10000x128xf32>
    %mul3A = arith.mulf %sub3A_16, %sub3A_16 : vector<10000x128xf32>
    %reduce_sum3A_17 = arith.constant dense<0.000000e+00> : vector<128xf32>
    %reduce_sum3A_18 = vector.multi_reduction <add>, %mul3A, %reduce_sum3A_17 [0] : vector<10000x128xf32> to vector<128xf32>
    %broadcast_in_dim3A_19 = vector.shape_cast %reduce_sum3A_18 : vector<128xf32> to vector<1x128xf32>
    %div3A_20 = arith.constant 1.000000e+04 : f32
    %div3A_21 = vector.broadcast %div3A_20 : f32 to vector<1x128xf32>
    %div3A_22 = arith.divf %broadcast_in_dim3A_19, %div3A_21 : vector<1x128xf32>
    %add3A_23 = arith.constant 1.000000e-03 : f32
    %add3A_24 = vector.broadcast %add3A_23 : f32 to vector<1x128xf32>
    %add3A_25 = arith.addf %div3A_22, %add3A_24 : vector<1x128xf32>
    %rsqrt3A = math.rsqrt %add3A_25 : vector<1x128xf32>
    %mul3A_26 = vector.broadcast %rsqrt3A : vector<1x128xf32> to vector<10000x128xf32>
    %mul3A_27 = arith.mulf %sub3A_16, %mul3A_26 : vector<10000x128xf32>
    %get3A_28 = arith.constant 0 : index
    %get3A_29 = arith.constant 0 : index
    %get3A_30 = vector.load %arg2[%get3A_28, %get3A_29] : memref<1x128xf32, #tpu.memory_space<vmem>>, vector<1x128xf32>
    %mul3A_31 = vector.broadcast %get3A_30 : vector<1x128xf32> to vector<10000x128xf32>
    %mul3A_32 = arith.mulf %mul3A_27, %mul3A_31 : vector<10000x128xf32>
    %get3A_33 = arith.constant 0 : index
    %get3A_34 = arith.constant 0 : index
    %get3A_35 = vector.load %arg3[%get3A_33, %get3A_34] : memref<1x128xf32, #tpu.memory_space<vmem>>, vector<1x128xf32>
    %add3A_36 = vector.broadcast %get3A_35 : vector<1x128xf32> to vector<10000x128xf32>
    %add3A_37 = arith.addf %mul3A_32, %add3A_36 : vector<10000x128xf32>
    %max3A = arith.constant 0.000000e+00 : f32
    %max3A_38 = vector.broadcast %max3A : f32 to vector<10000x128xf32>
    %max3A_39 = arith.maximumf %add3A_37, %max3A_38 : vector<10000x128xf32>
    %swap3A = arith.constant 0 : index
    %swap3A_40 = arith.constant 0 : index
    %swap3A_41 = vector.load %arg8[%swap3A, %swap3A_40] : memref<10000x128xf32, #tpu.memory_space<vmem>>, vector<10000x128xf32>
    tpu.vector_store %arg8[%swap3A, %swap3A_40], %max3A_39 {strides = array<i32>} : memref<10000x128xf32, #tpu.memory_space<vmem>>, vector<10000x128xf32>,
    %get3A_42 = arith.constant 0 : index
    %get3A_43 = arith.constant 0 : index
    %get3A_44 = vector.load %arg5[%get3A_42, %get3A_43] : memref<128x128xf32, #tpu.memory_space<vmem>>, vector<128x128xf32>
    %dot_general3A = arith.constant dense<0.000000e+00> : vector<10000x128xf32>
    %dot_general3A_45 = tpu.matmul %max3A_39, %get3A_44, %dot_general3A {dimension_numbers = #tpu.dot_dimension_numbers<[1], [0], [0], [1], [0, 0, 1, 1], [], []>, transpose_lhs_hint = false} : vector<10000x128xf32>, vector<128x128xf32>, vector<10000x128xf32> -> vector<10000x128xf32>
    %swap3A_46 = arith.constant 0 : index
    %swap3A_47 = arith.constant 0 : index
    %swap3A_48 = vector.load %arg9[%swap3A_46, %swap3A_47] : memref<10000x128xf32, #tpu.memory_space<vmem>>, vector<10000x128xf32>
    tpu.vector_store %arg9[%swap3A_46, %swap3A_47], %dot_general3A_45 {strides = array<i32>} : memref<10000x128xf32, #tpu.memory_space<vmem>>, vector<10000x128xf32>,
    %get3A_49 = arith.constant 0 : index
    %get3A_50 = arith.constant 0 : index
    %get3A_51 = vector.load %arg6[%get3A_49, %get3A_50] : memref<128x128xf32, #tpu.memory_space<vmem>>, vector<128x128xf32>
    %dot_general3A_52 = arith.constant dense<0.000000e+00> : vector<10000x128xf32>
    %dot_general3A_53 = tpu.matmul %max3A_39, %get3A_51, %dot_general3A_52 {dimension_numbers = #tpu.dot_dimension_numbers<[1], [0], [0], [1], [0, 0, 1, 1], [], []>, transpose_lhs_hint = false} : vector<10000x128xf32>, vector<128x128xf32>, vector<10000x128xf32> -> vector<10000x128xf32>
    %get3A_54 = arith.constant 0 : index
    %get3A_55 = arith.constant 0 : index
    %get3A_56 = vector.load %arg7[%get3A_54, %get3A_55] : memref<1x128xf32, #tpu.memory_space<vmem>>, vector<1x128xf32>
    %add3A_57 = vector.broadcast %get3A_56 : vector<1x128xf32> to vector<10000x128xf32>
    %add3A_58 = arith.addf %dot_general3A_53, %add3A_57 : vector<10000x128xf32>
    %swap3A_59 = arith.constant 0 : index
    %swap3A_60 = arith.constant 0 : index
    %swap3A_61 = vector.load %arg10[%swap3A_59, %swap3A_60] : memref<10000x128xf32, #tpu.memory_space<vmem>>, vector<10000x128xf32>
    tpu.vector_store %arg10[%swap3A_59, %swap3A_60], %add3A_58 {strides = array<i32>} : memref<10000x128xf32, #tpu.memory_space<vmem>>, vector<10000x128xf32>,
    return
  }
}

module attributes {stable_mosaic.version = 14 : i64} {
  func.func @_bnmm_body(%arg0: memref<2x10112x128xf32, #tpu.memory_space<vmem>>, %arg1: memref<10000x128xf32, #tpu.memory_space<vmem>>, %arg2: memref<1x128xf32, #tpu.memory_space<vmem>>, %arg3: memref<1x128xf32, #tpu.memory_space<vmem>>, %arg4: memref<10000x128xf32, #tpu.memory_space<vmem>>, %arg5: memref<128x128xf32, #tpu.memory_space<vmem>>, %arg6: memref<128x128xf32, #tpu.memory_space<vmem>>, %arg7: memref<1x128xf32, #tpu.memory_space<vmem>>, %arg8: memref<10000x128xf32, #tpu.memory_space<vmem>>, %arg9: memref<10000x128xf32, #tpu.memory_space<vmem>>, %arg10: memref<10000x128xf32, #tpu.memory_space<vmem>>) attributes {dimension_semantics = [], scalar_prefetch = 0 : i64, scratch_operands = 0 : i64, tpu.core_type = #tpu.core_type<tc>} {
    %get3A = arith.constant 0 : index
    %get3A_0 = arith.constant 0 : index
    %get3A_1 = arith.constant 0 : index
    %get3A_2 = vector.load %arg0[%get3A, %get3A_0, %get3A_1] : memref<2x10112x128xf32, #tpu.memory_space<vmem>>, vector<1x10000x128xf32>
    %get3A_3 = vector.shape_cast %get3A_2 : vector<1x10000x128xf32> to vector<10000x128xf32>
    %get3A_4 = arith.constant 1 : index
    %get3A_5 = arith.constant 0 : index
    %get3A_6 = arith.constant 0 : index
    %get3A_7 = vector.load %arg0[%get3A_4, %get3A_5, %get3A_6] : memref<2x10112x128xf32, #tpu.memory_space<vmem>>, vector<1x10000x128xf32>
    %get3A_8 = vector.shape_cast %get3A_7 : vector<1x10000x128xf32> to vector<10000x128xf32>
    %add3A = arith.addf %get3A_3, %get3A_8 : vector<10000x128xf32>
    %get3A_9 = arith.constant 0 : index
    %get3A_10 = arith.constant 0 : index
    %get3A_11 = vector.load %arg1[%get3A_9, %get3A_10] : memref<10000x128xf32, #tpu.memory_space<vmem>>, vector<10000x128xf32>
    %add3A_12 = arith.addf %add3A, %get3A_11 : vector<10000x128xf32>
    %reduce_sum3A = arith.constant dense<0.000000e+00> : vector<128xf32>
    %reduce_sum3A_13 = vector.multi_reduction <add>, %add3A_12, %reduce_sum3A [0] : vector<10000x128xf32> to vector<128xf32>
    %broadcast_in_dim3A = vector.shape_cast %reduce_sum3A_13 : vector<128xf32> to vector<1x128xf32>
    %div3A = arith.constant 1.000000e+04 : f32
    %div3A_14 = vector.broadcast %div3A : f32 to vector<1x128xf32>
    %div3A_15 = arith.divf %broadcast_in_dim3A, %div3A_14 : vector<1x128xf32>
    %sub3A = vector.broadcast %div3A_15 : vector<1x128xf32> to vector<10000x128xf32>
    %sub3A_16 = arith.subf %add3A_12, %sub3A : vector<10000x128xf32>
    %mul3A = arith.mulf %sub3A_16, %sub3A_16 : vector<10000x128xf32>
    %reduce_sum3A_17 = arith.constant dense<0.000000e+00> : vector<128xf32>
    %reduce_sum3A_18 = vector.multi_reduction <add>, %mul3A, %reduce_sum3A_17 [0] : vector<10000x128xf32> to vector<128xf32>
    %broadcast_in_dim3A_19 = vector.shape_cast %reduce_sum3A_18 : vector<128xf32> to vector<1x128xf32>
    %div3A_20 = arith.constant 1.000000e+04 : f32
    %div3A_21 = vector.broadcast %div3A_20 : f32 to vector<1x128xf32>
    %div3A_22 = arith.divf %broadcast_in_dim3A_19, %div3A_21 : vector<1x128xf32>
    %add3A_23 = arith.constant 1.000000e-03 : f32
    %add3A_24 = vector.broadcast %add3A_23 : f32 to vector<1x128xf32>
    %add3A_25 = arith.addf %div3A_22, %add3A_24 : vector<1x128xf32>
    %rsqrt3A = math.rsqrt %add3A_25 : vector<1x128xf32>
    %mul3A_26 = vector.broadcast %rsqrt3A : vector<1x128xf32> to vector<10000x128xf32>
    %mul3A_27 = arith.mulf %sub3A_16, %mul3A_26 : vector<10000x128xf32>
    %get3A_28 = arith.constant 0 : index
    %get3A_29 = arith.constant 0 : index
    %get3A_30 = vector.load %arg2[%get3A_28, %get3A_29] : memref<1x128xf32, #tpu.memory_space<vmem>>, vector<1x128xf32>
    %mul3A_31 = vector.broadcast %get3A_30 : vector<1x128xf32> to vector<10000x128xf32>
    %mul3A_32 = arith.mulf %mul3A_27, %mul3A_31 : vector<10000x128xf32>
    %get3A_33 = arith.constant 0 : index
    %get3A_34 = arith.constant 0 : index
    %get3A_35 = vector.load %arg3[%get3A_33, %get3A_34] : memref<1x128xf32, #tpu.memory_space<vmem>>, vector<1x128xf32>
    %add3A_36 = vector.broadcast %get3A_35 : vector<1x128xf32> to vector<10000x128xf32>
    %add3A_37 = arith.addf %mul3A_32, %add3A_36 : vector<10000x128xf32>
    %get3A_38 = arith.constant 0 : index
    %get3A_39 = arith.constant 0 : index
    %get3A_40 = vector.load %arg4[%get3A_38, %get3A_39] : memref<10000x128xf32, #tpu.memory_space<vmem>>, vector<10000x128xf32>
    %add3A_41 = arith.addf %add3A_37, %get3A_40 : vector<10000x128xf32>
    %max3A = arith.constant 0.000000e+00 : f32
    %max3A_42 = vector.broadcast %max3A : f32 to vector<10000x128xf32>
    %max3A_43 = arith.maximumf %add3A_41, %max3A_42 : vector<10000x128xf32>
    %swap3A = arith.constant 0 : index
    %swap3A_44 = arith.constant 0 : index
    %swap3A_45 = vector.load %arg8[%swap3A, %swap3A_44] : memref<10000x128xf32, #tpu.memory_space<vmem>>, vector<10000x128xf32>
    tpu.vector_store %arg8[%swap3A, %swap3A_44], %max3A_43 {strides = array<i32>} : memref<10000x128xf32, #tpu.memory_space<vmem>>, vector<10000x128xf32>,
    %get3A_46 = arith.constant 0 : index
    %get3A_47 = arith.constant 0 : index
    %get3A_48 = vector.load %arg5[%get3A_46, %get3A_47] : memref<128x128xf32, #tpu.memory_space<vmem>>, vector<128x128xf32>
    %dot_general3A = arith.constant dense<0.000000e+00> : vector<10000x128xf32>
    %dot_general3A_49 = tpu.matmul %max3A_43, %get3A_48, %dot_general3A {dimension_numbers = #tpu.dot_dimension_numbers<[1], [0], [0], [1], [0, 0, 1, 1], [], []>, transpose_lhs_hint = false} : vector<10000x128xf32>, vector<128x128xf32>, vector<10000x128xf32> -> vector<10000x128xf32>
    %swap3A_50 = arith.constant 0 : index
    %swap3A_51 = arith.constant 0 : index
    %swap3A_52 = vector.load %arg9[%swap3A_50, %swap3A_51] : memref<10000x128xf32, #tpu.memory_space<vmem>>, vector<10000x128xf32>
    tpu.vector_store %arg9[%swap3A_50, %swap3A_51], %dot_general3A_49 {strides = array<i32>} : memref<10000x128xf32, #tpu.memory_space<vmem>>, vector<10000x128xf32>,
    %get3A_53 = arith.constant 0 : index
    %get3A_54 = arith.constant 0 : index
    %get3A_55 = vector.load %arg6[%get3A_53, %get3A_54] : memref<128x128xf32, #tpu.memory_space<vmem>>, vector<128x128xf32>
    %dot_general3A_56 = arith.constant dense<0.000000e+00> : vector<10000x128xf32>
    %dot_general3A_57 = tpu.matmul %max3A_43, %get3A_55, %dot_general3A_56 {dimension_numbers = #tpu.dot_dimension_numbers<[1], [0], [0], [1], [0, 0, 1, 1], [], []>, transpose_lhs_hint = false} : vector<10000x128xf32>, vector<128x128xf32>, vector<10000x128xf32> -> vector<10000x128xf32>
    %get3A_58 = arith.constant 0 : index
    %get3A_59 = arith.constant 0 : index
    %get3A_60 = vector.load %arg7[%get3A_58, %get3A_59] : memref<1x128xf32, #tpu.memory_space<vmem>>, vector<1x128xf32>
    %add3A_61 = vector.broadcast %get3A_60 : vector<1x128xf32> to vector<10000x128xf32>
    %add3A_62 = arith.addf %dot_general3A_57, %add3A_61 : vector<10000x128xf32>
    %swap3A_63 = arith.constant 0 : index
    %swap3A_64 = arith.constant 0 : index
    %swap3A_65 = vector.load %arg10[%swap3A_63, %swap3A_64] : memref<10000x128xf32, #tpu.memory_space<vmem>>, vector<10000x128xf32>
    tpu.vector_store %arg10[%swap3A_63, %swap3A_64], %add3A_62 {strides = array<i32>} : memref<10000x128xf32, #tpu.memory_space<vmem>>, vector<10000x128xf32>,
    return
  }
}

module attributes {stable_mosaic.version = 14 : i64} {
  func.func @_bn_body(%arg0: memref<2x10112x128xf32, #tpu.memory_space<vmem>>, %arg1: memref<10000x128xf32, #tpu.memory_space<vmem>>, %arg2: memref<1x128xf32, #tpu.memory_space<vmem>>, %arg3: memref<1x128xf32, #tpu.memory_space<vmem>>, %arg4: memref<10000x128xf32, #tpu.memory_space<vmem>>, %arg5: memref<10000x128xf32, #tpu.memory_space<vmem>>) attributes {dimension_semantics = [], scalar_prefetch = 0 : i64, scratch_operands = 0 : i64, tpu.core_type = #tpu.core_type<tc>} {
    %get3A = arith.constant 0 : index
    %get3A_0 = arith.constant 0 : index
    %get3A_1 = arith.constant 0 : index
    %get3A_2 = vector.load %arg0[%get3A, %get3A_0, %get3A_1] : memref<2x10112x128xf32, #tpu.memory_space<vmem>>, vector<1x10000x128xf32>
    %get3A_3 = vector.shape_cast %get3A_2 : vector<1x10000x128xf32> to vector<10000x128xf32>
    %get3A_4 = arith.constant 1 : index
    %get3A_5 = arith.constant 0 : index
    %get3A_6 = arith.constant 0 : index
    %get3A_7 = vector.load %arg0[%get3A_4, %get3A_5, %get3A_6] : memref<2x10112x128xf32, #tpu.memory_space<vmem>>, vector<1x10000x128xf32>
    %get3A_8 = vector.shape_cast %get3A_7 : vector<1x10000x128xf32> to vector<10000x128xf32>
    %add3A = arith.addf %get3A_3, %get3A_8 : vector<10000x128xf32>
    %get3A_9 = arith.constant 0 : index
    %get3A_10 = arith.constant 0 : index
    %get3A_11 = vector.load %arg1[%get3A_9, %get3A_10] : memref<10000x128xf32, #tpu.memory_space<vmem>>, vector<10000x128xf32>
    %add3A_12 = arith.addf %add3A, %get3A_11 : vector<10000x128xf32>
    %reduce_sum3A = arith.constant dense<0.000000e+00> : vector<128xf32>
    %reduce_sum3A_13 = vector.multi_reduction <add>, %add3A_12, %reduce_sum3A [0] : vector<10000x128xf32> to vector<128xf32>
    %broadcast_in_dim3A = vector.shape_cast %reduce_sum3A_13 : vector<128xf32> to vector<1x128xf32>
    %div3A = arith.constant 1.000000e+04 : f32
    %div3A_14 = vector.broadcast %div3A : f32 to vector<1x128xf32>
    %div3A_15 = arith.divf %broadcast_in_dim3A, %div3A_14 : vector<1x128xf32>
    %sub3A = vector.broadcast %div3A_15 : vector<1x128xf32> to vector<10000x128xf32>
    %sub3A_16 = arith.subf %add3A_12, %sub3A : vector<10000x128xf32>
    %mul3A = arith.mulf %sub3A_16, %sub3A_16 : vector<10000x128xf32>
    %reduce_sum3A_17 = arith.constant dense<0.000000e+00> : vector<128xf32>
    %reduce_sum3A_18 = vector.multi_reduction <add>, %mul3A, %reduce_sum3A_17 [0] : vector<10000x128xf32> to vector<128xf32>
    %broadcast_in_dim3A_19 = vector.shape_cast %reduce_sum3A_18 : vector<128xf32> to vector<1x128xf32>
    %div3A_20 = arith.constant 1.000000e+04 : f32
    %div3A_21 = vector.broadcast %div3A_20 : f32 to vector<1x128xf32>
    %div3A_22 = arith.divf %broadcast_in_dim3A_19, %div3A_21 : vector<1x128xf32>
    %add3A_23 = arith.constant 1.000000e-03 : f32
    %add3A_24 = vector.broadcast %add3A_23 : f32 to vector<1x128xf32>
    %add3A_25 = arith.addf %div3A_22, %add3A_24 : vector<1x128xf32>
    %rsqrt3A = math.rsqrt %add3A_25 : vector<1x128xf32>
    %mul3A_26 = vector.broadcast %rsqrt3A : vector<1x128xf32> to vector<10000x128xf32>
    %mul3A_27 = arith.mulf %sub3A_16, %mul3A_26 : vector<10000x128xf32>
    %get3A_28 = arith.constant 0 : index
    %get3A_29 = arith.constant 0 : index
    %get3A_30 = vector.load %arg2[%get3A_28, %get3A_29] : memref<1x128xf32, #tpu.memory_space<vmem>>, vector<1x128xf32>
    %mul3A_31 = vector.broadcast %get3A_30 : vector<1x128xf32> to vector<10000x128xf32>
    %mul3A_32 = arith.mulf %mul3A_27, %mul3A_31 : vector<10000x128xf32>
    %get3A_33 = arith.constant 0 : index
    %get3A_34 = arith.constant 0 : index
    %get3A_35 = vector.load %arg3[%get3A_33, %get3A_34] : memref<1x128xf32, #tpu.memory_space<vmem>>, vector<1x128xf32>
    %add3A_36 = vector.broadcast %get3A_35 : vector<1x128xf32> to vector<10000x128xf32>
    %add3A_37 = arith.addf %mul3A_32, %add3A_36 : vector<10000x128xf32>
    %get3A_38 = arith.constant 0 : index
    %get3A_39 = arith.constant 0 : index
    %get3A_40 = vector.load %arg4[%get3A_38, %get3A_39] : memref<10000x128xf32, #tpu.memory_space<vmem>>, vector<10000x128xf32>
    %add3A_41 = arith.addf %add3A_37, %get3A_40 : vector<10000x128xf32>
    %max3A = arith.constant 0.000000e+00 : f32
    %max3A_42 = vector.broadcast %max3A : f32 to vector<10000x128xf32>
    %max3A_43 = arith.maximumf %add3A_41, %max3A_42 : vector<10000x128xf32>
    %swap3A = arith.constant 0 : index
    %swap3A_44 = arith.constant 0 : index
    %swap3A_45 = vector.load %arg5[%swap3A, %swap3A_44] : memref<10000x128xf32, #tpu.memory_space<vmem>>, vector<10000x128xf32>
    tpu.vector_store %arg5[%swap3A, %swap3A_44], %max3A_43 {strides = array<i32>} : memref<10000x128xf32, #tpu.memory_space<vmem>>, vector<10000x128xf32>,
    return
  }
}

</mosaic_0001>

<sc_bundles>
// kernel: kernel.15.cloned.1.call-start
scs
__scs_entry_jumppad:
0x0: {  	(pc) =	sbr.rel $0x88, $3  }
0x1: {  	(tag) =	ssettag $0x0;
	lr =	simm.s32 $0x1  }
0x2: {  	[smem:$0x3F9A] =	sst lr;
	_ =	strace $0xD0000000  }
0x3: {  	_ = 	snop  }
0x4: {  	_ = 	snop  }
0x5: {  	_ = 	snop  }
0x6: {  	_ = 	snop  }
0x7: {  	_ = 	snop  }
__scs_overlays_trampoline_lowered:
0x8: {  	[smem:$0x3FA9] =	sst s0  }
0x9: {  	[smem:$0x3FAA] =	sst s1  }
0xa: {  	[smem:$0x3FAB] =	sst s2  }
0xb: {  	[smem:$0x3FAC] =	sst s3  }
0xc: {  	[smem:$0x3FAD] =	sst s4  }
0xd: {  	[smem:$0x3FAE] =	sst s5  }
0xe: {  	[smem:$0x3FAF] =	sst s6  }
0xf: {  	[smem:$0x3FB0] =	sst s7  }
0x10: {  	[smem:$0x3FB1] =	sst s8  }
0x11: {  	[smem:$0x3FB2] =	sst s9;
	s0 =	simm.s32 @!p0 $0x0  }
0x12: {  	s1 =	sld [smem:$0x3F98];
	s0 =	simm.s32 @p0 $0x1  }
0x13: {  	[smem:$0x3FB3] =	sst s0;
	s0 =	simm.s32 @!p1 $0x0  }
0x14: {  	s2 =	sld [smem:$0x3F97];
	s0 =	simm.s32 @p1 $0x1  }
0x15: {  	[smem:$0x3FB4] =	sst s0;
	s0 =	simm.s32 @!p2 $0x0  }
0x16: {  	s3 =	sld [smem:$0x3FDB];
	s0 =	simm.s32 @p2 $0x1  }
0x17: {  	s4 =	simm.s32 $0x1BF5;
	[smem:$0x3FB6] =	sst s0  }
0x18: {  	s0 =	sld [smem:$0x3F99];
	_ =	swait.ge [sflag:s4], $0x0  }
0x19: {  	s7 =	sld [smem:$0x3F9A]  }
0x1a: {  	s8 =	sadd.s32 $0xFFFFE003, lr  }
0x1b: {  	s9 =	sadd.s32 $0xFFFFFEF7, lr;
	s5 =	simm.s32 $0xFFFFFFFF;
	p2 =	slt.u32 s8, $0xFFFFF086  }
0x1c: {  	p1 =	slt.u32 s9, $0xF7A;
	s5 =	simm.s32 @!p2 $0x0  }
0x1d: {  	s5 =	simm.s32 @p1 $0x1;
	p0 =	seq.s32 s7, s2  }
0x1e: {  	s7 =	smul.u32 @!p0 $0xF7A, s2;
	p2 =	seq.s32 @!p0 s5, $0x0  }
0x1f: {  	s9 =	smul.u32 $0xF7A, s1;
	s8 =	simm.s32 @!p0 $0x1BF5;
	p2 =	por !p2, p0  }
0x20: {  	[sflag:s8] =	ssyncset.s32 @!p0 $0xFFFFF086;
	s6 =	sadd.s32 @!p0 s3, s7;
	s7 =	simm.s32 @!p0 $0x108  }
0x21: {  	s3 =	sadd.s32 s3, s9;
	s6 =	sadd.s32 @!p0 $0x88, s6;
	s7 =	simm.s32 @p2 $0x1082  }
0x22: {  	[simem:s7], [sflag:s8] =	dma.local @!p0 [hbm:s6], $0xF7A  }
0x23: {  	s9 =	sor.u32 $0xD0000000, s2;
	s6 =	simm.s32 $0x108;
	_ =	swait.ge @!p0 [sflag:s8], $0x0  }
0x24: {  	s3 =	sadd.s32 $0x88, s3;
	s6 =	simm.s32 @!p1 $0x1082;
	[sflag:s4] =	ssyncset.s32 $0xFFFFF086  }
0x25: {  	[simem:s6], [sflag:s4] =	dma.local [hbm:s3], $0xF7A  }
0x26: {  	[smem:$0x3F9A] =	sst s1;
	(tag) =	ssettag s2;
	_ =	strace s9  }
0x27: {  	s1 =	sld [smem:$0x3FAA]  }
0x28: {  	s2 =	sld [smem:$0x3FAB]  }
0x29: {  	s4 =	sld [smem:$0x3FAD]  }
0x2a: {  	p0 =	seq.s32 s5, $0x0;
	s5 =	sld [smem:$0x3FAE]  }
0x2b: {  	s6 =	sld [smem:$0x3FAF]  }
0x2c: {  	s7 =	sld [smem:$0x3FB0]  }
0x2d: {  	s3 =	simm.s32 $0x108;
	s8 =	sld [smem:$0x3FB1]  }
0x2e: {  	s3 =	simm.s32 @!p0 $0x1082;
	s9 =	sld [smem:$0x3FB2]  }
0x2f: {  	lr =	sadd.s32 s0, s3;
	s0 =	sld [smem:$0x3FA9]  }
0x30: {  	s3 =	sld [smem:$0x3FAC]  }
0x31: {  	[smem:$0x3FB5] =	sst s10  }
0x32: {  	s10 =	sld [smem:$0x3FB3];
	_ =	sdelay $0x3  }
0x33: {  	p0 =	seq.s32 s10, $0x1;
	s10 =	sld [smem:$0x3FB5];
	_ =	sdelay $0x3  }
0x34: {  	[smem:$0x3FB5] =	sst s10  }
0x35: {  	s10 =	sld [smem:$0x3FB4];
	_ =	sdelay $0x3  }
0x36: {  	p1 =	seq.s32 s10, $0x1;
	s10 =	sld [smem:$0x3FB5];
	_ =	sdelay $0x3  }
0x37: {  	[smem:$0x3FB5] =	sst s10  }
0x38: {  	s10 =	sld [smem:$0x3FB6]  }
0x39: {  	_ = 	snop;
	(pc) =	sbr.ind lr, $3  }
0x3a: {  	_ = 	snop  }
0x3b: {  	_ = 	snop  }
0x3c: {  	p2 =	seq.s32 s10, $0x1;
	s10 =	sld [smem:$0x3FB5]  }
0x3d: {  	_ =	shalt  }
0x3e: {  	_ =	shalt  }
0x3f: {  	_ =	shalt  }
0x40: {  	_ =	shalt  }
0x41: {  	_ =	shalt  }
0x42: {  	_ =	shalt  }
0x43: {  	_ =	shalt  }
0x44: {  	_ =	shalt  }
0x45: {  	_ =	shalt  }
0x46: {  	_ =	shalt  }
0x47: {  	_ =	shalt  }
0x48: {  	_ =	shalt  }
0x49: {  	_ =	shalt  }
0x4a: {  	_ =	shalt  }
0x4b: {  	_ =	shalt  }
0x4c: {  	_ =	shalt  }
0x4d: {  	_ =	shalt  }
0x4e: {  	_ =	shalt  }
0x4f: {  	_ =	shalt  }
0x50: {  	_ =	shalt  }
0x51: {  	_ =	shalt  }
0x52: {  	_ =	shalt  }
0x53: {  	_ =	shalt  }
0x54: {  	_ =	shalt  }
0x55: {  	_ =	shalt  }
0x56: {  	_ =	shalt  }
0x57: {  	_ =	shalt  }
0x58: {  	_ =	shalt  }
0x59: {  	_ =	shalt  }
0x5a: {  	_ =	shalt  }
0x5b: {  	_ =	shalt  }
0x5c: {  	_ =	shalt  }
0x5d: {  	_ =	shalt  }
0x5e: {  	_ =	shalt  }
0x5f: {  	_ =	shalt  }
0x60: {  	_ =	shalt  }
0x61: {  	_ =	shalt  }
0x62: {  	_ =	shalt  }
0x63: {  	_ =	shalt  }
0x64: {  	_ =	shalt  }
0x65: {  	_ =	shalt  }
0x66: {  	_ =	shalt  }
0x67: {  	_ =	shalt  }
0x68: {  	_ =	shalt  }
0x69: {  	_ =	shalt  }
0x6a: {  	_ =	shalt  }
0x6b: {  	_ =	shalt  }
0x6c: {  	_ =	shalt  }
0x6d: {  	_ =	shalt  }
0x6e: {  	_ =	shalt  }
0x6f: {  	_ =	shalt  }
0x70: {  	_ =	shalt  }
0x71: {  	_ =	shalt  }
0x72: {  	_ =	shalt  }
0x73: {  	_ =	shalt  }
0x74: {  	_ =	shalt  }
0x75: {  	_ =	shalt  }
0x76: {  	_ =	shalt  }
0x77: {  	_ =	shalt  }
0x78: {  	_ =	shalt  }
0x79: {  	_ =	shalt  }
0x7a: {  	_ =	shalt  }
0x7b: {  	_ =	shalt  }
0x7c: {  	_ =	shalt  }
0x7d: {  	_ =	shalt  }
0x7e: {  	_ =	shalt  }
0x7f: {  	_ =	shalt  }
0x80: {  	_ =	shalt  }
0x81: {  	_ =	shalt  }
0x82: {  	_ =	shalt  }
0x83: {  	_ =	shalt  }
0x84: {  	_ =	shalt  }
0x85: {  	_ =	shalt  }
0x86: {  	_ =	shalt  }
0x87: {  	_ =	shalt  }
.Lfunc_end0:
.L_simem_size_0:
called_computation_lowered:
.L_overlay_start_0:
0x88: {  	s2 =	sld [smem:$0x3FD9]  }
0x89: {  	s3 =	sld [smem:$0x3FFE];
	_ =	sdelay $0x1  }
0x8a: {  	s1 =	srdreg.scid  }
0x8b: {  	s0 =	sand.u32 $0x1, s1  }
0x8c: {  	s17 =	sshll.u32 s0, $0xA;
	s2 =	sadd.s32 s3, s2  }
0x8d: {  	s2 =	sadd.s32 s2, s17  }
0x8e: {  	[smem:$0x3FC1] =	sst s2  }
0x8f: {  	_ = 	snop  }
0x90: {  	s2 =	sld [smem:$0x3FD0];
	(tm) =	ssettm $0x1  }
0x91: {  	s18 =	sld [smem:$0x3FFB];
	_ =	sdelay $0x3  }
0x92: {  	_ =	strace s18  }
0x93: {  	s3 =	sld [smem:$0x3FFC];
	_ =	sdelay $0x3  }
0x94: {  	_ =	strace s3  }
0x95: {  	s3 =	sld [smem:$0x3FFD];
	_ =	sdelay $0x3  }
0x96: {  	_ =	strace s3  }
0x97: {  	_ =	strace $0x8FFFFFFF  }
0x98: {  	s19 =	sld [smem:$0x3FDB];
	_ =	sdelay $0x1  }
0x99: {  	s4 =	simm.s32 $_scs_section_size  }
0x9a: {  	s5 =	simm.s32 $_size__tile_overlayer_lowered;
	s6 =	simm.s32 $_tile_overlayer_lowered  }
0x9b: {  	s22 =	simm.s32 $0x1BFF;
	s21 =	sshll.u32 s6, $0x1;
	s3 =	sadd.s32 s4, s19  }
0x9c: {  	s7 =	simm.s32 $0x0;
	s20 =	sshll.u32 s5, $0x1;
	s5 =	sadd.s32 s21, s3  }
0x9d: {  	[timem:s7], [sflag:s22] =	dma.local [hbm:s5], s20  }
0x9e: {  	_ =	swait.ge [sflag:s22], s20  }
0x9f: {  	s4 =	ssub.s32 $0x0, s20;
	[sflag:s22] =	ssyncset.done $0x0  }
0xa0: {  	[sflag:s22] =	ssyncadd.s32 s4;
	_ =	sdelay $0x1  }
0xa1: {  	s23 =	simm.s32 $0x1B8B  }
0xa2: {  	_ =	swait.ge [sflag:s23], $0x1  }
0xa3: {  	[sflag:s23] =	ssyncset.done $0x0  }
0xa4: {  	s25 =	simm.s32 $0x1B8E;
	s24 =	sld [smem:$0x3FFE];
	[sflag:s23] =	ssyncadd.s32 $0xFFFFFFFF  }
0xa5: {  	s26 =	simm.s32 $execute0_lowered;
	[smem:$0x3FD2] =	sst s25  }
0xa6: {  	s5 =	sshll.u32 s26, $0x1;
	_ =	strace $0x80000046;
	[dreg:$0x1] =	wrdreg $0xFFFFFFFF  }
0xa7: {  	s28 =	simm.s32 $_size_execute0_lowered;
	s3 =	sadd.s32 s3, s5;
	[dreg:$0x0] =	wrdreg $0x0  }
0xa8: {  	s5 =	sshll.u32 s28, $0x1;
	[dreg:$0x2] =	wrdreg s3  }
0xa9: {  	[dreg:$0x3] =	wrdreg s5  }
0xaa: {  	[dreg:$0x4] =	wrdreg $0xC0  }
0xab: {  	_ =	task [dreg:s7], $0x5FFFF  }
0xac: {  	[dreg:$0x1] =	wrdreg $0xFFFFFFFF  }
0xad: {  	[dreg:$0x0] =	wrdreg $0x60  }
0xae: {  	[dreg:$0x2] =	wrdreg s2  }
0xaf: {  	[dreg:$0x3] =	wrdreg s24  }
0xb0: {  	[dreg:$0x4] =	wrdreg $0xA8000  }
0xb1: {  	[dreg:$0x5] =	wrdreg $0x9  }
0xb2: {  	_ =	task.clear_ibuf [dreg:s7], $0x6FFFF;
	_ =	strace $0x90000046  }
0xb3: {  	s29 =	simm.s32 $0x9;
	_ =	strace $0x80000048  }
0xb4: {  	_ =	swait.ge [sflag:s29], $0x1  }
0xb5: {  	[sflag:s29] =	ssyncadd.s32 $0xFFFFFFFF  }
0xb6: {  	_ =	strace $0x90000048  }
0xb7: {  	_ =	sfence  }
0xb8: {  	s30 =	sld [smem:$0x0];
	_ =	sdelay $0x2  }
0xb9: {  	s31 =	sshll.u32 s1, $0xD;
	s1 =	sshrl.u32 s1, $0x2  }
0xba: {  	s3 =	sand.u32 $0x4000, s31;
	s1 =	sadd.s32 s1, s30  }
0xbb: {  	s0 =	sor.u32 s3, s0;
	s1 =	sshll.u32 s1, $0x11  }
0xbc: {  	s0 =	sor.u32 s1, s0  }
0xbd: {  	s0 =	sadd.s32 $0x8F2B, s0  }
0xbe: {  	[sflag:s0] =	ssyncadd.remote.s32 $0x1  }
0xbf: {  	_ =	sfence.sel $0xFFFF  }
0xc0: {  	[dreg:$0x0] =	wrdreg $0xFFFFFFFF;
	(pc) =	sbr.abs _section_cstart, $3  }
0xc1: {  	[dreg:$0x1] =	wrdreg $0xFFFFFFFF  }
0xc2: {  	_ =	task.clear_ibuf [dreg:s7], $0x2FFFF;
	_ =	strace $0x9FFFFFFF  }
0xc3: {  	(tm) =	ssettm $0x7FFFFFFF  }
tec
execute0_lowered:
.L_overlay_start_1:
0x0: {  	(tag) =	ssettag $0x1  }
0x1: {  	s1 =	rddreg [dreg:$0x0]  }
0x2: {  	s5 =	rddreg [dreg:$0x1]  }
0x3: {  	s0 =	srdreg.scid;
	s3 =	rddreg [dreg:$0x2]  }
0x4: {  	s2 =	rddreg [dreg:$0x3];
	s7 =	sand.u32 $0x1, s0  }
0x5: {  	s0 =	stileid.u32;
	s6 =	smul.u32 $0x34000, s7  }
0x6: {  	s4 =	simm.s32 $0x0;
	s15 =	simm.s32 $0x6800;
	s8 =	smul.u32 $0x3400, s0  }
0x7: {  	s16 =	simm.s32 $0x1;
	[smem:$0x7FF] =	sst s4;
	s28 =	smul.u32 $0x13C00, s0  }
0x8: {  	s17 =	simm.s32 $0x0;
	s9 =	smul.u32 $0x13C000, s7;
	_ =	strace $0x80000047  }
0x9: {  	s29 =	ssub.s32 $0x2, s7;
	s12 =	smul.u32 $0x4F000, s0;
	p0 =	seq.s32 s7, $0x0  }
0xa: {  	s7 =	simm.s32 $0x62;
	s31 =	sshll.u32 s0, $0x6;
	s11 =	sshrl.u32 s29, $0x1  }
0xb: {  	s7 =	simm.s32 @!p0 $0x3B;
	s6 =	sadd.s32 s8, s6;
	s10 =	sshrl.u32 s28, $0x3  }
0xc: {  	s8 =	sadd.s32 s28, s9;
	s11 =	ssub.s32 s29, s11;
	s30 =	sshrl.u32 s12, $0x2  }
0xd: {  	s12 =	sor.u32 $0x1C02, s31;
	s6 =	sshrl.u32 s6, $0x3;
	s8 =	sshrl.u32 s8, $0x3  }
0xe: {  	s10 =	sadd.s32 s10, s5;
	s14 =	sadd.s32 s30, s3;
	s6 =	sadd.s32 s6, s5  }
0xf: {  	s13 =	sadd.s32 s8, s5;
	s8 =	sadd.s32 $0x1EA00, s10;
	s10 =	smax.u32 s11, $0x1  }
0x10: {  	s11 =	simm.s32 $0x2;
	s5 =	sadd.s32 $0x11A00, s6;
	s6 =	sadd.s32 $0x4A00, s6  }
0x11: {  	s9 =	sadd.s32 $0x46200, s13;
	s13 =	sshrl.u32 s14, $0x3;
	s14 =	simm.s32 $0x80  }
.LBB2_1:
0x12: {  	[tilespmem:s4], [sflag:$0x2] =	stream.linear.gather [hbm4b:s5+s4], $0x3100, $0x38;
	[tilespmem:$0x1E400] =	vst v63  }
0x13: {  	_ =	swait.ge [sflag:s11], $0x3100  }
0x14: {  	[sflag:s11] =	ssyncset.done $0x0  }
0x15: {  	s18 =	simm.s32 $0x3400;
	[sflag:s11] =	ssyncadd.s32 $0xFFFFCF00  }
0x16: {  	[tilespmem:s18], [sflag:$0x2] =	stream.linear.gather [hbm4b:s6+s4], $0x3100, $0x38;
	[tilespmem:$0x1E400] =	vst v63  }
0x17: {  	_ =	swait.ge [sflag:s11], $0x3100  }
0x18: {  	[sflag:s11] =	ssyncset.done $0x0  }
0x19: {  	[sflag:s11] =	ssyncadd.s32 $0xFFFFCF00  }
0x1a: {  	[spmem:s13], [sflag:s12] =	dma.local [hbm:s8], $0x2780  }
0x1b: {  	_ =	swait.ge [sflag:s11], $0x2780  }
0x1c: {  	[sflag:s11] =	ssyncset.done $0x0  }
0x1d: {  	[sflag:s11] =	ssyncadd.s32 $0xFFFFD880  }
0x1e: {  	[bflag:$0x0] =	sbarrier.arrive $0xFFFF  }
0x1f: {  	[tilespmem:s15], [sflag:$0x1] =	stream.indirect.gather [hbm4b:s1+s14], $0x80, s4, s14, $0xb8;
	[tilespmem:$0x1E400] =	vst v63  }
0x20: {  	p0 =	sne.s32 s7, $0x1;
	_ =	swait.ge [sflag:s16], $0x4000  }
.Ltmp0:
0x21: {  	[sflag:s16] =	ssyncset.done $0x0;
	(pc) =	sbr.rel @!p0 .LBB2_3-.Ltmp0, $4  }
0x22: {  	[sflag:s16] =	ssyncadd.s32 $0xFFFFC000  }
0x23: {  	[spmem:s3] =	stream.indirect.scatter.add.f32 [tilespmem:s15], [sflag:$0x2], $0x80, s18, s14, $0xb8;
	[tilespmem:$0x1E400] =	vst v63  }
0x24: {  	_ =	swait.ge [sflag:s11], $0x4000  }
0x25: {  	s19 =	sadd.s32 $0xFFFFFFFF, s7;
	s20 =	simm.s32 $0x0;
	[sflag:s11] =	ssyncset.done $0x0  }
.LBB2_2:
0x26: {  	[sflag:s11] =	ssyncadd.s32 $0xFFFFC000;
	s20 =	sadd.s32 $0x80, s20;
	s18 =	sadd.s32 $0x80, s18  }
0x27: {  	[tilespmem:s15], [sflag:$0x1] =	stream.indirect.gather [hbm4b:s1+s14], $0x80, s20, s14, $0xb8;
	[tilespmem:$0x1E400] =	vst v63  }
0x28: {  	p0 =	sne.s32 s19, $0x1;
	s19 =	sadd.s32 $0xFFFFFFFF, s19;
	_ =	swait.ge [sflag:s16], $0x4000  }
.Ltmp1:
0x29: {  	[sflag:s16] =	ssyncset.done $0x0;
	(pc) =	sbr.rel @p0 .LBB2_2-.Ltmp1, $4  }
0x2a: {  	[sflag:s16] =	ssyncadd.s32 $0xFFFFC000  }
0x2b: {  	[spmem:s3] =	stream.indirect.scatter.add.f32 [tilespmem:s15], [sflag:$0x2], $0x80, s18, s14, $0xb8;
	[tilespmem:$0x1E400] =	vst v63  }
0x2c: {  	_ =	swait.ge [sflag:s11], $0x4000  }
0x2d: {  	[sflag:s11] =	ssyncset.done $0x0  }
.LBB2_3:
0x2e: {  	s17 =	sadd.s32 $0x1, s17  }
0x2f: {  	[sflag:s11] =	ssyncadd.s32 $0xFFFFC000;
	p0 =	sne.s32 s17, s10  }
.Ltmp2:
0x30: {  	[bflag:$0x0] =	sbarrier.arrive $0xFFFF;
	(pc) =	sbr.rel @p0 .LBB2_1-.Ltmp2, $4  }
0x31: {  	[hbm:s9], [sflag:s12] =	dma.local [spmem:s13], $0x2780  }
0x32: {  	_ =	swait.ge [sflag:s11], $0x2780  }
0x33: {  	[sflag:s11] =	ssyncset.done $0x0  }
0x34: {  	[sflag:s11] =	ssyncadd.s32 $0xFFFFD880  }
0x35: {  	_ =	sfence.sel $0x180000  }
0x36: {  	[bflag:$0x0] =	sbarrier.arrive $0xFFFF  }
0x37: {  	p0 =	sne.s32 s0, $0x0;
	_ =	strace $0x90000047  }
0x38: {  	s0 =	sadd.s32 @!p0 $0x100000, s2;
	[bflag:$0x2] =	sbarrier.arrive $0xFFFF  }
0x39: {  	[sflag:s0] =	ssyncadd.tile.s32 @!p0 $0x1;
	_ =	shalt  }
.Lfunc_end2:
_tile_overlayer_lowered:
.L_overlay_start_2:
0x3a: {  	(tag) =	ssettag $0x2  }
0x3b: {  	s0 =	rddreg [dreg:$0x0];
	s2 =	stileid.u32  }
0x3c: {  	s1 =	rddreg [dreg:$0x1];
	p0 =	sne.s32 s2, $0x0  }
0x3d: {  	s3 =	rddreg [dreg:$0x2];
	[bflag:$0x3] =	sbarrier.arrive $0xFFFF;
	s2 =	simm.s32 @!p0 $0x1C02  }
0x3e: {  	[timem:s3], [sflag:s2] =	dma.local @!p0 [hbm:s0], s1  }
0x3f: {  	s0 =	simm.s32 @!p0 $0x2  }
0x40: {  	_ =	swait.ge @!p0 [sflag:s0], s1  }
0x41: {  	s1 =	ssub.s32 @!p0 $0x0, s1;
	[sflag:s0] =	ssyncset.done @!p0 $0x0  }
0x42: {  	[sflag:s0] =	ssyncadd.s32 @!p0 s1  }
0x43: {  	[bflag:$0x3] =	sbarrier.arrive $0xFFFF  }
0x44: {  	_ =	shalt  }

// kernel: kernel.18.cloned.1.call-start
scs
__scs_entry_jumppad:
0x0: {  	(pc) =	sbr.rel $0x88, $3  }
0x1: {  	(tag) =	ssettag $0x0;
	lr =	simm.s32 $0x1  }
0x2: {  	[smem:$0x3F9A] =	sst lr;
	_ =	strace $0xD0000000  }
0x3: {  	_ = 	snop  }
0x4: {  	_ = 	snop  }
0x5: {  	_ = 	snop  }
0x6: {  	_ = 	snop  }
0x7: {  	_ = 	snop  }
__scs_overlays_trampoline_lowered:
0x8: {  	[smem:$0x3FA9] =	sst s0  }
0x9: {  	[smem:$0x3FAA] =	sst s1  }
0xa: {  	[smem:$0x3FAB] =	sst s2  }
0xb: {  	[smem:$0x3FAC] =	sst s3  }
0xc: {  	[smem:$0x3FAD] =	sst s4  }
0xd: {  	[smem:$0x3FAE] =	sst s5  }
0xe: {  	[smem:$0x3FAF] =	sst s6  }
0xf: {  	[smem:$0x3FB0] =	sst s7  }
0x10: {  	[smem:$0x3FB1] =	sst s8  }
0x11: {  	[smem:$0x3FB2] =	sst s9;
	s0 =	simm.s32 @!p0 $0x0  }
0x12: {  	s1 =	sld [smem:$0x3F98];
	s0 =	simm.s32 @p0 $0x1  }
0x13: {  	[smem:$0x3FB3] =	sst s0;
	s0 =	simm.s32 @!p1 $0x0  }
0x14: {  	s2 =	sld [smem:$0x3F97];
	s0 =	simm.s32 @p1 $0x1  }
0x15: {  	[smem:$0x3FB4] =	sst s0;
	s0 =	simm.s32 @!p2 $0x0  }
0x16: {  	s3 =	sld [smem:$0x3FDB];
	s0 =	simm.s32 @p2 $0x1  }
0x17: {  	s4 =	simm.s32 $0x1BF5;
	[smem:$0x3FB6] =	sst s0  }
0x18: {  	s0 =	sld [smem:$0x3F99];
	_ =	swait.ge [sflag:s4], $0x0  }
0x19: {  	s7 =	sld [smem:$0x3F9A]  }
0x1a: {  	s8 =	sadd.s32 $0xFFFFE003, lr  }
0x1b: {  	s9 =	sadd.s32 $0xFFFFFEF7, lr;
	s5 =	simm.s32 $0xFFFFFFFF;
	p2 =	slt.u32 s8, $0xFFFFF086  }
0x1c: {  	p1 =	slt.u32 s9, $0xF7A;
	s5 =	simm.s32 @!p2 $0x0  }
0x1d: {  	s5 =	simm.s32 @p1 $0x1;
	p0 =	seq.s32 s7, s2  }
0x1e: {  	s7 =	smul.u32 @!p0 $0xF7A, s2;
	p2 =	seq.s32 @!p0 s5, $0x0  }
0x1f: {  	s9 =	smul.u32 $0xF7A, s1;
	s8 =	simm.s32 @!p0 $0x1BF5;
	p2 =	por !p2, p0  }
0x20: {  	[sflag:s8] =	ssyncset.s32 @!p0 $0xFFFFF086;
	s6 =	sadd.s32 @!p0 s3, s7;
	s7 =	simm.s32 @!p0 $0x108  }
0x21: {  	s3 =	sadd.s32 s3, s9;
	s6 =	sadd.s32 @!p0 $0x88, s6;
	s7 =	simm.s32 @p2 $0x1082  }
0x22: {  	[simem:s7], [sflag:s8] =	dma.local @!p0 [hbm:s6], $0xF7A  }
0x23: {  	s9 =	sor.u32 $0xD0000000, s2;
	s6 =	simm.s32 $0x108;
	_ =	swait.ge @!p0 [sflag:s8], $0x0  }
0x24: {  	s3 =	sadd.s32 $0x88, s3;
	s6 =	simm.s32 @!p1 $0x1082;
	[sflag:s4] =	ssyncset.s32 $0xFFFFF086  }
0x25: {  	[simem:s6], [sflag:s4] =	dma.local [hbm:s3], $0xF7A  }
0x26: {  	[smem:$0x3F9A] =	sst s1;
	(tag) =	ssettag s2;
	_ =	strace s9  }
0x27: {  	s1 =	sld [smem:$0x3FAA]  }
0x28: {  	s2 =	sld [smem:$0x3FAB]  }
0x29: {  	s4 =	sld [smem:$0x3FAD]  }
0x2a: {  	p0 =	seq.s32 s5, $0x0;
	s5 =	sld [smem:$0x3FAE]  }
0x2b: {  	s6 =	sld [smem:$0x3FAF]  }
0x2c: {  	s7 =	sld [smem:$0x3FB0]  }
0x2d: {  	s3 =	simm.s32 $0x108;
	s8 =	sld [smem:$0x3FB1]  }
0x2e: {  	s3 =	simm.s32 @!p0 $0x1082;
	s9 =	sld [smem:$0x3FB2]  }
0x2f: {  	lr =	sadd.s32 s0, s3;
	s0 =	sld [smem:$0x3FA9]  }
0x30: {  	s3 =	sld [smem:$0x3FAC]  }
0x31: {  	[smem:$0x3FB5] =	sst s10  }
0x32: {  	s10 =	sld [smem:$0x3FB3];
	_ =	sdelay $0x3  }
0x33: {  	p0 =	seq.s32 s10, $0x1;
	s10 =	sld [smem:$0x3FB5];
	_ =	sdelay $0x3  }
0x34: {  	[smem:$0x3FB5] =	sst s10  }
0x35: {  	s10 =	sld [smem:$0x3FB4];
	_ =	sdelay $0x3  }
0x36: {  	p1 =	seq.s32 s10, $0x1;
	s10 =	sld [smem:$0x3FB5];
	_ =	sdelay $0x3  }
0x37: {  	[smem:$0x3FB5] =	sst s10  }
0x38: {  	s10 =	sld [smem:$0x3FB6]  }
0x39: {  	_ = 	snop;
	(pc) =	sbr.ind lr, $3  }
0x3a: {  	_ = 	snop  }
0x3b: {  	_ = 	snop  }
0x3c: {  	p2 =	seq.s32 s10, $0x1;
	s10 =	sld [smem:$0x3FB5]  }
0x3d: {  	_ =	shalt  }
0x3e: {  	_ =	shalt  }
0x3f: {  	_ =	shalt  }
0x40: {  	_ =	shalt  }
0x41: {  	_ =	shalt  }
0x42: {  	_ =	shalt  }
0x43: {  	_ =	shalt  }
0x44: {  	_ =	shalt  }
0x45: {  	_ =	shalt  }
0x46: {  	_ =	shalt  }
0x47: {  	_ =	shalt  }
0x48: {  	_ =	shalt  }
0x49: {  	_ =	shalt  }
0x4a: {  	_ =	shalt  }
0x4b: {  	_ =	shalt  }
0x4c: {  	_ =	shalt  }
0x4d: {  	_ =	shalt  }
0x4e: {  	_ =	shalt  }
0x4f: {  	_ =	shalt  }
0x50: {  	_ =	shalt  }
0x51: {  	_ =	shalt  }
0x52: {  	_ =	shalt  }
0x53: {  	_ =	shalt  }
0x54: {  	_ =	shalt  }
0x55: {  	_ =	shalt  }
0x56: {  	_ =	shalt  }
0x57: {  	_ =	shalt  }
0x58: {  	_ =	shalt  }
0x59: {  	_ =	shalt  }
0x5a: {  	_ =	shalt  }
0x5b: {  	_ =	shalt  }
0x5c: {  	_ =	shalt  }
0x5d: {  	_ =	shalt  }
0x5e: {  	_ =	shalt  }
0x5f: {  	_ =	shalt  }
0x60: {  	_ =	shalt  }
0x61: {  	_ =	shalt  }
0x62: {  	_ =	shalt  }
0x63: {  	_ =	shalt  }
0x64: {  	_ =	shalt  }
0x65: {  	_ =	shalt  }
0x66: {  	_ =	shalt  }
0x67: {  	_ =	shalt  }
0x68: {  	_ =	shalt  }
0x69: {  	_ =	shalt  }
0x6a: {  	_ =	shalt  }
0x6b: {  	_ =	shalt  }
0x6c: {  	_ =	shalt  }
0x6d: {  	_ =	shalt  }
0x6e: {  	_ =	shalt  }
0x6f: {  	_ =	shalt  }
0x70: {  	_ =	shalt  }
0x71: {  	_ =	shalt  }
0x72: {  	_ =	shalt  }
0x73: {  	_ =	shalt  }
0x74: {  	_ =	shalt  }
0x75: {  	_ =	shalt  }
0x76: {  	_ =	shalt  }
0x77: {  	_ =	shalt  }
0x78: {  	_ =	shalt  }
0x79: {  	_ =	shalt  }
0x7a: {  	_ =	shalt  }
0x7b: {  	_ =	shalt  }
0x7c: {  	_ =	shalt  }
0x7d: {  	_ =	shalt  }
0x7e: {  	_ =	shalt  }
0x7f: {  	_ =	shalt  }
0x80: {  	_ =	shalt  }
0x81: {  	_ =	shalt  }
0x82: {  	_ =	shalt  }
0x83: {  	_ =	shalt  }
0x84: {  	_ =	shalt  }
0x85: {  	_ =	shalt  }
0x86: {  	_ =	shalt  }
0x87: {  	_ =	shalt  }
.Lfunc_end0:
.L_simem_size_0:
called_computation.1_lowered:
.L_overlay_start_0:
0x88: {  	s2 =	sld [smem:$0x3FD9]  }
0x89: {  	s3 =	sld [smem:$0x3FFE];
	_ =	sdelay $0x1  }
0x8a: {  	s1 =	srdreg.scid  }
0x8b: {  	s0 =	sand.u32 $0x1, s1  }
0x8c: {  	s17 =	sshll.u32 s0, $0xA;
	s2 =	sadd.s32 s3, s2  }
0x8d: {  	s2 =	sadd.s32 s2, s17  }
0x8e: {  	[smem:$0x3FC1] =	sst s2  }
0x8f: {  	_ = 	snop  }
0x90: {  	s2 =	sld [smem:$0x3FD0];
	(tm) =	ssettm $0x1  }
0x91: {  	s18 =	sld [smem:$0x3FFB];
	_ =	sdelay $0x3  }
0x92: {  	_ =	strace s18  }
0x93: {  	s3 =	sld [smem:$0x3FFC];
	_ =	sdelay $0x3  }
0x94: {  	_ =	strace s3  }
0x95: {  	s3 =	sld [smem:$0x3FFD];
	_ =	sdelay $0x3  }
0x96: {  	_ =	strace s3  }
0x97: {  	_ =	strace $0x8FFFFFFF  }
0x98: {  	s19 =	sld [smem:$0x3FDB];
	_ =	sdelay $0x1  }
0x99: {  	s4 =	simm.s32 $_scs_section_size  }
0x9a: {  	s5 =	simm.s32 $_size__tile_overlayer_lowered;
	s6 =	simm.s32 $_tile_overlayer_lowered  }
0x9b: {  	s22 =	simm.s32 $0x1BFF;
	s21 =	sshll.u32 s6, $0x1;
	s3 =	sadd.s32 s4, s19  }
0x9c: {  	s7 =	simm.s32 $0x0;
	s20 =	sshll.u32 s5, $0x1;
	s5 =	sadd.s32 s21, s3  }
0x9d: {  	[timem:s7], [sflag:s22] =	dma.local [hbm:s5], s20  }
0x9e: {  	_ =	swait.ge [sflag:s22], s20  }
0x9f: {  	s4 =	ssub.s32 $0x0, s20;
	[sflag:s22] =	ssyncset.done $0x0  }
0xa0: {  	[sflag:s22] =	ssyncadd.s32 s4;
	_ =	sdelay $0x1  }
0xa1: {  	s23 =	simm.s32 $0x1B8B  }
0xa2: {  	_ =	swait.ge [sflag:s23], $0x1  }
0xa3: {  	[sflag:s23] =	ssyncset.done $0x0  }
0xa4: {  	s25 =	simm.s32 $0x1B8E;
	s24 =	sld [smem:$0x3FFE];
	[sflag:s23] =	ssyncadd.s32 $0xFFFFFFFF  }
0xa5: {  	s26 =	simm.s32 $execute0_lowered;
	[smem:$0x3FD2] =	sst s25  }
0xa6: {  	s5 =	sshll.u32 s26, $0x1;
	_ =	strace $0x80000049;
	[dreg:$0x1] =	wrdreg $0xFFFFFFFF  }
0xa7: {  	s28 =	simm.s32 $_size_execute0_lowered;
	s3 =	sadd.s32 s3, s5;
	[dreg:$0x0] =	wrdreg $0x0  }
0xa8: {  	s5 =	sshll.u32 s28, $0x1;
	[dreg:$0x2] =	wrdreg s3  }
0xa9: {  	[dreg:$0x3] =	wrdreg s5  }
0xaa: {  	[dreg:$0x4] =	wrdreg $0xC0  }
0xab: {  	_ =	task [dreg:s7], $0x5FFFF  }
0xac: {  	[dreg:$0x1] =	wrdreg $0xFFFFFFFF  }
0xad: {  	[dreg:$0x0] =	wrdreg $0x60  }
0xae: {  	[dreg:$0x2] =	wrdreg s2  }
0xaf: {  	[dreg:$0x3] =	wrdreg s24  }
0xb0: {  	[dreg:$0x4] =	wrdreg $0xA8000  }
0xb1: {  	[dreg:$0x5] =	wrdreg $0x9  }
0xb2: {  	_ =	task.clear_ibuf [dreg:s7], $0x6FFFF;
	_ =	strace $0x90000049  }
0xb3: {  	s29 =	simm.s32 $0x9;
	_ =	strace $0x8000004B  }
0xb4: {  	_ =	swait.ge [sflag:s29], $0x1  }
0xb5: {  	[sflag:s29] =	ssyncadd.s32 $0xFFFFFFFF  }
0xb6: {  	_ =	strace $0x9000004B  }
0xb7: {  	_ =	sfence  }
0xb8: {  	s30 =	sld [smem:$0x0];
	_ =	sdelay $0x2  }
0xb9: {  	s31 =	sshll.u32 s1, $0xD;
	s1 =	sshrl.u32 s1, $0x2  }
0xba: {  	s3 =	sand.u32 $0x4000, s31;
	s1 =	sadd.s32 s1, s30  }
0xbb: {  	s0 =	sor.u32 s3, s0;
	s1 =	sshll.u32 s1, $0x11  }
0xbc: {  	s0 =	sor.u32 s1, s0  }
0xbd: {  	s0 =	sadd.s32 $0x8F2B, s0  }
0xbe: {  	[sflag:s0] =	ssyncadd.remote.s32 $0x1  }
0xbf: {  	_ =	sfence.sel $0xFFFF  }
0xc0: {  	[dreg:$0x0] =	wrdreg $0xFFFFFFFF;
	(pc) =	sbr.abs _section_cstart, $3  }
0xc1: {  	[dreg:$0x1] =	wrdreg $0xFFFFFFFF  }
0xc2: {  	_ =	task.clear_ibuf [dreg:s7], $0x2FFFF;
	_ =	strace $0x9FFFFFFF  }
0xc3: {  	(tm) =	ssettm $0x7FFFFFFF  }
tec
execute0_lowered:
.L_overlay_start_1:
0x0: {  	(tag) =	ssettag $0x1  }
0x1: {  	s1 =	rddreg [dreg:$0x0]  }
0x2: {  	s5 =	rddreg [dreg:$0x1]  }
0x3: {  	s0 =	srdreg.scid;
	s3 =	rddreg [dreg:$0x2]  }
0x4: {  	s2 =	rddreg [dreg:$0x3];
	s7 =	sand.u32 $0x1, s0  }
0x5: {  	s0 =	stileid.u32;
	s6 =	smul.u32 $0x34000, s7  }
0x6: {  	s4 =	simm.s32 $0x0;
	s15 =	simm.s32 $0x6800;
	s8 =	smul.u32 $0x3400, s0  }
0x7: {  	s16 =	simm.s32 $0x1;
	[smem:$0x7FF] =	sst s4;
	s28 =	smul.u32 $0x13C00, s0  }
0x8: {  	s17 =	simm.s32 $0x0;
	s9 =	smul.u32 $0x13C000, s7;
	_ =	strace $0x8000004A  }
0x9: {  	s29 =	ssub.s32 $0x2, s7;
	s12 =	smul.u32 $0x4F000, s0;
	p0 =	seq.s32 s7, $0x0  }
0xa: {  	s7 =	simm.s32 $0x62;
	s31 =	sshll.u32 s0, $0x6;
	s11 =	sshrl.u32 s29, $0x1  }
0xb: {  	s7 =	simm.s32 @!p0 $0x3B;
	s6 =	sadd.s32 s8, s6;
	s10 =	sshrl.u32 s28, $0x3  }
0xc: {  	s8 =	sadd.s32 s28, s9;
	s11 =	ssub.s32 s29, s11;
	s30 =	sshrl.u32 s12, $0x2  }
0xd: {  	s12 =	sor.u32 $0x1C02, s31;
	s6 =	sshrl.u32 s6, $0x3;
	s8 =	sshrl.u32 s8, $0x3  }
0xe: {  	s10 =	sadd.s32 s10, s5;
	s14 =	sadd.s32 s30, s3;
	s6 =	sadd.s32 s6, s5  }
0xf: {  	s13 =	sadd.s32 s8, s5;
	s8 =	sadd.s32 $0x1EA00, s10;
	s10 =	smax.u32 s11, $0x1  }
0x10: {  	s11 =	simm.s32 $0x2;
	s5 =	sadd.s32 $0x11A00, s6;
	s6 =	sadd.s32 $0x4A00, s6  }
0x11: {  	s9 =	sadd.s32 $0x46200, s13;
	s13 =	sshrl.u32 s14, $0x3;
	s14 =	simm.s32 $0x80  }
.LBB2_1:
0x12: {  	[tilespmem:s4], [sflag:$0x2] =	stream.linear.gather [hbm4b:s5+s4], $0x3100, $0x38;
	[tilespmem:$0x1E400] =	vst v63  }
0x13: {  	_ =	swait.ge [sflag:s11], $0x3100  }
0x14: {  	[sflag:s11] =	ssyncset.done $0x0  }
0x15: {  	s18 =	simm.s32 $0x3400;
	[sflag:s11] =	ssyncadd.s32 $0xFFFFCF00  }
0x16: {  	[tilespmem:s18], [sflag:$0x2] =	stream.linear.gather [hbm4b:s6+s4], $0x3100, $0x38;
	[tilespmem:$0x1E400] =	vst v63  }
0x17: {  	_ =	swait.ge [sflag:s11], $0x3100  }
0x18: {  	[sflag:s11] =	ssyncset.done $0x0  }
0x19: {  	[sflag:s11] =	ssyncadd.s32 $0xFFFFCF00  }
0x1a: {  	[spmem:s13], [sflag:s12] =	dma.local [hbm:s8], $0x2780  }
0x1b: {  	_ =	swait.ge [sflag:s11], $0x2780  }
0x1c: {  	[sflag:s11] =	ssyncset.done $0x0  }
0x1d: {  	[sflag:s11] =	ssyncadd.s32 $0xFFFFD880  }
0x1e: {  	[bflag:$0x0] =	sbarrier.arrive $0xFFFF  }
0x1f: {  	[tilespmem:s15], [sflag:$0x1] =	stream.indirect.gather [hbm4b:s1+s14], $0x80, s4, s14, $0xb8;
	[tilespmem:$0x1E400] =	vst v63  }
0x20: {  	p0 =	sne.s32 s7, $0x1;
	_ =	swait.ge [sflag:s16], $0x4000  }
.Ltmp0:
0x21: {  	[sflag:s16] =	ssyncset.done $0x0;
	(pc) =	sbr.rel @!p0 .LBB2_3-.Ltmp0, $4  }
0x22: {  	[sflag:s16] =	ssyncadd.s32 $0xFFFFC000  }
0x23: {  	[spmem:s3] =	stream.indirect.scatter.add.f32 [tilespmem:s15], [sflag:$0x2], $0x80, s18, s14, $0xb8;
	[tilespmem:$0x1E400] =	vst v63  }
0x24: {  	_ =	swait.ge [sflag:s11], $0x4000  }
0x25: {  	s19 =	sadd.s32 $0xFFFFFFFF, s7;
	s20 =	simm.s32 $0x0;
	[sflag:s11] =	ssyncset.done $0x0  }
.LBB2_2:
0x26: {  	[sflag:s11] =	ssyncadd.s32 $0xFFFFC000;
	s20 =	sadd.s32 $0x80, s20;
	s18 =	sadd.s32 $0x80, s18  }
0x27: {  	[tilespmem:s15], [sflag:$0x1] =	stream.indirect.gather [hbm4b:s1+s14], $0x80, s20, s14, $0xb8;
	[tilespmem:$0x1E400] =	vst v63  }
0x28: {  	p0 =	sne.s32 s19, $0x1;
	s19 =	sadd.s32 $0xFFFFFFFF, s19;
	_ =	swait.ge [sflag:s16], $0x4000  }
.Ltmp1:
0x29: {  	[sflag:s16] =	ssyncset.done $0x0;
	(pc) =	sbr.rel @p0 .LBB2_2-.Ltmp1, $4  }
0x2a: {  	[sflag:s16] =	ssyncadd.s32 $0xFFFFC000  }
0x2b: {  	[spmem:s3] =	stream.indirect.scatter.add.f32 [tilespmem:s15], [sflag:$0x2], $0x80, s18, s14, $0xb8;
	[tilespmem:$0x1E400] =	vst v63  }
0x2c: {  	_ =	swait.ge [sflag:s11], $0x4000  }
0x2d: {  	[sflag:s11] =	ssyncset.done $0x0  }
.LBB2_3:
0x2e: {  	s17 =	sadd.s32 $0x1, s17  }
0x2f: {  	[sflag:s11] =	ssyncadd.s32 $0xFFFFC000;
	p0 =	sne.s32 s17, s10  }
.Ltmp2:
0x30: {  	[bflag:$0x0] =	sbarrier.arrive $0xFFFF;
	(pc) =	sbr.rel @p0 .LBB2_1-.Ltmp2, $4  }
0x31: {  	[hbm:s9], [sflag:s12] =	dma.local [spmem:s13], $0x2780  }
0x32: {  	_ =	swait.ge [sflag:s11], $0x2780  }
0x33: {  	[sflag:s11] =	ssyncset.done $0x0  }
0x34: {  	[sflag:s11] =	ssyncadd.s32 $0xFFFFD880  }
0x35: {  	_ =	sfence.sel $0x180000  }
0x36: {  	[bflag:$0x0] =	sbarrier.arrive $0xFFFF  }
0x37: {  	p0 =	sne.s32 s0, $0x0;
	_ =	strace $0x9000004A  }
0x38: {  	s0 =	sadd.s32 @!p0 $0x100000, s2;
	[bflag:$0x2] =	sbarrier.arrive $0xFFFF  }
0x39: {  	[sflag:s0] =	ssyncadd.tile.s32 @!p0 $0x1;
	_ =	shalt  }
.Lfunc_end2:
_tile_overlayer_lowered:
.L_overlay_start_2:
0x3a: {  	(tag) =	ssettag $0x2  }
0x3b: {  	s0 =	rddreg [dreg:$0x0];
	s2 =	stileid.u32  }
0x3c: {  	s1 =	rddreg [dreg:$0x1];
	p0 =	sne.s32 s2, $0x0  }
0x3d: {  	s3 =	rddreg [dreg:$0x2];
	[bflag:$0x3] =	sbarrier.arrive $0xFFFF;
	s2 =	simm.s32 @!p0 $0x1C02  }
0x3e: {  	[timem:s3], [sflag:s2] =	dma.local @!p0 [hbm:s0], s1  }
0x3f: {  	s0 =	simm.s32 @!p0 $0x2  }
0x40: {  	_ =	swait.ge @!p0 [sflag:s0], s1  }
0x41: {  	s1 =	ssub.s32 @!p0 $0x0, s1;
	[sflag:s0] =	ssyncset.done @!p0 $0x0  }
0x42: {  	[sflag:s0] =	ssyncadd.s32 @!p0 s1  }
0x43: {  	[bflag:$0x3] =	sbarrier.arrive $0xFFFF  }
0x44: {  	_ =	shalt  }

// kernel: kernel.21.cloned.1.call-start
scs
__scs_entry_jumppad:
0x0: {  	(pc) =	sbr.rel $0x88, $3  }
0x1: {  	(tag) =	ssettag $0x0;
	lr =	simm.s32 $0x1  }
0x2: {  	[smem:$0x3F9A] =	sst lr;
	_ =	strace $0xD0000000  }
0x3: {  	_ = 	snop  }
0x4: {  	_ = 	snop  }
0x5: {  	_ = 	snop  }
0x6: {  	_ = 	snop  }
0x7: {  	_ = 	snop  }
__scs_overlays_trampoline_lowered:
0x8: {  	[smem:$0x3FA9] =	sst s0  }
0x9: {  	[smem:$0x3FAA] =	sst s1  }
0xa: {  	[smem:$0x3FAB] =	sst s2  }
0xb: {  	[smem:$0x3FAC] =	sst s3  }
0xc: {  	[smem:$0x3FAD] =	sst s4  }
0xd: {  	[smem:$0x3FAE] =	sst s5  }
0xe: {  	[smem:$0x3FAF] =	sst s6  }
0xf: {  	[smem:$0x3FB0] =	sst s7  }
0x10: {  	[smem:$0x3FB1] =	sst s8  }
0x11: {  	[smem:$0x3FB2] =	sst s9;
	s0 =	simm.s32 @!p0 $0x0  }
0x12: {  	s1 =	sld [smem:$0x3F98];
	s0 =	simm.s32 @p0 $0x1  }
0x13: {  	[smem:$0x3FB3] =	sst s0;
	s0 =	simm.s32 @!p1 $0x0  }
0x14: {  	s2 =	sld [smem:$0x3F97];
	s0 =	simm.s32 @p1 $0x1  }
0x15: {  	[smem:$0x3FB4] =	sst s0;
	s0 =	simm.s32 @!p2 $0x0  }
0x16: {  	s3 =	sld [smem:$0x3FDB];
	s0 =	simm.s32 @p2 $0x1  }
0x17: {  	s4 =	simm.s32 $0x1BF5;
	[smem:$0x3FB6] =	sst s0  }
0x18: {  	s0 =	sld [smem:$0x3F99];
	_ =	swait.ge [sflag:s4], $0x0  }
0x19: {  	s7 =	sld [smem:$0x3F9A]  }
0x1a: {  	s8 =	sadd.s32 $0xFFFFE003, lr  }
0x1b: {  	s9 =	sadd.s32 $0xFFFFFEF7, lr;
	s5 =	simm.s32 $0xFFFFFFFF;
	p2 =	slt.u32 s8, $0xFFFFF086  }
0x1c: {  	p1 =	slt.u32 s9, $0xF7A;
	s5 =	simm.s32 @!p2 $0x0  }
0x1d: {  	s5 =	simm.s32 @p1 $0x1;
	p0 =	seq.s32 s7, s2  }
0x1e: {  	s7 =	smul.u32 @!p0 $0xF7A, s2;
	p2 =	seq.s32 @!p0 s5, $0x0  }
0x1f: {  	s9 =	smul.u32 $0xF7A, s1;
	s8 =	simm.s32 @!p0 $0x1BF5;
	p2 =	por !p2, p0  }
0x20: {  	[sflag:s8] =	ssyncset.s32 @!p0 $0xFFFFF086;
	s6 =	sadd.s32 @!p0 s3, s7;
	s7 =	simm.s32 @!p0 $0x108  }
0x21: {  	s3 =	sadd.s32 s3, s9;
	s6 =	sadd.s32 @!p0 $0x88, s6;
	s7 =	simm.s32 @p2 $0x1082  }
0x22: {  	[simem:s7], [sflag:s8] =	dma.local @!p0 [hbm:s6], $0xF7A  }
0x23: {  	s9 =	sor.u32 $0xD0000000, s2;
	s6 =	simm.s32 $0x108;
	_ =	swait.ge @!p0 [sflag:s8], $0x0  }
0x24: {  	s3 =	sadd.s32 $0x88, s3;
	s6 =	simm.s32 @!p1 $0x1082;
	[sflag:s4] =	ssyncset.s32 $0xFFFFF086  }
0x25: {  	[simem:s6], [sflag:s4] =	dma.local [hbm:s3], $0xF7A  }
0x26: {  	[smem:$0x3F9A] =	sst s1;
	(tag) =	ssettag s2;
	_ =	strace s9  }
0x27: {  	s1 =	sld [smem:$0x3FAA]  }
0x28: {  	s2 =	sld [smem:$0x3FAB]  }
0x29: {  	s4 =	sld [smem:$0x3FAD]  }
0x2a: {  	p0 =	seq.s32 s5, $0x0;
	s5 =	sld [smem:$0x3FAE]  }
0x2b: {  	s6 =	sld [smem:$0x3FAF]  }
0x2c: {  	s7 =	sld [smem:$0x3FB0]  }
0x2d: {  	s3 =	simm.s32 $0x108;
	s8 =	sld [smem:$0x3FB1]  }
0x2e: {  	s3 =	simm.s32 @!p0 $0x1082;
	s9 =	sld [smem:$0x3FB2]  }
0x2f: {  	lr =	sadd.s32 s0, s3;
	s0 =	sld [smem:$0x3FA9]  }
0x30: {  	s3 =	sld [smem:$0x3FAC]  }
0x31: {  	[smem:$0x3FB5] =	sst s10  }
0x32: {  	s10 =	sld [smem:$0x3FB3];
	_ =	sdelay $0x3  }
0x33: {  	p0 =	seq.s32 s10, $0x1;
	s10 =	sld [smem:$0x3FB5];
	_ =	sdelay $0x3  }
0x34: {  	[smem:$0x3FB5] =	sst s10  }
0x35: {  	s10 =	sld [smem:$0x3FB4];
	_ =	sdelay $0x3  }
0x36: {  	p1 =	seq.s32 s10, $0x1;
	s10 =	sld [smem:$0x3FB5];
	_ =	sdelay $0x3  }
0x37: {  	[smem:$0x3FB5] =	sst s10  }
0x38: {  	s10 =	sld [smem:$0x3FB6]  }
0x39: {  	_ = 	snop;
	(pc) =	sbr.ind lr, $3  }
0x3a: {  	_ = 	snop  }
0x3b: {  	_ = 	snop  }
0x3c: {  	p2 =	seq.s32 s10, $0x1;
	s10 =	sld [smem:$0x3FB5]  }
0x3d: {  	_ =	shalt  }
0x3e: {  	_ =	shalt  }
0x3f: {  	_ =	shalt  }
0x40: {  	_ =	shalt  }
0x41: {  	_ =	shalt  }
0x42: {  	_ =	shalt  }
0x43: {  	_ =	shalt  }
0x44: {  	_ =	shalt  }
0x45: {  	_ =	shalt  }
0x46: {  	_ =	shalt  }
0x47: {  	_ =	shalt  }
0x48: {  	_ =	shalt  }
0x49: {  	_ =	shalt  }
0x4a: {  	_ =	shalt  }
0x4b: {  	_ =	shalt  }
0x4c: {  	_ =	shalt  }
0x4d: {  	_ =	shalt  }
0x4e: {  	_ =	shalt  }
0x4f: {  	_ =	shalt  }
0x50: {  	_ =	shalt  }
0x51: {  	_ =	shalt  }
0x52: {  	_ =	shalt  }
0x53: {  	_ =	shalt  }
0x54: {  	_ =	shalt  }
0x55: {  	_ =	shalt  }
0x56: {  	_ =	shalt  }
0x57: {  	_ =	shalt  }
0x58: {  	_ =	shalt  }
0x59: {  	_ =	shalt  }
0x5a: {  	_ =	shalt  }
0x5b: {  	_ =	shalt  }
0x5c: {  	_ =	shalt  }
0x5d: {  	_ =	shalt  }
0x5e: {  	_ =	shalt  }
0x5f: {  	_ =	shalt  }
0x60: {  	_ =	shalt  }
0x61: {  	_ =	shalt  }
0x62: {  	_ =	shalt  }
0x63: {  	_ =	shalt  }
0x64: {  	_ =	shalt  }
0x65: {  	_ =	shalt  }
0x66: {  	_ =	shalt  }
0x67: {  	_ =	shalt  }
0x68: {  	_ =	shalt  }
0x69: {  	_ =	shalt  }
0x6a: {  	_ =	shalt  }
0x6b: {  	_ =	shalt  }
0x6c: {  	_ =	shalt  }
0x6d: {  	_ =	shalt  }
0x6e: {  	_ =	shalt  }
0x6f: {  	_ =	shalt  }
0x70: {  	_ =	shalt  }
0x71: {  	_ =	shalt  }
0x72: {  	_ =	shalt  }
0x73: {  	_ =	shalt  }
0x74: {  	_ =	shalt  }
0x75: {  	_ =	shalt  }
0x76: {  	_ =	shalt  }
0x77: {  	_ =	shalt  }
0x78: {  	_ =	shalt  }
0x79: {  	_ =	shalt  }
0x7a: {  	_ =	shalt  }
0x7b: {  	_ =	shalt  }
0x7c: {  	_ =	shalt  }
0x7d: {  	_ =	shalt  }
0x7e: {  	_ =	shalt  }
0x7f: {  	_ =	shalt  }
0x80: {  	_ =	shalt  }
0x81: {  	_ =	shalt  }
0x82: {  	_ =	shalt  }
0x83: {  	_ =	shalt  }
0x84: {  	_ =	shalt  }
0x85: {  	_ =	shalt  }
0x86: {  	_ =	shalt  }
0x87: {  	_ =	shalt  }
.Lfunc_end0:
.L_simem_size_0:
called_computation.2_lowered:
.L_overlay_start_0:
0x88: {  	s2 =	sld [smem:$0x3FD9]  }
0x89: {  	s3 =	sld [smem:$0x3FFE];
	_ =	sdelay $0x1  }
0x8a: {  	s1 =	srdreg.scid  }
0x8b: {  	s0 =	sand.u32 $0x1, s1  }
0x8c: {  	s17 =	sshll.u32 s0, $0xA;
	s2 =	sadd.s32 s3, s2  }
0x8d: {  	s2 =	sadd.s32 s2, s17  }
0x8e: {  	[smem:$0x3FC1] =	sst s2  }
0x8f: {  	_ = 	snop  }
0x90: {  	s2 =	sld [smem:$0x3FD0];
	(tm) =	ssettm $0x1  }
0x91: {  	s18 =	sld [smem:$0x3FFB];
	_ =	sdelay $0x3  }
0x92: {  	_ =	strace s18  }
0x93: {  	s3 =	sld [smem:$0x3FFC];
	_ =	sdelay $0x3  }
0x94: {  	_ =	strace s3  }
0x95: {  	s3 =	sld [smem:$0x3FFD];
	_ =	sdelay $0x3  }
0x96: {  	_ =	strace s3  }
0x97: {  	_ =	strace $0x8FFFFFFF  }
0x98: {  	s19 =	sld [smem:$0x3FDB];
	_ =	sdelay $0x1  }
0x99: {  	s4 =	simm.s32 $_scs_section_size  }
0x9a: {  	s5 =	simm.s32 $_size__tile_overlayer_lowered;
	s6 =	simm.s32 $_tile_overlayer_lowered  }
0x9b: {  	s22 =	simm.s32 $0x1BFF;
	s21 =	sshll.u32 s6, $0x1;
	s3 =	sadd.s32 s4, s19  }
0x9c: {  	s7 =	simm.s32 $0x0;
	s20 =	sshll.u32 s5, $0x1;
	s5 =	sadd.s32 s21, s3  }
0x9d: {  	[timem:s7], [sflag:s22] =	dma.local [hbm:s5], s20  }
0x9e: {  	_ =	swait.ge [sflag:s22], s20  }
0x9f: {  	s4 =	ssub.s32 $0x0, s20;
	[sflag:s22] =	ssyncset.done $0x0  }
0xa0: {  	[sflag:s22] =	ssyncadd.s32 s4;
	_ =	sdelay $0x1  }
0xa1: {  	s23 =	simm.s32 $0x1B8B  }
0xa2: {  	_ =	swait.ge [sflag:s23], $0x1  }
0xa3: {  	[sflag:s23] =	ssyncset.done $0x0  }
0xa4: {  	s25 =	simm.s32 $0x1B8E;
	s24 =	sld [smem:$0x3FFE];
	[sflag:s23] =	ssyncadd.s32 $0xFFFFFFFF  }
0xa5: {  	s26 =	simm.s32 $execute0_lowered;
	[smem:$0x3FD2] =	sst s25  }
0xa6: {  	s5 =	sshll.u32 s26, $0x1;
	_ =	strace $0x8000004C;
	[dreg:$0x1] =	wrdreg $0xFFFFFFFF  }
0xa7: {  	s28 =	simm.s32 $_size_execute0_lowered;
	s3 =	sadd.s32 s3, s5;
	[dreg:$0x0] =	wrdreg $0x0  }
0xa8: {  	s5 =	sshll.u32 s28, $0x1;
	[dreg:$0x2] =	wrdreg s3  }
0xa9: {  	[dreg:$0x3] =	wrdreg s5  }
0xaa: {  	[dreg:$0x4] =	wrdreg $0xC0  }
0xab: {  	_ =	task [dreg:s7], $0x5FFFF  }
0xac: {  	[dreg:$0x1] =	wrdreg $0xFFFFFFFF  }
0xad: {  	[dreg:$0x0] =	wrdreg $0x60  }
0xae: {  	[dreg:$0x2] =	wrdreg s2  }
0xaf: {  	[dreg:$0x3] =	wrdreg s24  }
0xb0: {  	[dreg:$0x4] =	wrdreg $0xA8000  }
0xb1: {  	[dreg:$0x5] =	wrdreg $0x9  }
0xb2: {  	_ =	task.clear_ibuf [dreg:s7], $0x6FFFF;
	_ =	strace $0x9000004C  }
0xb3: {  	s29 =	simm.s32 $0x9;
	_ =	strace $0x8000004E  }
0xb4: {  	_ =	swait.ge [sflag:s29], $0x1  }
0xb5: {  	[sflag:s29] =	ssyncadd.s32 $0xFFFFFFFF  }
0xb6: {  	_ =	strace $0x9000004E  }
0xb7: {  	_ =	sfence  }
0xb8: {  	s30 =	sld [smem:$0x0];
	_ =	sdelay $0x2  }
0xb9: {  	s31 =	sshll.u32 s1, $0xD;
	s1 =	sshrl.u32 s1, $0x2  }
0xba: {  	s3 =	sand.u32 $0x4000, s31;
	s1 =	sadd.s32 s1, s30  }
0xbb: {  	s0 =	sor.u32 s3, s0;
	s1 =	sshll.u32 s1, $0x11  }
0xbc: {  	s0 =	sor.u32 s1, s0  }
0xbd: {  	s0 =	sadd.s32 $0x8F2B, s0  }
0xbe: {  	[sflag:s0] =	ssyncadd.remote.s32 $0x1  }
0xbf: {  	_ =	sfence.sel $0xFFFF  }
0xc0: {  	[dreg:$0x0] =	wrdreg $0xFFFFFFFF;
	(pc) =	sbr.abs _section_cstart, $3  }
0xc1: {  	[dreg:$0x1] =	wrdreg $0xFFFFFFFF  }
0xc2: {  	_ =	task.clear_ibuf [dreg:s7], $0x2FFFF;
	_ =	strace $0x9FFFFFFF  }
0xc3: {  	(tm) =	ssettm $0x7FFFFFFF  }
tec
execute0_lowered:
.L_overlay_start_1:
0x0: {  	(tag) =	ssettag $0x1  }
0x1: {  	s1 =	rddreg [dreg:$0x0]  }
0x2: {  	s5 =	rddreg [dreg:$0x1]  }
0x3: {  	s0 =	srdreg.scid;
	s3 =	rddreg [dreg:$0x2]  }
0x4: {  	s2 =	rddreg [dreg:$0x3];
	s7 =	sand.u32 $0x1, s0  }
0x5: {  	s0 =	stileid.u32;
	s6 =	smul.u32 $0x34000, s7  }
0x6: {  	s4 =	simm.s32 $0x0;
	s15 =	simm.s32 $0x6800;
	s8 =	smul.u32 $0x3400, s0  }
0x7: {  	s16 =	simm.s32 $0x1;
	[smem:$0x7FF] =	sst s4;
	s28 =	smul.u32 $0x13C00, s0  }
0x8: {  	s17 =	simm.s32 $0x0;
	s9 =	smul.u32 $0x13C000, s7;
	_ =	strace $0x8000004D  }
0x9: {  	s29 =	ssub.s32 $0x2, s7;
	s12 =	smul.u32 $0x4F000, s0;
	p0 =	seq.s32 s7, $0x0  }
0xa: {  	s7 =	simm.s32 $0x62;
	s31 =	sshll.u32 s0, $0x6;
	s11 =	sshrl.u32 s29, $0x1  }
0xb: {  	s7 =	simm.s32 @!p0 $0x3B;
	s6 =	sadd.s32 s8, s6;
	s10 =	sshrl.u32 s28, $0x3  }
0xc: {  	s8 =	sadd.s32 s28, s9;
	s11 =	ssub.s32 s29, s11;
	s30 =	sshrl.u32 s12, $0x2  }
0xd: {  	s12 =	sor.u32 $0x1C02, s31;
	s6 =	sshrl.u32 s6, $0x3;
	s8 =	sshrl.u32 s8, $0x3  }
0xe: {  	s10 =	sadd.s32 s10, s5;
	s14 =	sadd.s32 s30, s3;
	s6 =	sadd.s32 s6, s5  }
0xf: {  	s13 =	sadd.s32 s8, s5;
	s8 =	sadd.s32 $0x1EA00, s10;
	s10 =	smax.u32 s11, $0x1  }
0x10: {  	s11 =	simm.s32 $0x2;
	s5 =	sadd.s32 $0x11A00, s6;
	s6 =	sadd.s32 $0x4A00, s6  }
0x11: {  	s9 =	sadd.s32 $0x6D400, s13;
	s13 =	sshrl.u32 s14, $0x3;
	s14 =	simm.s32 $0x80  }
.LBB2_1:
0x12: {  	[tilespmem:s4], [sflag:$0x2] =	stream.linear.gather [hbm4b:s5+s4], $0x3100, $0x38;
	[tilespmem:$0x1E400] =	vst v63  }
0x13: {  	_ =	swait.ge [sflag:s11], $0x3100  }
0x14: {  	[sflag:s11] =	ssyncset.done $0x0  }
0x15: {  	s18 =	simm.s32 $0x3400;
	[sflag:s11] =	ssyncadd.s32 $0xFFFFCF00  }
0x16: {  	[tilespmem:s18], [sflag:$0x2] =	stream.linear.gather [hbm4b:s6+s4], $0x3100, $0x38;
	[tilespmem:$0x1E400] =	vst v63  }
0x17: {  	_ =	swait.ge [sflag:s11], $0x3100  }
0x18: {  	[sflag:s11] =	ssyncset.done $0x0  }
0x19: {  	[sflag:s11] =	ssyncadd.s32 $0xFFFFCF00  }
0x1a: {  	[spmem:s13], [sflag:s12] =	dma.local [hbm:s8], $0x2780  }
0x1b: {  	_ =	swait.ge [sflag:s11], $0x2780  }
0x1c: {  	[sflag:s11] =	ssyncset.done $0x0  }
0x1d: {  	[sflag:s11] =	ssyncadd.s32 $0xFFFFD880  }
0x1e: {  	[bflag:$0x0] =	sbarrier.arrive $0xFFFF  }
0x1f: {  	[tilespmem:s15], [sflag:$0x1] =	stream.indirect.gather [hbm4b:s1+s14], $0x80, s4, s14, $0xb8;
	[tilespmem:$0x1E400] =	vst v63  }
0x20: {  	p0 =	sne.s32 s7, $0x1;
	_ =	swait.ge [sflag:s16], $0x4000  }
.Ltmp0:
0x21: {  	[sflag:s16] =	ssyncset.done $0x0;
	(pc) =	sbr.rel @!p0 .LBB2_3-.Ltmp0, $4  }
0x22: {  	[sflag:s16] =	ssyncadd.s32 $0xFFFFC000  }
0x23: {  	[spmem:s3] =	stream.indirect.scatter.add.f32 [tilespmem:s15], [sflag:$0x2], $0x80, s18, s14, $0xb8;
	[tilespmem:$0x1E400] =	vst v63  }
0x24: {  	_ =	swait.ge [sflag:s11], $0x4000  }
0x25: {  	s19 =	sadd.s32 $0xFFFFFFFF, s7;
	s20 =	simm.s32 $0x0;
	[sflag:s11] =	ssyncset.done $0x0  }
.LBB2_2:
0x26: {  	[sflag:s11] =	ssyncadd.s32 $0xFFFFC000;
	s20 =	sadd.s32 $0x80, s20;
	s18 =	sadd.s32 $0x80, s18  }
0x27: {  	[tilespmem:s15], [sflag:$0x1] =	stream.indirect.gather [hbm4b:s1+s14], $0x80, s20, s14, $0xb8;
	[tilespmem:$0x1E400] =	vst v63  }
0x28: {  	p0 =	sne.s32 s19, $0x1;
	s19 =	sadd.s32 $0xFFFFFFFF, s19;
	_ =	swait.ge [sflag:s16], $0x4000  }
.Ltmp1:
0x29: {  	[sflag:s16] =	ssyncset.done $0x0;
	(pc) =	sbr.rel @p0 .LBB2_2-.Ltmp1, $4  }
0x2a: {  	[sflag:s16] =	ssyncadd.s32 $0xFFFFC000  }
0x2b: {  	[spmem:s3] =	stream.indirect.scatter.add.f32 [tilespmem:s15], [sflag:$0x2], $0x80, s18, s14, $0xb8;
	[tilespmem:$0x1E400] =	vst v63  }
0x2c: {  	_ =	swait.ge [sflag:s11], $0x4000  }
0x2d: {  	[sflag:s11] =	ssyncset.done $0x0  }
.LBB2_3:
0x2e: {  	s17 =	sadd.s32 $0x1, s17  }
0x2f: {  	[sflag:s11] =	ssyncadd.s32 $0xFFFFC000;
	p0 =	sne.s32 s17, s10  }
.Ltmp2:
0x30: {  	[bflag:$0x0] =	sbarrier.arrive $0xFFFF;
	(pc) =	sbr.rel @p0 .LBB2_1-.Ltmp2, $4  }
0x31: {  	[hbm:s9], [sflag:s12] =	dma.local [spmem:s13], $0x2780  }
0x32: {  	_ =	swait.ge [sflag:s11], $0x2780  }
0x33: {  	[sflag:s11] =	ssyncset.done $0x0  }
0x34: {  	[sflag:s11] =	ssyncadd.s32 $0xFFFFD880  }
0x35: {  	_ =	sfence.sel $0x180000  }
0x36: {  	[bflag:$0x0] =	sbarrier.arrive $0xFFFF  }
0x37: {  	p0 =	sne.s32 s0, $0x0;
	_ =	strace $0x9000004D  }
0x38: {  	s0 =	sadd.s32 @!p0 $0x100000, s2;
	[bflag:$0x2] =	sbarrier.arrive $0xFFFF  }
0x39: {  	[sflag:s0] =	ssyncadd.tile.s32 @!p0 $0x1;
	_ =	shalt  }
.Lfunc_end2:
_tile_overlayer_lowered:
.L_overlay_start_2:
0x3a: {  	(tag) =	ssettag $0x2  }
0x3b: {  	s0 =	rddreg [dreg:$0x0];
	s2 =	stileid.u32  }
0x3c: {  	s1 =	rddreg [dreg:$0x1];
	p0 =	sne.s32 s2, $0x0  }
0x3d: {  	s3 =	rddreg [dreg:$0x2];
	[bflag:$0x3] =	sbarrier.arrive $0xFFFF;
	s2 =	simm.s32 @!p0 $0x1C02  }
0x3e: {  	[timem:s3], [sflag:s2] =	dma.local @!p0 [hbm:s0], s1  }
0x3f: {  	s0 =	simm.s32 @!p0 $0x2  }
0x40: {  	_ =	swait.ge @!p0 [sflag:s0], s1  }
0x41: {  	s1 =	ssub.s32 @!p0 $0x0, s1;
	[sflag:s0] =	ssyncset.done @!p0 $0x0  }
0x42: {  	[sflag:s0] =	ssyncadd.s32 @!p0 s1  }
0x43: {  	[bflag:$0x3] =	sbarrier.arrive $0xFFFF  }
0x44: {  	_ =	shalt  }

// kernel: kernel.24.cloned.1.call-start
scs
__scs_entry_jumppad:
0x0: {  	(pc) =	sbr.rel $0x88, $3  }
0x1: {  	(tag) =	ssettag $0x0;
	lr =	simm.s32 $0x1  }
0x2: {  	[smem:$0x3F9A] =	sst lr;
	_ =	strace $0xD0000000  }
0x3: {  	_ = 	snop  }
0x4: {  	_ = 	snop  }
0x5: {  	_ = 	snop  }
0x6: {  	_ = 	snop  }
0x7: {  	_ = 	snop  }
__scs_overlays_trampoline_lowered:
0x8: {  	[smem:$0x3FA9] =	sst s0  }
0x9: {  	[smem:$0x3FAA] =	sst s1  }
0xa: {  	[smem:$0x3FAB] =	sst s2  }
0xb: {  	[smem:$0x3FAC] =	sst s3  }
0xc: {  	[smem:$0x3FAD] =	sst s4  }
0xd: {  	[smem:$0x3FAE] =	sst s5  }
0xe: {  	[smem:$0x3FAF] =	sst s6  }
0xf: {  	[smem:$0x3FB0] =	sst s7  }
0x10: {  	[smem:$0x3FB1] =	sst s8  }
0x11: {  	[smem:$0x3FB2] =	sst s9;
	s0 =	simm.s32 @!p0 $0x0  }
0x12: {  	s1 =	sld [smem:$0x3F98];
	s0 =	simm.s32 @p0 $0x1  }
0x13: {  	[smem:$0x3FB3] =	sst s0;
	s0 =	simm.s32 @!p1 $0x0  }
0x14: {  	s2 =	sld [smem:$0x3F97];
	s0 =	simm.s32 @p1 $0x1  }
0x15: {  	[smem:$0x3FB4] =	sst s0;
	s0 =	simm.s32 @!p2 $0x0  }
0x16: {  	s3 =	sld [smem:$0x3FDB];
	s0 =	simm.s32 @p2 $0x1  }
0x17: {  	s4 =	simm.s32 $0x1BF5;
	[smem:$0x3FB6] =	sst s0  }
0x18: {  	s0 =	sld [smem:$0x3F99];
	_ =	swait.ge [sflag:s4], $0x0  }
0x19: {  	s7 =	sld [smem:$0x3F9A]  }
0x1a: {  	s8 =	sadd.s32 $0xFFFFE003, lr  }
0x1b: {  	s9 =	sadd.s32 $0xFFFFFEF7, lr;
	s5 =	simm.s32 $0xFFFFFFFF;
	p2 =	slt.u32 s8, $0xFFFFF086  }
0x1c: {  	p1 =	slt.u32 s9, $0xF7A;
	s5 =	simm.s32 @!p2 $0x0  }
0x1d: {  	s5 =	simm.s32 @p1 $0x1;
	p0 =	seq.s32 s7, s2  }
0x1e: {  	s7 =	smul.u32 @!p0 $0xF7A, s2;
	p2 =	seq.s32 @!p0 s5, $0x0  }
0x1f: {  	s9 =	smul.u32 $0xF7A, s1;
	s8 =	simm.s32 @!p0 $0x1BF5;
	p2 =	por !p2, p0  }
0x20: {  	[sflag:s8] =	ssyncset.s32 @!p0 $0xFFFFF086;
	s6 =	sadd.s32 @!p0 s3, s7;
	s7 =	simm.s32 @!p0 $0x108  }
0x21: {  	s3 =	sadd.s32 s3, s9;
	s6 =	sadd.s32 @!p0 $0x88, s6;
	s7 =	simm.s32 @p2 $0x1082  }
0x22: {  	[simem:s7], [sflag:s8] =	dma.local @!p0 [hbm:s6], $0xF7A  }
0x23: {  	s9 =	sor.u32 $0xD0000000, s2;
	s6 =	simm.s32 $0x108;
	_ =	swait.ge @!p0 [sflag:s8], $0x0  }
0x24: {  	s3 =	sadd.s32 $0x88, s3;
	s6 =	simm.s32 @!p1 $0x1082;
	[sflag:s4] =	ssyncset.s32 $0xFFFFF086  }
0x25: {  	[simem:s6], [sflag:s4] =	dma.local [hbm:s3], $0xF7A  }
0x26: {  	[smem:$0x3F9A] =	sst s1;
	(tag) =	ssettag s2;
	_ =	strace s9  }
0x27: {  	s1 =	sld [smem:$0x3FAA]  }
0x28: {  	s2 =	sld [smem:$0x3FAB]  }
0x29: {  	s4 =	sld [smem:$0x3FAD]  }
0x2a: {  	p0 =	seq.s32 s5, $0x0;
	s5 =	sld [smem:$0x3FAE]  }
0x2b: {  	s6 =	sld [smem:$0x3FAF]  }
0x2c: {  	s7 =	sld [smem:$0x3FB0]  }
0x2d: {  	s3 =	simm.s32 $0x108;
	s8 =	sld [smem:$0x3FB1]  }
0x2e: {  	s3 =	simm.s32 @!p0 $0x1082;
	s9 =	sld [smem:$0x3FB2]  }
0x2f: {  	lr =	sadd.s32 s0, s3;
	s0 =	sld [smem:$0x3FA9]  }
0x30: {  	s3 =	sld [smem:$0x3FAC]  }
0x31: {  	[smem:$0x3FB5] =	sst s10  }
0x32: {  	s10 =	sld [smem:$0x3FB3];
	_ =	sdelay $0x3  }
0x33: {  	p0 =	seq.s32 s10, $0x1;
	s10 =	sld [smem:$0x3FB5];
	_ =	sdelay $0x3  }
0x34: {  	[smem:$0x3FB5] =	sst s10  }
0x35: {  	s10 =	sld [smem:$0x3FB4];
	_ =	sdelay $0x3  }
0x36: {  	p1 =	seq.s32 s10, $0x1;
	s10 =	sld [smem:$0x3FB5];
	_ =	sdelay $0x3  }
0x37: {  	[smem:$0x3FB5] =	sst s10  }
0x38: {  	s10 =	sld [smem:$0x3FB6]  }
0x39: {  	_ = 	snop;
	(pc) =	sbr.ind lr, $3  }
0x3a: {  	_ = 	snop  }
0x3b: {  	_ = 	snop  }
0x3c: {  	p2 =	seq.s32 s10, $0x1;
	s10 =	sld [smem:$0x3FB5]  }
0x3d: {  	_ =	shalt  }
0x3e: {  	_ =	shalt  }
0x3f: {  	_ =	shalt  }
0x40: {  	_ =	shalt  }
0x41: {  	_ =	shalt  }
0x42: {  	_ =	shalt  }
0x43: {  	_ =	shalt  }
0x44: {  	_ =	shalt  }
0x45: {  	_ =	shalt  }
0x46: {  	_ =	shalt  }
0x47: {  	_ =	shalt  }
0x48: {  	_ =	shalt  }
0x49: {  	_ =	shalt  }
0x4a: {  	_ =	shalt  }
0x4b: {  	_ =	shalt  }
0x4c: {  	_ =	shalt  }
0x4d: {  	_ =	shalt  }
0x4e: {  	_ =	shalt  }
0x4f: {  	_ =	shalt  }
0x50: {  	_ =	shalt  }
0x51: {  	_ =	shalt  }
0x52: {  	_ =	shalt  }
0x53: {  	_ =	shalt  }
0x54: {  	_ =	shalt  }
0x55: {  	_ =	shalt  }
0x56: {  	_ =	shalt  }
0x57: {  	_ =	shalt  }
0x58: {  	_ =	shalt  }
0x59: {  	_ =	shalt  }
0x5a: {  	_ =	shalt  }
0x5b: {  	_ =	shalt  }
0x5c: {  	_ =	shalt  }
0x5d: {  	_ =	shalt  }
0x5e: {  	_ =	shalt  }
0x5f: {  	_ =	shalt  }
0x60: {  	_ =	shalt  }
0x61: {  	_ =	shalt  }
0x62: {  	_ =	shalt  }
0x63: {  	_ =	shalt  }
0x64: {  	_ =	shalt  }
0x65: {  	_ =	shalt  }
0x66: {  	_ =	shalt  }
0x67: {  	_ =	shalt  }
0x68: {  	_ =	shalt  }
0x69: {  	_ =	shalt  }
0x6a: {  	_ =	shalt  }
0x6b: {  	_ =	shalt  }
0x6c: {  	_ =	shalt  }
0x6d: {  	_ =	shalt  }
0x6e: {  	_ =	shalt  }
0x6f: {  	_ =	shalt  }
0x70: {  	_ =	shalt  }
0x71: {  	_ =	shalt  }
0x72: {  	_ =	shalt  }
0x73: {  	_ =	shalt  }
0x74: {  	_ =	shalt  }
0x75: {  	_ =	shalt  }
0x76: {  	_ =	shalt  }
0x77: {  	_ =	shalt  }
0x78: {  	_ =	shalt  }
0x79: {  	_ =	shalt  }
0x7a: {  	_ =	shalt  }
0x7b: {  	_ =	shalt  }
0x7c: {  	_ =	shalt  }
0x7d: {  	_ =	shalt  }
0x7e: {  	_ =	shalt  }
0x7f: {  	_ =	shalt  }
0x80: {  	_ =	shalt  }
0x81: {  	_ =	shalt  }
0x82: {  	_ =	shalt  }
0x83: {  	_ =	shalt  }
0x84: {  	_ =	shalt  }
0x85: {  	_ =	shalt  }
0x86: {  	_ =	shalt  }
0x87: {  	_ =	shalt  }
.Lfunc_end0:
.L_simem_size_0:
called_computation.3_lowered:
.L_overlay_start_0:
0x88: {  	s2 =	sld [smem:$0x3FD9]  }
0x89: {  	s3 =	sld [smem:$0x3FFE];
	_ =	sdelay $0x1  }
0x8a: {  	s1 =	srdreg.scid  }
0x8b: {  	s0 =	sand.u32 $0x1, s1  }
0x8c: {  	s17 =	sshll.u32 s0, $0xA;
	s2 =	sadd.s32 s3, s2  }
0x8d: {  	s2 =	sadd.s32 s2, s17  }
0x8e: {  	[smem:$0x3FC1] =	sst s2  }
0x8f: {  	_ = 	snop  }
0x90: {  	s2 =	sld [smem:$0x3FD0];
	(tm) =	ssettm $0x1  }
0x91: {  	s18 =	sld [smem:$0x3FFB];
	_ =	sdelay $0x3  }
0x92: {  	_ =	strace s18  }
0x93: {  	s3 =	sld [smem:$0x3FFC];
	_ =	sdelay $0x3  }
0x94: {  	_ =	strace s3  }
0x95: {  	s3 =	sld [smem:$0x3FFD];
	_ =	sdelay $0x3  }
0x96: {  	_ =	strace s3  }
0x97: {  	_ =	strace $0x8FFFFFFF  }
0x98: {  	s19 =	sld [smem:$0x3FDB];
	_ =	sdelay $0x1  }
0x99: {  	s4 =	simm.s32 $_scs_section_size  }
0x9a: {  	s5 =	simm.s32 $_size__tile_overlayer_lowered;
	s6 =	simm.s32 $_tile_overlayer_lowered  }
0x9b: {  	s22 =	simm.s32 $0x1BFF;
	s21 =	sshll.u32 s6, $0x1;
	s3 =	sadd.s32 s4, s19  }
0x9c: {  	s7 =	simm.s32 $0x0;
	s20 =	sshll.u32 s5, $0x1;
	s5 =	sadd.s32 s21, s3  }
0x9d: {  	[timem:s7], [sflag:s22] =	dma.local [hbm:s5], s20  }
0x9e: {  	_ =	swait.ge [sflag:s22], s20  }
0x9f: {  	s4 =	ssub.s32 $0x0, s20;
	[sflag:s22] =	ssyncset.done $0x0  }
0xa0: {  	[sflag:s22] =	ssyncadd.s32 s4;
	_ =	sdelay $0x1  }
0xa1: {  	s23 =	simm.s32 $0x1B8B  }
0xa2: {  	_ =	swait.ge [sflag:s23], $0x1  }
0xa3: {  	[sflag:s23] =	ssyncset.done $0x0  }
0xa4: {  	s25 =	simm.s32 $0x1B8E;
	s24 =	sld [smem:$0x3FFE];
	[sflag:s23] =	ssyncadd.s32 $0xFFFFFFFF  }
0xa5: {  	s26 =	simm.s32 $execute0_lowered;
	[smem:$0x3FD2] =	sst s25  }
0xa6: {  	s5 =	sshll.u32 s26, $0x1;
	_ =	strace $0x8000004F;
	[dreg:$0x1] =	wrdreg $0xFFFFFFFF  }
0xa7: {  	s28 =	simm.s32 $_size_execute0_lowered;
	s3 =	sadd.s32 s3, s5;
	[dreg:$0x0] =	wrdreg $0x0  }
0xa8: {  	s5 =	sshll.u32 s28, $0x1;
	[dreg:$0x2] =	wrdreg s3  }
0xa9: {  	[dreg:$0x3] =	wrdreg s5  }
0xaa: {  	[dreg:$0x4] =	wrdreg $0xC0  }
0xab: {  	_ =	task [dreg:s7], $0x5FFFF  }
0xac: {  	[dreg:$0x1] =	wrdreg $0xFFFFFFFF  }
0xad: {  	[dreg:$0x0] =	wrdreg $0x60  }
0xae: {  	[dreg:$0x2] =	wrdreg s2  }
0xaf: {  	[dreg:$0x3] =	wrdreg s24  }
0xb0: {  	[dreg:$0x4] =	wrdreg $0xA8000  }
0xb1: {  	[dreg:$0x5] =	wrdreg $0x9  }
0xb2: {  	_ =	task.clear_ibuf [dreg:s7], $0x6FFFF;
	_ =	strace $0x9000004F  }
0xb3: {  	s29 =	simm.s32 $0x9;
	_ =	strace $0x80000051  }
0xb4: {  	_ =	swait.ge [sflag:s29], $0x1  }
0xb5: {  	[sflag:s29] =	ssyncadd.s32 $0xFFFFFFFF  }
0xb6: {  	_ =	strace $0x90000051  }
0xb7: {  	_ =	sfence  }
0xb8: {  	s30 =	sld [smem:$0x0];
	_ =	sdelay $0x2  }
0xb9: {  	s31 =	sshll.u32 s1, $0xD;
	s1 =	sshrl.u32 s1, $0x2  }
0xba: {  	s3 =	sand.u32 $0x4000, s31;
	s1 =	sadd.s32 s1, s30  }
0xbb: {  	s0 =	sor.u32 s3, s0;
	s1 =	sshll.u32 s1, $0x11  }
0xbc: {  	s0 =	sor.u32 s1, s0  }
0xbd: {  	s0 =	sadd.s32 $0x8F2B, s0  }
0xbe: {  	[sflag:s0] =	ssyncadd.remote.s32 $0x1  }
0xbf: {  	_ =	sfence.sel $0xFFFF  }
0xc0: {  	[dreg:$0x0] =	wrdreg $0xFFFFFFFF;
	(pc) =	sbr.abs _section_cstart, $3  }
0xc1: {  	[dreg:$0x1] =	wrdreg $0xFFFFFFFF  }
0xc2: {  	_ =	task.clear_ibuf [dreg:s7], $0x2FFFF;
	_ =	strace $0x9FFFFFFF  }
0xc3: {  	(tm) =	ssettm $0x7FFFFFFF  }
tec
execute0_lowered:
.L_overlay_start_1:
0x0: {  	(tag) =	ssettag $0x1  }
0x1: {  	s1 =	rddreg [dreg:$0x0]  }
0x2: {  	s5 =	rddreg [dreg:$0x1]  }
0x3: {  	s0 =	srdreg.scid;
	s3 =	rddreg [dreg:$0x2]  }
0x4: {  	s2 =	rddreg [dreg:$0x3];
	s7 =	sand.u32 $0x1, s0  }
0x5: {  	s0 =	stileid.u32;
	s6 =	smul.u32 $0x34000, s7  }
0x6: {  	s4 =	simm.s32 $0x0;
	s15 =	simm.s32 $0x6800;
	s8 =	smul.u32 $0x3400, s0  }
0x7: {  	s16 =	simm.s32 $0x1;
	[smem:$0x7FF] =	sst s4;
	s28 =	smul.u32 $0x13C00, s0  }
0x8: {  	s17 =	simm.s32 $0x0;
	s9 =	smul.u32 $0x13C000, s7;
	_ =	strace $0x80000050  }
0x9: {  	s29 =	ssub.s32 $0x2, s7;
	s12 =	smul.u32 $0x4F000, s0;
	p0 =	seq.s32 s7, $0x0  }
0xa: {  	s7 =	simm.s32 $0x62;
	s31 =	sshll.u32 s0, $0x6;
	s11 =	sshrl.u32 s29, $0x1  }
0xb: {  	s7 =	simm.s32 @!p0 $0x3B;
	s6 =	sadd.s32 s8, s6;
	s10 =	sshrl.u32 s28, $0x3  }
0xc: {  	s8 =	sadd.s32 s28, s9;
	s11 =	ssub.s32 s29, s11;
	s30 =	sshrl.u32 s12, $0x2  }
0xd: {  	s12 =	sor.u32 $0x1C02, s31;
	s6 =	sshrl.u32 s6, $0x3;
	s8 =	sshrl.u32 s8, $0x3  }
0xe: {  	s10 =	sadd.s32 s10, s5;
	s14 =	sadd.s32 s30, s3;
	s6 =	sadd.s32 s6, s5  }
0xf: {  	s13 =	sadd.s32 s8, s5;
	s8 =	sadd.s32 $0x1EA00, s10;
	s10 =	smax.u32 s11, $0x1  }
0x10: {  	s11 =	simm.s32 $0x2;
	s5 =	sadd.s32 $0x11A00, s6;
	s6 =	sadd.s32 $0x4A00, s6  }
0x11: {  	s9 =	sadd.s32 $0x6D400, s13;
	s13 =	sshrl.u32 s14, $0x3;
	s14 =	simm.s32 $0x80  }
.LBB2_1:
0x12: {  	[tilespmem:s4], [sflag:$0x2] =	stream.linear.gather [hbm4b:s5+s4], $0x3100, $0x38;
	[tilespmem:$0x1E400] =	vst v63  }
0x13: {  	_ =	swait.ge [sflag:s11], $0x3100  }
0x14: {  	[sflag:s11] =	ssyncset.done $0x0  }
0x15: {  	s18 =	simm.s32 $0x3400;
	[sflag:s11] =	ssyncadd.s32 $0xFFFFCF00  }
0x16: {  	[tilespmem:s18], [sflag:$0x2] =	stream.linear.gather [hbm4b:s6+s4], $0x3100, $0x38;
	[tilespmem:$0x1E400] =	vst v63  }
0x17: {  	_ =	swait.ge [sflag:s11], $0x3100  }
0x18: {  	[sflag:s11] =	ssyncset.done $0x0  }
0x19: {  	[sflag:s11] =	ssyncadd.s32 $0xFFFFCF00  }
0x1a: {  	[spmem:s13], [sflag:s12] =	dma.local [hbm:s8], $0x2780  }
0x1b: {  	_ =	swait.ge [sflag:s11], $0x2780  }
0x1c: {  	[sflag:s11] =	ssyncset.done $0x0  }
0x1d: {  	[sflag:s11] =	ssyncadd.s32 $0xFFFFD880  }
0x1e: {  	[bflag:$0x0] =	sbarrier.arrive $0xFFFF  }
0x1f: {  	[tilespmem:s15], [sflag:$0x1] =	stream.indirect.gather [hbm4b:s1+s14], $0x80, s4, s14, $0xb8;
	[tilespmem:$0x1E400] =	vst v63  }
0x20: {  	p0 =	sne.s32 s7, $0x1;
	_ =	swait.ge [sflag:s16], $0x4000  }
.Ltmp0:
0x21: {  	[sflag:s16] =	ssyncset.done $0x0;
	(pc) =	sbr.rel @!p0 .LBB2_3-.Ltmp0, $4  }
0x22: {  	[sflag:s16] =	ssyncadd.s32 $0xFFFFC000  }
0x23: {  	[spmem:s3] =	stream.indirect.scatter.add.f32 [tilespmem:s15], [sflag:$0x2], $0x80, s18, s14, $0xb8;
	[tilespmem:$0x1E400] =	vst v63  }
0x24: {  	_ =	swait.ge [sflag:s11], $0x4000  }
0x25: {  	s19 =	sadd.s32 $0xFFFFFFFF, s7;
	s20 =	simm.s32 $0x0;
	[sflag:s11] =	ssyncset.done $0x0  }
.LBB2_2:
0x26: {  	[sflag:s11] =	ssyncadd.s32 $0xFFFFC000;
	s20 =	sadd.s32 $0x80, s20;
	s18 =	sadd.s32 $0x80, s18  }
0x27: {  	[tilespmem:s15], [sflag:$0x1] =	stream.indirect.gather [hbm4b:s1+s14], $0x80, s20, s14, $0xb8;
	[tilespmem:$0x1E400] =	vst v63  }
0x28: {  	p0 =	sne.s32 s19, $0x1;
	s19 =	sadd.s32 $0xFFFFFFFF, s19;
	_ =	swait.ge [sflag:s16], $0x4000  }
.Ltmp1:
0x29: {  	[sflag:s16] =	ssyncset.done $0x0;
	(pc) =	sbr.rel @p0 .LBB2_2-.Ltmp1, $4  }
0x2a: {  	[sflag:s16] =	ssyncadd.s32 $0xFFFFC000  }
0x2b: {  	[spmem:s3] =	stream.indirect.scatter.add.f32 [tilespmem:s15], [sflag:$0x2], $0x80, s18, s14, $0xb8;
	[tilespmem:$0x1E400] =	vst v63  }
0x2c: {  	_ =	swait.ge [sflag:s11], $0x4000  }
0x2d: {  	[sflag:s11] =	ssyncset.done $0x0  }
.LBB2_3:
0x2e: {  	s17 =	sadd.s32 $0x1, s17  }
0x2f: {  	[sflag:s11] =	ssyncadd.s32 $0xFFFFC000;
	p0 =	sne.s32 s17, s10  }
.Ltmp2:
0x30: {  	[bflag:$0x0] =	sbarrier.arrive $0xFFFF;
	(pc) =	sbr.rel @p0 .LBB2_1-.Ltmp2, $4  }
0x31: {  	[hbm:s9], [sflag:s12] =	dma.local [spmem:s13], $0x2780  }
0x32: {  	_ =	swait.ge [sflag:s11], $0x2780  }
0x33: {  	[sflag:s11] =	ssyncset.done $0x0  }
0x34: {  	[sflag:s11] =	ssyncadd.s32 $0xFFFFD880  }
0x35: {  	_ =	sfence.sel $0x180000  }
0x36: {  	[bflag:$0x0] =	sbarrier.arrive $0xFFFF  }
0x37: {  	p0 =	sne.s32 s0, $0x0;
	_ =	strace $0x90000050  }
0x38: {  	s0 =	sadd.s32 @!p0 $0x100000, s2;
	[bflag:$0x2] =	sbarrier.arrive $0xFFFF  }
0x39: {  	[sflag:s0] =	ssyncadd.tile.s32 @!p0 $0x1;
	_ =	shalt  }
.Lfunc_end2:
_tile_overlayer_lowered:
.L_overlay_start_2:
0x3a: {  	(tag) =	ssettag $0x2  }
0x3b: {  	s0 =	rddreg [dreg:$0x0];
	s2 =	stileid.u32  }
0x3c: {  	s1 =	rddreg [dreg:$0x1];
	p0 =	sne.s32 s2, $0x0  }
0x3d: {  	s3 =	rddreg [dreg:$0x2];
	[bflag:$0x3] =	sbarrier.arrive $0xFFFF;
	s2 =	simm.s32 @!p0 $0x1C02  }
0x3e: {  	[timem:s3], [sflag:s2] =	dma.local @!p0 [hbm:s0], s1  }
0x3f: {  	s0 =	simm.s32 @!p0 $0x2  }
0x40: {  	_ =	swait.ge @!p0 [sflag:s0], s1  }
0x41: {  	s1 =	ssub.s32 @!p0 $0x0, s1;
	[sflag:s0] =	ssyncset.done @!p0 $0x0  }
0x42: {  	[sflag:s0] =	ssyncadd.s32 @!p0 s1  }
0x43: {  	[bflag:$0x3] =	sbarrier.arrive $0xFFFF  }
0x44: {  	_ =	shalt  }

// kernel: kernel.27.cloned.1.call-start
scs
__scs_entry_jumppad:
0x0: {  	(pc) =	sbr.rel $0x88, $3  }
0x1: {  	(tag) =	ssettag $0x0;
	lr =	simm.s32 $0x1  }
0x2: {  	[smem:$0x3F9A] =	sst lr;
	_ =	strace $0xD0000000  }
0x3: {  	_ = 	snop  }
0x4: {  	_ = 	snop  }
0x5: {  	_ = 	snop  }
0x6: {  	_ = 	snop  }
0x7: {  	_ = 	snop  }
__scs_overlays_trampoline_lowered:
0x8: {  	[smem:$0x3FA9] =	sst s0  }
0x9: {  	[smem:$0x3FAA] =	sst s1  }
0xa: {  	[smem:$0x3FAB] =	sst s2  }
0xb: {  	[smem:$0x3FAC] =	sst s3  }
0xc: {  	[smem:$0x3FAD] =	sst s4  }
0xd: {  	[smem:$0x3FAE] =	sst s5  }
0xe: {  	[smem:$0x3FAF] =	sst s6  }
0xf: {  	[smem:$0x3FB0] =	sst s7  }
0x10: {  	[smem:$0x3FB1] =	sst s8  }
0x11: {  	[smem:$0x3FB2] =	sst s9;
	s0 =	simm.s32 @!p0 $0x0  }
0x12: {  	s1 =	sld [smem:$0x3F98];
	s0 =	simm.s32 @p0 $0x1  }
0x13: {  	[smem:$0x3FB3] =	sst s0;
	s0 =	simm.s32 @!p1 $0x0  }
0x14: {  	s2 =	sld [smem:$0x3F97];
	s0 =	simm.s32 @p1 $0x1  }
0x15: {  	[smem:$0x3FB4] =	sst s0;
	s0 =	simm.s32 @!p2 $0x0  }
0x16: {  	s3 =	sld [smem:$0x3FDB];
	s0 =	simm.s32 @p2 $0x1  }
0x17: {  	s4 =	simm.s32 $0x1BF5;
	[smem:$0x3FB6] =	sst s0  }
0x18: {  	s0 =	sld [smem:$0x3F99];
	_ =	swait.ge [sflag:s4], $0x0  }
0x19: {  	s7 =	sld [smem:$0x3F9A]  }
0x1a: {  	s8 =	sadd.s32 $0xFFFFE003, lr  }
0x1b: {  	s9 =	sadd.s32 $0xFFFFFEF7, lr;
	s5 =	simm.s32 $0xFFFFFFFF;
	p2 =	slt.u32 s8, $0xFFFFF086  }
0x1c: {  	p1 =	slt.u32 s9, $0xF7A;
	s5 =	simm.s32 @!p2 $0x0  }
0x1d: {  	s5 =	simm.s32 @p1 $0x1;
	p0 =	seq.s32 s7, s2  }
0x1e: {  	s7 =	smul.u32 @!p0 $0xF7A, s2;
	p2 =	seq.s32 @!p0 s5, $0x0  }
0x1f: {  	s9 =	smul.u32 $0xF7A, s1;
	s8 =	simm.s32 @!p0 $0x1BF5;
	p2 =	por !p2, p0  }
0x20: {  	[sflag:s8] =	ssyncset.s32 @!p0 $0xFFFFF086;
	s6 =	sadd.s32 @!p0 s3, s7;
	s7 =	simm.s32 @!p0 $0x108  }
0x21: {  	s3 =	sadd.s32 s3, s9;
	s6 =	sadd.s32 @!p0 $0x88, s6;
	s7 =	simm.s32 @p2 $0x1082  }
0x22: {  	[simem:s7], [sflag:s8] =	dma.local @!p0 [hbm:s6], $0xF7A  }
0x23: {  	s9 =	sor.u32 $0xD0000000, s2;
	s6 =	simm.s32 $0x108;
	_ =	swait.ge @!p0 [sflag:s8], $0x0  }
0x24: {  	s3 =	sadd.s32 $0x88, s3;
	s6 =	simm.s32 @!p1 $0x1082;
	[sflag:s4] =	ssyncset.s32 $0xFFFFF086  }
0x25: {  	[simem:s6], [sflag:s4] =	dma.local [hbm:s3], $0xF7A  }
0x26: {  	[smem:$0x3F9A] =	sst s1;
	(tag) =	ssettag s2;
	_ =	strace s9  }
0x27: {  	s1 =	sld [smem:$0x3FAA]  }
0x28: {  	s2 =	sld [smem:$0x3FAB]  }
0x29: {  	s4 =	sld [smem:$0x3FAD]  }
0x2a: {  	p0 =	seq.s32 s5, $0x0;
	s5 =	sld [smem:$0x3FAE]  }
0x2b: {  	s6 =	sld [smem:$0x3FAF]  }
0x2c: {  	s7 =	sld [smem:$0x3FB0]  }
0x2d: {  	s3 =	simm.s32 $0x108;
	s8 =	sld [smem:$0x3FB1]  }
0x2e: {  	s3 =	simm.s32 @!p0 $0x1082;
	s9 =	sld [smem:$0x3FB2]  }
0x2f: {  	lr =	sadd.s32 s0, s3;
	s0 =	sld [smem:$0x3FA9]  }
0x30: {  	s3 =	sld [smem:$0x3FAC]  }
0x31: {  	[smem:$0x3FB5] =	sst s10  }
0x32: {  	s10 =	sld [smem:$0x3FB3];
	_ =	sdelay $0x3  }
0x33: {  	p0 =	seq.s32 s10, $0x1;
	s10 =	sld [smem:$0x3FB5];
	_ =	sdelay $0x3  }
0x34: {  	[smem:$0x3FB5] =	sst s10  }
0x35: {  	s10 =	sld [smem:$0x3FB4];
	_ =	sdelay $0x3  }
0x36: {  	p1 =	seq.s32 s10, $0x1;
	s10 =	sld [smem:$0x3FB5];
	_ =	sdelay $0x3  }
0x37: {  	[smem:$0x3FB5] =	sst s10  }
0x38: {  	s10 =	sld [smem:$0x3FB6]  }
0x39: {  	_ = 	snop;
	(pc) =	sbr.ind lr, $3  }
0x3a: {  	_ = 	snop  }
0x3b: {  	_ = 	snop  }
0x3c: {  	p2 =	seq.s32 s10, $0x1;
	s10 =	sld [smem:$0x3FB5]  }
0x3d: {  	_ =	shalt  }
0x3e: {  	_ =	shalt  }
0x3f: {  	_ =	shalt  }
0x40: {  	_ =	shalt  }
0x41: {  	_ =	shalt  }
0x42: {  	_ =	shalt  }
0x43: {  	_ =	shalt  }
0x44: {  	_ =	shalt  }
0x45: {  	_ =	shalt  }
0x46: {  	_ =	shalt  }
0x47: {  	_ =	shalt  }
0x48: {  	_ =	shalt  }
0x49: {  	_ =	shalt  }
0x4a: {  	_ =	shalt  }
0x4b: {  	_ =	shalt  }
0x4c: {  	_ =	shalt  }
0x4d: {  	_ =	shalt  }
0x4e: {  	_ =	shalt  }
0x4f: {  	_ =	shalt  }
0x50: {  	_ =	shalt  }
0x51: {  	_ =	shalt  }
0x52: {  	_ =	shalt  }
0x53: {  	_ =	shalt  }
0x54: {  	_ =	shalt  }
0x55: {  	_ =	shalt  }
0x56: {  	_ =	shalt  }
0x57: {  	_ =	shalt  }
0x58: {  	_ =	shalt  }
0x59: {  	_ =	shalt  }
0x5a: {  	_ =	shalt  }
0x5b: {  	_ =	shalt  }
0x5c: {  	_ =	shalt  }
0x5d: {  	_ =	shalt  }
0x5e: {  	_ =	shalt  }
0x5f: {  	_ =	shalt  }
0x60: {  	_ =	shalt  }
0x61: {  	_ =	shalt  }
0x62: {  	_ =	shalt  }
0x63: {  	_ =	shalt  }
0x64: {  	_ =	shalt  }
0x65: {  	_ =	shalt  }
0x66: {  	_ =	shalt  }
0x67: {  	_ =	shalt  }
0x68: {  	_ =	shalt  }
0x69: {  	_ =	shalt  }
0x6a: {  	_ =	shalt  }
0x6b: {  	_ =	shalt  }
0x6c: {  	_ =	shalt  }
0x6d: {  	_ =	shalt  }
0x6e: {  	_ =	shalt  }
0x6f: {  	_ =	shalt  }
0x70: {  	_ =	shalt  }
0x71: {  	_ =	shalt  }
0x72: {  	_ =	shalt  }
0x73: {  	_ =	shalt  }
0x74: {  	_ =	shalt  }
0x75: {  	_ =	shalt  }
0x76: {  	_ =	shalt  }
0x77: {  	_ =	shalt  }
0x78: {  	_ =	shalt  }
0x79: {  	_ =	shalt  }
0x7a: {  	_ =	shalt  }
0x7b: {  	_ =	shalt  }
0x7c: {  	_ =	shalt  }
0x7d: {  	_ =	shalt  }
0x7e: {  	_ =	shalt  }
0x7f: {  	_ =	shalt  }
0x80: {  	_ =	shalt  }
0x81: {  	_ =	shalt  }
0x82: {  	_ =	shalt  }
0x83: {  	_ =	shalt  }
0x84: {  	_ =	shalt  }
0x85: {  	_ =	shalt  }
0x86: {  	_ =	shalt  }
0x87: {  	_ =	shalt  }
.Lfunc_end0:
.L_simem_size_0:
called_computation.4_lowered:
.L_overlay_start_0:
0x88: {  	s2 =	sld [smem:$0x3FD9]  }
0x89: {  	s3 =	sld [smem:$0x3FFE];
	_ =	sdelay $0x1  }
0x8a: {  	s1 =	srdreg.scid  }
0x8b: {  	s0 =	sand.u32 $0x1, s1  }
0x8c: {  	s17 =	sshll.u32 s0, $0xA;
	s2 =	sadd.s32 s3, s2  }
0x8d: {  	s2 =	sadd.s32 s2, s17  }
0x8e: {  	[smem:$0x3FC1] =	sst s2  }
0x8f: {  	_ = 	snop  }
0x90: {  	s2 =	sld [smem:$0x3FD0];
	(tm) =	ssettm $0x1  }
0x91: {  	s18 =	sld [smem:$0x3FFB];
	_ =	sdelay $0x3  }
0x92: {  	_ =	strace s18  }
0x93: {  	s3 =	sld [smem:$0x3FFC];
	_ =	sdelay $0x3  }
0x94: {  	_ =	strace s3  }
0x95: {  	s3 =	sld [smem:$0x3FFD];
	_ =	sdelay $0x3  }
0x96: {  	_ =	strace s3  }
0x97: {  	_ =	strace $0x8FFFFFFF  }
0x98: {  	s19 =	sld [smem:$0x3FDB];
	_ =	sdelay $0x1  }
0x99: {  	s4 =	simm.s32 $_scs_section_size  }
0x9a: {  	s5 =	simm.s32 $_size__tile_overlayer_lowered;
	s6 =	simm.s32 $_tile_overlayer_lowered  }
0x9b: {  	s22 =	simm.s32 $0x1BFF;
	s21 =	sshll.u32 s6, $0x1;
	s3 =	sadd.s32 s4, s19  }
0x9c: {  	s7 =	simm.s32 $0x0;
	s20 =	sshll.u32 s5, $0x1;
	s5 =	sadd.s32 s21, s3  }
0x9d: {  	[timem:s7], [sflag:s22] =	dma.local [hbm:s5], s20  }
0x9e: {  	_ =	swait.ge [sflag:s22], s20  }
0x9f: {  	s4 =	ssub.s32 $0x0, s20;
	[sflag:s22] =	ssyncset.done $0x0  }
0xa0: {  	[sflag:s22] =	ssyncadd.s32 s4;
	_ =	sdelay $0x1  }
0xa1: {  	s23 =	simm.s32 $0x1B8B  }
0xa2: {  	_ =	swait.ge [sflag:s23], $0x1  }
0xa3: {  	[sflag:s23] =	ssyncset.done $0x0  }
0xa4: {  	s25 =	simm.s32 $0x1B8E;
	s24 =	sld [smem:$0x3FFE];
	[sflag:s23] =	ssyncadd.s32 $0xFFFFFFFF  }
0xa5: {  	s26 =	simm.s32 $execute0_lowered;
	[smem:$0x3FD2] =	sst s25  }
0xa6: {  	s5 =	sshll.u32 s26, $0x1;
	_ =	strace $0x80000052;
	[dreg:$0x1] =	wrdreg $0xFFFFFFFF  }
0xa7: {  	s28 =	simm.s32 $_size_execute0_lowered;
	s3 =	sadd.s32 s3, s5;
	[dreg:$0x0] =	wrdreg $0x0  }
0xa8: {  	s5 =	sshll.u32 s28, $0x1;
	[dreg:$0x2] =	wrdreg s3  }
0xa9: {  	[dreg:$0x3] =	wrdreg s5  }
0xaa: {  	[dreg:$0x4] =	wrdreg $0xC0  }
0xab: {  	_ =	task [dreg:s7], $0x5FFFF  }
0xac: {  	[dreg:$0x1] =	wrdreg $0xFFFFFFFF  }
0xad: {  	[dreg:$0x0] =	wrdreg $0x60  }
0xae: {  	[dreg:$0x2] =	wrdreg s2  }
0xaf: {  	[dreg:$0x3] =	wrdreg s24  }
0xb0: {  	[dreg:$0x4] =	wrdreg $0xA8000  }
0xb1: {  	[dreg:$0x5] =	wrdreg $0x9  }
0xb2: {  	_ =	task.clear_ibuf [dreg:s7], $0x6FFFF;
	_ =	strace $0x90000052  }
0xb3: {  	s29 =	simm.s32 $0x9;
	_ =	strace $0x80000054  }
0xb4: {  	_ =	swait.ge [sflag:s29], $0x1  }
0xb5: {  	[sflag:s29] =	ssyncadd.s32 $0xFFFFFFFF  }
0xb6: {  	_ =	strace $0x90000054  }
0xb7: {  	_ =	sfence  }
0xb8: {  	s30 =	sld [smem:$0x0];
	_ =	sdelay $0x2  }
0xb9: {  	s31 =	sshll.u32 s1, $0xD;
	s1 =	sshrl.u32 s1, $0x2  }
0xba: {  	s3 =	sand.u32 $0x4000, s31;
	s1 =	sadd.s32 s1, s30  }
0xbb: {  	s0 =	sor.u32 s3, s0;
	s1 =	sshll.u32 s1, $0x11  }
0xbc: {  	s0 =	sor.u32 s1, s0  }
0xbd: {  	s0 =	sadd.s32 $0x8F2B, s0  }
0xbe: {  	[sflag:s0] =	ssyncadd.remote.s32 $0x1  }
0xbf: {  	_ =	sfence.sel $0xFFFF  }
0xc0: {  	[dreg:$0x0] =	wrdreg $0xFFFFFFFF;
	(pc) =	sbr.abs _section_cstart, $3  }
0xc1: {  	[dreg:$0x1] =	wrdreg $0xFFFFFFFF  }
0xc2: {  	_ =	task.clear_ibuf [dreg:s7], $0x2FFFF;
	_ =	strace $0x9FFFFFFF  }
0xc3: {  	(tm) =	ssettm $0x7FFFFFFF  }
tec
execute0_lowered:
.L_overlay_start_1:
0x0: {  	(tag) =	ssettag $0x1  }
0x1: {  	s1 =	rddreg [dreg:$0x0]  }
0x2: {  	s5 =	rddreg [dreg:$0x1]  }
0x3: {  	s0 =	srdreg.scid;
	s3 =	rddreg [dreg:$0x2]  }
0x4: {  	s2 =	rddreg [dreg:$0x3];
	s7 =	sand.u32 $0x1, s0  }
0x5: {  	s0 =	stileid.u32;
	s6 =	smul.u32 $0x34000, s7  }
0x6: {  	s4 =	simm.s32 $0x0;
	s15 =	simm.s32 $0x6800;
	s8 =	smul.u32 $0x3400, s0  }
0x7: {  	s16 =	simm.s32 $0x1;
	[smem:$0x7FF] =	sst s4;
	s28 =	smul.u32 $0x13C00, s0  }
0x8: {  	s17 =	simm.s32 $0x0;
	s9 =	smul.u32 $0x13C000, s7;
	_ =	strace $0x80000053  }
0x9: {  	s29 =	ssub.s32 $0x2, s7;
	s12 =	smul.u32 $0x4F000, s0;
	p0 =	seq.s32 s7, $0x0  }
0xa: {  	s7 =	simm.s32 $0x62;
	s31 =	sshll.u32 s0, $0x6;
	s11 =	sshrl.u32 s29, $0x1  }
0xb: {  	s7 =	simm.s32 @!p0 $0x3B;
	s6 =	sadd.s32 s8, s6;
	s10 =	sshrl.u32 s28, $0x3  }
0xc: {  	s8 =	sadd.s32 s28, s9;
	s11 =	ssub.s32 s29, s11;
	s30 =	sshrl.u32 s12, $0x2  }
0xd: {  	s12 =	sor.u32 $0x1C02, s31;
	s6 =	sshrl.u32 s6, $0x3;
	s8 =	sshrl.u32 s8, $0x3  }
0xe: {  	s10 =	sadd.s32 s10, s5;
	s14 =	sadd.s32 s30, s3;
	s6 =	sadd.s32 s6, s5  }
0xf: {  	s13 =	sadd.s32 s8, s5;
	s8 =	sadd.s32 $0x1EA00, s10;
	s10 =	smax.u32 s11, $0x1  }
0x10: {  	s11 =	simm.s32 $0x2;
	s5 =	sadd.s32 $0x11A00, s6;
	s6 =	sadd.s32 $0x4A00, s6  }
0x11: {  	s9 =	sadd.s32 $0x6D400, s13;
	s13 =	sshrl.u32 s14, $0x3;
	s14 =	simm.s32 $0x80  }
.LBB2_1:
0x12: {  	[tilespmem:s4], [sflag:$0x2] =	stream.linear.gather [hbm4b:s5+s4], $0x3100, $0x38;
	[tilespmem:$0x1E400] =	vst v63  }
0x13: {  	_ =	swait.ge [sflag:s11], $0x3100  }
0x14: {  	[sflag:s11] =	ssyncset.done $0x0  }
0x15: {  	s18 =	simm.s32 $0x3400;
	[sflag:s11] =	ssyncadd.s32 $0xFFFFCF00  }
0x16: {  	[tilespmem:s18], [sflag:$0x2] =	stream.linear.gather [hbm4b:s6+s4], $0x3100, $0x38;
	[tilespmem:$0x1E400] =	vst v63  }
0x17: {  	_ =	swait.ge [sflag:s11], $0x3100  }
0x18: {  	[sflag:s11] =	ssyncset.done $0x0  }
0x19: {  	[sflag:s11] =	ssyncadd.s32 $0xFFFFCF00  }
0x1a: {  	[spmem:s13], [sflag:s12] =	dma.local [hbm:s8], $0x2780  }
0x1b: {  	_ =	swait.ge [sflag:s11], $0x2780  }
0x1c: {  	[sflag:s11] =	ssyncset.done $0x0  }
0x1d: {  	[sflag:s11] =	ssyncadd.s32 $0xFFFFD880  }
0x1e: {  	[bflag:$0x0] =	sbarrier.arrive $0xFFFF  }
0x1f: {  	[tilespmem:s15], [sflag:$0x1] =	stream.indirect.gather [hbm4b:s1+s14], $0x80, s4, s14, $0xb8;
	[tilespmem:$0x1E400] =	vst v63  }
0x20: {  	p0 =	sne.s32 s7, $0x1;
	_ =	swait.ge [sflag:s16], $0x4000  }
.Ltmp0:
0x21: {  	[sflag:s16] =	ssyncset.done $0x0;
	(pc) =	sbr.rel @!p0 .LBB2_3-.Ltmp0, $4  }
0x22: {  	[sflag:s16] =	ssyncadd.s32 $0xFFFFC000  }
0x23: {  	[spmem:s3] =	stream.indirect.scatter.add.f32 [tilespmem:s15], [sflag:$0x2], $0x80, s18, s14, $0xb8;
	[tilespmem:$0x1E400] =	vst v63  }
0x24: {  	_ =	swait.ge [sflag:s11], $0x4000  }
0x25: {  	s19 =	sadd.s32 $0xFFFFFFFF, s7;
	s20 =	simm.s32 $0x0;
	[sflag:s11] =	ssyncset.done $0x0  }
.LBB2_2:
0x26: {  	[sflag:s11] =	ssyncadd.s32 $0xFFFFC000;
	s20 =	sadd.s32 $0x80, s20;
	s18 =	sadd.s32 $0x80, s18  }
0x27: {  	[tilespmem:s15], [sflag:$0x1] =	stream.indirect.gather [hbm4b:s1+s14], $0x80, s20, s14, $0xb8;
	[tilespmem:$0x1E400] =	vst v63  }
0x28: {  	p0 =	sne.s32 s19, $0x1;
	s19 =	sadd.s32 $0xFFFFFFFF, s19;
	_ =	swait.ge [sflag:s16], $0x4000  }
.Ltmp1:
0x29: {  	[sflag:s16] =	ssyncset.done $0x0;
	(pc) =	sbr.rel @p0 .LBB2_2-.Ltmp1, $4  }
0x2a: {  	[sflag:s16] =	ssyncadd.s32 $0xFFFFC000  }
0x2b: {  	[spmem:s3] =	stream.indirect.scatter.add.f32 [tilespmem:s15], [sflag:$0x2], $0x80, s18, s14, $0xb8;
	[tilespmem:$0x1E400] =	vst v63  }
0x2c: {  	_ =	swait.ge [sflag:s11], $0x4000  }
0x2d: {  	[sflag:s11] =	ssyncset.done $0x0  }
.LBB2_3:
0x2e: {  	s17 =	sadd.s32 $0x1, s17  }
0x2f: {  	[sflag:s11] =	ssyncadd.s32 $0xFFFFC000;
	p0 =	sne.s32 s17, s10  }
.Ltmp2:
0x30: {  	[bflag:$0x0] =	sbarrier.arrive $0xFFFF;
	(pc) =	sbr.rel @p0 .LBB2_1-.Ltmp2, $4  }
0x31: {  	[hbm:s9], [sflag:s12] =	dma.local [spmem:s13], $0x2780  }
0x32: {  	_ =	swait.ge [sflag:s11], $0x2780  }
0x33: {  	[sflag:s11] =	ssyncset.done $0x0  }
0x34: {  	[sflag:s11] =	ssyncadd.s32 $0xFFFFD880  }
0x35: {  	_ =	sfence.sel $0x180000  }
0x36: {  	[bflag:$0x0] =	sbarrier.arrive $0xFFFF  }
0x37: {  	p0 =	sne.s32 s0, $0x0;
	_ =	strace $0x90000053  }
0x38: {  	s0 =	sadd.s32 @!p0 $0x100000, s2;
	[bflag:$0x2] =	sbarrier.arrive $0xFFFF  }
0x39: {  	[sflag:s0] =	ssyncadd.tile.s32 @!p0 $0x1;
	_ =	shalt  }
.Lfunc_end2:
_tile_overlayer_lowered:
.L_overlay_start_2:
0x3a: {  	(tag) =	ssettag $0x2  }
0x3b: {  	s0 =	rddreg [dreg:$0x0];
	s2 =	stileid.u32  }
0x3c: {  	s1 =	rddreg [dreg:$0x1];
	p0 =	sne.s32 s2, $0x0  }
0x3d: {  	s3 =	rddreg [dreg:$0x2];
	[bflag:$0x3] =	sbarrier.arrive $0xFFFF;
	s2 =	simm.s32 @!p0 $0x1C02  }
0x3e: {  	[timem:s3], [sflag:s2] =	dma.local @!p0 [hbm:s0], s1  }
0x3f: {  	s0 =	simm.s32 @!p0 $0x2  }
0x40: {  	_ =	swait.ge @!p0 [sflag:s0], s1  }
0x41: {  	s1 =	ssub.s32 @!p0 $0x0, s1;
	[sflag:s0] =	ssyncset.done @!p0 $0x0  }
0x42: {  	[sflag:s0] =	ssyncadd.s32 @!p0 s1  }
0x43: {  	[bflag:$0x3] =	sbarrier.arrive $0xFFFF  }
0x44: {  	_ =	shalt  }

// kernel: kernel.30.cloned.1.call-start
scs
__scs_entry_jumppad:
0x0: {  	(pc) =	sbr.rel $0x88, $3  }
0x1: {  	(tag) =	ssettag $0x0;
	lr =	simm.s32 $0x1  }
0x2: {  	[smem:$0x3F9A] =	sst lr;
	_ =	strace $0xD0000000  }
0x3: {  	_ = 	snop  }
0x4: {  	_ = 	snop  }
0x5: {  	_ = 	snop  }
0x6: {  	_ = 	snop  }
0x7: {  	_ = 	snop  }
__scs_overlays_trampoline_lowered:
0x8: {  	[smem:$0x3FA9] =	sst s0  }
0x9: {  	[smem:$0x3FAA] =	sst s1  }
0xa: {  	[smem:$0x3FAB] =	sst s2  }
0xb: {  	[smem:$0x3FAC] =	sst s3  }
0xc: {  	[smem:$0x3FAD] =	sst s4  }
0xd: {  	[smem:$0x3FAE] =	sst s5  }
0xe: {  	[smem:$0x3FAF] =	sst s6  }
0xf: {  	[smem:$0x3FB0] =	sst s7  }
0x10: {  	[smem:$0x3FB1] =	sst s8  }
0x11: {  	[smem:$0x3FB2] =	sst s9;
	s0 =	simm.s32 @!p0 $0x0  }
0x12: {  	s1 =	sld [smem:$0x3F98];
	s0 =	simm.s32 @p0 $0x1  }
0x13: {  	[smem:$0x3FB3] =	sst s0;
	s0 =	simm.s32 @!p1 $0x0  }
0x14: {  	s2 =	sld [smem:$0x3F97];
	s0 =	simm.s32 @p1 $0x1  }
0x15: {  	[smem:$0x3FB4] =	sst s0;
	s0 =	simm.s32 @!p2 $0x0  }
0x16: {  	s3 =	sld [smem:$0x3FDB];
	s0 =	simm.s32 @p2 $0x1  }
0x17: {  	s4 =	simm.s32 $0x1BF5;
	[smem:$0x3FB6] =	sst s0  }
0x18: {  	s0 =	sld [smem:$0x3F99];
	_ =	swait.ge [sflag:s4], $0x0  }
0x19: {  	s7 =	sld [smem:$0x3F9A]  }
0x1a: {  	s8 =	sadd.s32 $0xFFFFE003, lr  }
0x1b: {  	s9 =	sadd.s32 $0xFFFFFEF7, lr;
	s5 =	simm.s32 $0xFFFFFFFF;
	p2 =	slt.u32 s8, $0xFFFFF086  }
0x1c: {  	p1 =	slt.u32 s9, $0xF7A;
	s5 =	simm.s32 @!p2 $0x0  }
0x1d: {  	s5 =	simm.s32 @p1 $0x1;
	p0 =	seq.s32 s7, s2  }
0x1e: {  	s7 =	smul.u32 @!p0 $0xF7A, s2;
	p2 =	seq.s32 @!p0 s5, $0x0  }
0x1f: {  	s9 =	smul.u32 $0xF7A, s1;
	s8 =	simm.s32 @!p0 $0x1BF5;
	p2 =	por !p2, p0  }
0x20: {  	[sflag:s8] =	ssyncset.s32 @!p0 $0xFFFFF086;
	s6 =	sadd.s32 @!p0 s3, s7;
	s7 =	simm.s32 @!p0 $0x108  }
0x21: {  	s3 =	sadd.s32 s3, s9;
	s6 =	sadd.s32 @!p0 $0x88, s6;
	s7 =	simm.s32 @p2 $0x1082  }
0x22: {  	[simem:s7], [sflag:s8] =	dma.local @!p0 [hbm:s6], $0xF7A  }
0x23: {  	s9 =	sor.u32 $0xD0000000, s2;
	s6 =	simm.s32 $0x108;
	_ =	swait.ge @!p0 [sflag:s8], $0x0  }
0x24: {  	s3 =	sadd.s32 $0x88, s3;
	s6 =	simm.s32 @!p1 $0x1082;
	[sflag:s4] =	ssyncset.s32 $0xFFFFF086  }
0x25: {  	[simem:s6], [sflag:s4] =	dma.local [hbm:s3], $0xF7A  }
0x26: {  	[smem:$0x3F9A] =	sst s1;
	(tag) =	ssettag s2;
	_ =	strace s9  }
0x27: {  	s1 =	sld [smem:$0x3FAA]  }
0x28: {  	s2 =	sld [smem:$0x3FAB]  }
0x29: {  	s4 =	sld [smem:$0x3FAD]  }
0x2a: {  	p0 =	seq.s32 s5, $0x0;
	s5 =	sld [smem:$0x3FAE]  }
0x2b: {  	s6 =	sld [smem:$0x3FAF]  }
0x2c: {  	s7 =	sld [smem:$0x3FB0]  }
0x2d: {  	s3 =	simm.s32 $0x108;
	s8 =	sld [smem:$0x3FB1]  }
0x2e: {  	s3 =	simm.s32 @!p0 $0x1082;
	s9 =	sld [smem:$0x3FB2]  }
0x2f: {  	lr =	sadd.s32 s0, s3;
	s0 =	sld [smem:$0x3FA9]  }
0x30: {  	s3 =	sld [smem:$0x3FAC]  }
0x31: {  	[smem:$0x3FB5] =	sst s10  }
0x32: {  	s10 =	sld [smem:$0x3FB3];
	_ =	sdelay $0x3  }
0x33: {  	p0 =	seq.s32 s10, $0x1;
	s10 =	sld [smem:$0x3FB5];
	_ =	sdelay $0x3  }
0x34: {  	[smem:$0x3FB5] =	sst s10  }
0x35: {  	s10 =	sld [smem:$0x3FB4];
	_ =	sdelay $0x3  }
0x36: {  	p1 =	seq.s32 s10, $0x1;
	s10 =	sld [smem:$0x3FB5];
	_ =	sdelay $0x3  }
0x37: {  	[smem:$0x3FB5] =	sst s10  }
0x38: {  	s10 =	sld [smem:$0x3FB6]  }
0x39: {  	_ = 	snop;
	(pc) =	sbr.ind lr, $3  }
0x3a: {  	_ = 	snop  }
0x3b: {  	_ = 	snop  }
0x3c: {  	p2 =	seq.s32 s10, $0x1;
	s10 =	sld [smem:$0x3FB5]  }
0x3d: {  	_ =	shalt  }
0x3e: {  	_ =	shalt  }
0x3f: {  	_ =	shalt  }
0x40: {  	_ =	shalt  }
0x41: {  	_ =	shalt  }
0x42: {  	_ =	shalt  }
0x43: {  	_ =	shalt  }
0x44: {  	_ =	shalt  }
0x45: {  	_ =	shalt  }
0x46: {  	_ =	shalt  }
0x47: {  	_ =	shalt  }
0x48: {  	_ =	shalt  }
0x49: {  	_ =	shalt  }
0x4a: {  	_ =	shalt  }
0x4b: {  	_ =	shalt  }
0x4c: {  	_ =	shalt  }
0x4d: {  	_ =	shalt  }
0x4e: {  	_ =	shalt  }
0x4f: {  	_ =	shalt  }
0x50: {  	_ =	shalt  }
0x51: {  	_ =	shalt  }
0x52: {  	_ =	shalt  }
0x53: {  	_ =	shalt  }
0x54: {  	_ =	shalt  }
0x55: {  	_ =	shalt  }
0x56: {  	_ =	shalt  }
0x57: {  	_ =	shalt  }
0x58: {  	_ =	shalt  }
0x59: {  	_ =	shalt  }
0x5a: {  	_ =	shalt  }
0x5b: {  	_ =	shalt  }
0x5c: {  	_ =	shalt  }
0x5d: {  	_ =	shalt  }
0x5e: {  	_ =	shalt  }
0x5f: {  	_ =	shalt  }
0x60: {  	_ =	shalt  }
0x61: {  	_ =	shalt  }
0x62: {  	_ =	shalt  }
0x63: {  	_ =	shalt  }
0x64: {  	_ =	shalt  }
0x65: {  	_ =	shalt  }
0x66: {  	_ =	shalt  }
0x67: {  	_ =	shalt  }
0x68: {  	_ =	shalt  }
0x69: {  	_ =	shalt  }
0x6a: {  	_ =	shalt  }
0x6b: {  	_ =	shalt  }
0x6c: {  	_ =	shalt  }
0x6d: {  	_ =	shalt  }
0x6e: {  	_ =	shalt  }
0x6f: {  	_ =	shalt  }
0x70: {  	_ =	shalt  }
0x71: {  	_ =	shalt  }
0x72: {  	_ =	shalt  }
0x73: {  	_ =	shalt  }
0x74: {  	_ =	shalt  }
0x75: {  	_ =	shalt  }
0x76: {  	_ =	shalt  }
0x77: {  	_ =	shalt  }
0x78: {  	_ =	shalt  }
0x79: {  	_ =	shalt  }
0x7a: {  	_ =	shalt  }
0x7b: {  	_ =	shalt  }
0x7c: {  	_ =	shalt  }
0x7d: {  	_ =	shalt  }
0x7e: {  	_ =	shalt  }
0x7f: {  	_ =	shalt  }
0x80: {  	_ =	shalt  }
0x81: {  	_ =	shalt  }
0x82: {  	_ =	shalt  }
0x83: {  	_ =	shalt  }
0x84: {  	_ =	shalt  }
0x85: {  	_ =	shalt  }
0x86: {  	_ =	shalt  }
0x87: {  	_ =	shalt  }
.Lfunc_end0:
.L_simem_size_0:
called_computation.5_lowered:
.L_overlay_start_0:
0x88: {  	s2 =	sld [smem:$0x3FD9]  }
0x89: {  	s3 =	sld [smem:$0x3FFE];
	_ =	sdelay $0x1  }
0x8a: {  	s1 =	srdreg.scid  }
0x8b: {  	s0 =	sand.u32 $0x1, s1  }
0x8c: {  	s17 =	sshll.u32 s0, $0xA;
	s2 =	sadd.s32 s3, s2  }
0x8d: {  	s2 =	sadd.s32 s2, s17  }
0x8e: {  	[smem:$0x3FC1] =	sst s2  }
0x8f: {  	_ = 	snop  }
0x90: {  	s2 =	sld [smem:$0x3FD0];
	(tm) =	ssettm $0x1  }
0x91: {  	s18 =	sld [smem:$0x3FFB];
	_ =	sdelay $0x3  }
0x92: {  	_ =	strace s18  }
0x93: {  	s3 =	sld [smem:$0x3FFC];
	_ =	sdelay $0x3  }
0x94: {  	_ =	strace s3  }
0x95: {  	s3 =	sld [smem:$0x3FFD];
	_ =	sdelay $0x3  }
0x96: {  	_ =	strace s3  }
0x97: {  	_ =	strace $0x8FFFFFFF  }
0x98: {  	s19 =	sld [smem:$0x3FDB];
	_ =	sdelay $0x1  }
0x99: {  	s4 =	simm.s32 $_scs_section_size  }
0x9a: {  	s5 =	simm.s32 $_size__tile_overlayer_lowered;
	s6 =	simm.s32 $_tile_overlayer_lowered  }
0x9b: {  	s22 =	simm.s32 $0x1BFF;
	s21 =	sshll.u32 s6, $0x1;
	s3 =	sadd.s32 s4, s19  }
0x9c: {  	s7 =	simm.s32 $0x0;
	s20 =	sshll.u32 s5, $0x1;
	s5 =	sadd.s32 s21, s3  }
0x9d: {  	[timem:s7], [sflag:s22] =	dma.local [hbm:s5], s20  }
0x9e: {  	_ =	swait.ge [sflag:s22], s20  }
0x9f: {  	s4 =	ssub.s32 $0x0, s20;
	[sflag:s22] =	ssyncset.done $0x0  }
0xa0: {  	[sflag:s22] =	ssyncadd.s32 s4;
	_ =	sdelay $0x1  }
0xa1: {  	s23 =	simm.s32 $0x1B8B  }
0xa2: {  	_ =	swait.ge [sflag:s23], $0x1  }
0xa3: {  	[sflag:s23] =	ssyncset.done $0x0  }
0xa4: {  	s25 =	simm.s32 $0x1B8E;
	s24 =	sld [smem:$0x3FFE];
	[sflag:s23] =	ssyncadd.s32 $0xFFFFFFFF  }
0xa5: {  	s26 =	simm.s32 $execute0_lowered;
	[smem:$0x3FD2] =	sst s25  }
0xa6: {  	s5 =	sshll.u32 s26, $0x1;
	_ =	strace $0x80000055;
	[dreg:$0x1] =	wrdreg $0xFFFFFFFF  }
0xa7: {  	s28 =	simm.s32 $_size_execute0_lowered;
	s3 =	sadd.s32 s3, s5;
	[dreg:$0x0] =	wrdreg $0x0  }
0xa8: {  	s5 =	sshll.u32 s28, $0x1;
	[dreg:$0x2] =	wrdreg s3  }
0xa9: {  	[dreg:$0x3] =	wrdreg s5  }
0xaa: {  	[dreg:$0x4] =	wrdreg $0xC0  }
0xab: {  	_ =	task [dreg:s7], $0x5FFFF  }
0xac: {  	[dreg:$0x1] =	wrdreg $0xFFFFFFFF  }
0xad: {  	[dreg:$0x0] =	wrdreg $0x60  }
0xae: {  	[dreg:$0x2] =	wrdreg s2  }
0xaf: {  	[dreg:$0x3] =	wrdreg s24  }
0xb0: {  	[dreg:$0x4] =	wrdreg $0xA8000  }
0xb1: {  	[dreg:$0x5] =	wrdreg $0x9  }
0xb2: {  	_ =	task.clear_ibuf [dreg:s7], $0x6FFFF;
	_ =	strace $0x90000055  }
0xb3: {  	s29 =	simm.s32 $0x9;
	_ =	strace $0x80000057  }
0xb4: {  	_ =	swait.ge [sflag:s29], $0x1  }
0xb5: {  	[sflag:s29] =	ssyncadd.s32 $0xFFFFFFFF  }
0xb6: {  	_ =	strace $0x90000057  }
0xb7: {  	_ =	sfence  }
0xb8: {  	s30 =	sld [smem:$0x0];
	_ =	sdelay $0x2  }
0xb9: {  	s31 =	sshll.u32 s1, $0xD;
	s1 =	sshrl.u32 s1, $0x2  }
0xba: {  	s3 =	sand.u32 $0x4000, s31;
	s1 =	sadd.s32 s1, s30  }
0xbb: {  	s0 =	sor.u32 s3, s0;
	s1 =	sshll.u32 s1, $0x11  }
0xbc: {  	s0 =	sor.u32 s1, s0  }
0xbd: {  	s0 =	sadd.s32 $0x8F2B, s0  }
0xbe: {  	[sflag:s0] =	ssyncadd.remote.s32 $0x1  }
0xbf: {  	_ =	sfence.sel $0xFFFF  }
0xc0: {  	[dreg:$0x0] =	wrdreg $0xFFFFFFFF;
	(pc) =	sbr.abs _section_cstart, $3  }
0xc1: {  	[dreg:$0x1] =	wrdreg $0xFFFFFFFF  }
0xc2: {  	_ =	task.clear_ibuf [dreg:s7], $0x2FFFF;
	_ =	strace $0x9FFFFFFF  }
0xc3: {  	(tm) =	ssettm $0x7FFFFFFF  }
tec
execute0_lowered:
.L_overlay_start_1:
0x0: {  	(tag) =	ssettag $0x1  }
0x1: {  	s1 =	rddreg [dreg:$0x0]  }
0x2: {  	s5 =	rddreg [dreg:$0x1]  }
0x3: {  	s0 =	srdreg.scid;
	s3 =	rddreg [dreg:$0x2]  }
0x4: {  	s2 =	rddreg [dreg:$0x3];
	s7 =	sand.u32 $0x1, s0  }
0x5: {  	s0 =	stileid.u32;
	s6 =	smul.u32 $0x34000, s7  }
0x6: {  	s4 =	simm.s32 $0x0;
	s15 =	simm.s32 $0x6800;
	s8 =	smul.u32 $0x3400, s0  }
0x7: {  	s16 =	simm.s32 $0x1;
	[smem:$0x7FF] =	sst s4;
	s28 =	smul.u32 $0x13C00, s0  }
0x8: {  	s17 =	simm.s32 $0x0;
	s9 =	smul.u32 $0x13C000, s7;
	_ =	strace $0x80000056  }
0x9: {  	s29 =	ssub.s32 $0x2, s7;
	s12 =	smul.u32 $0x4F000, s0;
	p0 =	seq.s32 s7, $0x0  }
0xa: {  	s7 =	simm.s32 $0x62;
	s31 =	sshll.u32 s0, $0x6;
	s11 =	sshrl.u32 s29, $0x1  }
0xb: {  	s7 =	simm.s32 @!p0 $0x3B;
	s6 =	sadd.s32 s8, s6;
	s10 =	sshrl.u32 s28, $0x3  }
0xc: {  	s8 =	sadd.s32 s28, s9;
	s11 =	ssub.s32 s29, s11;
	s30 =	sshrl.u32 s12, $0x2  }
0xd: {  	s12 =	sor.u32 $0x1C02, s31;
	s6 =	sshrl.u32 s6, $0x3;
	s8 =	sshrl.u32 s8, $0x3  }
0xe: {  	s10 =	sadd.s32 s10, s5;
	s14 =	sadd.s32 s30, s3;
	s6 =	sadd.s32 s6, s5  }
0xf: {  	s13 =	sadd.s32 s8, s5;
	s8 =	sadd.s32 $0x1EA00, s10;
	s10 =	smax.u32 s11, $0x1  }
0x10: {  	s11 =	simm.s32 $0x2;
	s5 =	sadd.s32 $0x11A00, s6;
	s6 =	sadd.s32 $0x4A00, s6  }
0x11: {  	s9 =	sadd.s32 $0x94600, s13;
	s13 =	sshrl.u32 s14, $0x3;
	s14 =	simm.s32 $0x80  }
.LBB2_1:
0x12: {  	[tilespmem:s4], [sflag:$0x2] =	stream.linear.gather [hbm4b:s5+s4], $0x3100, $0x38;
	[tilespmem:$0x1E400] =	vst v63  }
0x13: {  	_ =	swait.ge [sflag:s11], $0x3100  }
0x14: {  	[sflag:s11] =	ssyncset.done $0x0  }
0x15: {  	s18 =	simm.s32 $0x3400;
	[sflag:s11] =	ssyncadd.s32 $0xFFFFCF00  }
0x16: {  	[tilespmem:s18], [sflag:$0x2] =	stream.linear.gather [hbm4b:s6+s4], $0x3100, $0x38;
	[tilespmem:$0x1E400] =	vst v63  }
0x17: {  	_ =	swait.ge [sflag:s11], $0x3100  }
0x18: {  	[sflag:s11] =	ssyncset.done $0x0  }
0x19: {  	[sflag:s11] =	ssyncadd.s32 $0xFFFFCF00  }
0x1a: {  	[spmem:s13], [sflag:s12] =	dma.local [hbm:s8], $0x2780  }
0x1b: {  	_ =	swait.ge [sflag:s11], $0x2780  }
0x1c: {  	[sflag:s11] =	ssyncset.done $0x0  }
0x1d: {  	[sflag:s11] =	ssyncadd.s32 $0xFFFFD880  }
0x1e: {  	[bflag:$0x0] =	sbarrier.arrive $0xFFFF  }
0x1f: {  	[tilespmem:s15], [sflag:$0x1] =	stream.indirect.gather [hbm4b:s1+s14], $0x80, s4, s14, $0xb8;
	[tilespmem:$0x1E400] =	vst v63  }
0x20: {  	p0 =	sne.s32 s7, $0x1;
	_ =	swait.ge [sflag:s16], $0x4000  }
.Ltmp0:
0x21: {  	[sflag:s16] =	ssyncset.done $0x0;
	(pc) =	sbr.rel @!p0 .LBB2_3-.Ltmp0, $4  }
0x22: {  	[sflag:s16] =	ssyncadd.s32 $0xFFFFC000  }
0x23: {  	[spmem:s3] =	stream.indirect.scatter.add.f32 [tilespmem:s15], [sflag:$0x2], $0x80, s18, s14, $0xb8;
	[tilespmem:$0x1E400] =	vst v63  }
0x24: {  	_ =	swait.ge [sflag:s11], $0x4000  }
0x25: {  	s19 =	sadd.s32 $0xFFFFFFFF, s7;
	s20 =	simm.s32 $0x0;
	[sflag:s11] =	ssyncset.done $0x0  }
.LBB2_2:
0x26: {  	[sflag:s11] =	ssyncadd.s32 $0xFFFFC000;
	s20 =	sadd.s32 $0x80, s20;
	s18 =	sadd.s32 $0x80, s18  }
0x27: {  	[tilespmem:s15], [sflag:$0x1] =	stream.indirect.gather [hbm4b:s1+s14], $0x80, s20, s14, $0xb8;
	[tilespmem:$0x1E400] =	vst v63  }
0x28: {  	p0 =	sne.s32 s19, $0x1;
	s19 =	sadd.s32 $0xFFFFFFFF, s19;
	_ =	swait.ge [sflag:s16], $0x4000  }
.Ltmp1:
0x29: {  	[sflag:s16] =	ssyncset.done $0x0;
	(pc) =	sbr.rel @p0 .LBB2_2-.Ltmp1, $4  }
0x2a: {  	[sflag:s16] =	ssyncadd.s32 $0xFFFFC000  }
0x2b: {  	[spmem:s3] =	stream.indirect.scatter.add.f32 [tilespmem:s15], [sflag:$0x2], $0x80, s18, s14, $0xb8;
	[tilespmem:$0x1E400] =	vst v63  }
0x2c: {  	_ =	swait.ge [sflag:s11], $0x4000  }
0x2d: {  	[sflag:s11] =	ssyncset.done $0x0  }
.LBB2_3:
0x2e: {  	s17 =	sadd.s32 $0x1, s17  }
0x2f: {  	[sflag:s11] =	ssyncadd.s32 $0xFFFFC000;
	p0 =	sne.s32 s17, s10  }
.Ltmp2:
0x30: {  	[bflag:$0x0] =	sbarrier.arrive $0xFFFF;
	(pc) =	sbr.rel @p0 .LBB2_1-.Ltmp2, $4  }
0x31: {  	[hbm:s9], [sflag:s12] =	dma.local [spmem:s13], $0x2780  }
0x32: {  	_ =	swait.ge [sflag:s11], $0x2780  }
0x33: {  	[sflag:s11] =	ssyncset.done $0x0  }
0x34: {  	[sflag:s11] =	ssyncadd.s32 $0xFFFFD880  }
0x35: {  	_ =	sfence.sel $0x180000  }
0x36: {  	[bflag:$0x0] =	sbarrier.arrive $0xFFFF  }
0x37: {  	p0 =	sne.s32 s0, $0x0;
	_ =	strace $0x90000056  }
0x38: {  	s0 =	sadd.s32 @!p0 $0x100000, s2;
	[bflag:$0x2] =	sbarrier.arrive $0xFFFF  }
0x39: {  	[sflag:s0] =	ssyncadd.tile.s32 @!p0 $0x1;
	_ =	shalt  }
.Lfunc_end2:
_tile_overlayer_lowered:
.L_overlay_start_2:
0x3a: {  	(tag) =	ssettag $0x2  }
0x3b: {  	s0 =	rddreg [dreg:$0x0];
	s2 =	stileid.u32  }
0x3c: {  	s1 =	rddreg [dreg:$0x1];
	p0 =	sne.s32 s2, $0x0  }
0x3d: {  	s3 =	rddreg [dreg:$0x2];
	[bflag:$0x3] =	sbarrier.arrive $0xFFFF;
	s2 =	simm.s32 @!p0 $0x1C02  }
0x3e: {  	[timem:s3], [sflag:s2] =	dma.local @!p0 [hbm:s0], s1  }
0x3f: {  	s0 =	simm.s32 @!p0 $0x2  }
0x40: {  	_ =	swait.ge @!p0 [sflag:s0], s1  }
0x41: {  	s1 =	ssub.s32 @!p0 $0x0, s1;
	[sflag:s0] =	ssyncset.done @!p0 $0x0  }
0x42: {  	[sflag:s0] =	ssyncadd.s32 @!p0 s1  }
0x43: {  	[bflag:$0x3] =	sbarrier.arrive $0xFFFF  }
0x44: {  	_ =	shalt  }

</sc_bundles>
